<compile_context>
chip_gen: v7x
topology: tpu7x:2x2x1
jax: 0.10.2.dev20260603
libtpu: 0.0.44.dev20260713+nightly
codegen_flags: <defaults>
</compile_context>

<pallas_src>
import functools

import jax
import jax.numpy as jnp
from jax import lax
from jax.experimental import pallas as pl
from jax.experimental.pallas import tpu as pltpu
from jax.experimental.pallas import tpu_sc as plsc

_B, _L = 16384, 50
_N = _B * _L
_D = 128
_DL = 16
_NT = 8

_NC, _NS = 2, 16
_NW = _NC * _NS
_TPW = _N // _NW
_C = 128
_G = _TPW // _C
_GC = 20


def _tc_stage_idx(idx_arrs):
    nr = 800

    def body(*refs):
        for t in range(_NT):
            refs[_NT + t][...] = refs[t][...]

    return pl.pallas_call(
        body,
        grid=(_N // _C // nr,),
        in_specs=[pl.BlockSpec((nr, _C), lambda i: (i, 0))] * _NT,
        out_specs=[pl.BlockSpec((nr, _C), lambda i: (i, 0))] * _NT,
        out_shape=[jax.ShapeDtypeStruct((_N // _C, _C), jnp.int32)] * _NT,
    )(*[a.reshape(_N // _C, _C) for a in idx_arrs])


def _sc_gather(idx_list, tabs):
    mesh = plsc.VectorSubcoreMesh(core_axis_name="c", subcore_axis_name="s")

    @functools.partial(
        pl.kernel,
        out_type=jax.ShapeDtypeStruct((_N, _D), jnp.float32),
        mesh=mesh,
        scratch_types=[
            pltpu.VMEM((_NT, _GC, _C), jnp.int32),
            pltpu.VMEM((_NT, _C, _DL), jnp.float32),
            pltpu.VMEM((_NT, _C, _DL), jnp.float32),
            pltpu.SemaphoreType.DMA((_NT,)),
            pltpu.SemaphoreType.DMA((_NT,)),
            pltpu.SemaphoreType.DMA((_NT,)),
        ],
        compiler_params=pltpu.CompilerParams(use_tc_tiling_on_sc=False),
    )
    def k(i0, i1, i2, i3, i4, i5, i6, i7, t0, t1, t2, t3, t4, t5, t6, t7,
          out_hbm, idx_v, rows_a, rows_b, gsem, wsem_a, wsem_b):
        idx_refs = (i0, i1, i2, i3, i4, i5, i6, i7)
        tab_refs = (t0, t1, t2, t3, t4, t5, t6, t7)
        wid = lax.axis_index("s") * _NC + lax.axis_index("c")
        wrow = wid * _G
        wbase = wid * _TPW

        def drain_writes(rows_v, wsem):
            for t in range(_NT):
                pltpu.make_async_copy(
                    rows_v.at[t],
                    out_hbm.at[pl.ds(0, _C), pl.ds(t * _DL, _DL)],
                    wsem.at[t]).wait()

        def do_chunk(j, rows_v, wsem):
            g = j // _GC
            jc = j % _GC
            for t in range(_NT):
                pltpu.async_copy(tab_refs[t].at[idx_v.at[t, jc]],
                                 rows_v.at[t], gsem.at[t])
            for t in range(_NT):
                pltpu.make_async_copy(tab_refs[t].at[idx_v.at[t, jc]],
                                      rows_v.at[t], gsem.at[t]).wait()
            base = wbase + j * _C
            for t in range(_NT):
                pltpu.async_copy(
                    rows_v.at[t],
                    out_hbm.at[pl.ds(base, _C), pl.ds(t * _DL, _DL)],
                    wsem.at[t])

        def body(i, carry):
            j = 2 * i

            @pl.when(j % _GC == 0)
            def _idx():
                g = j // _GC
                for t in range(_NT):
                    pltpu.sync_copy(
                        idx_refs[t].at[pl.ds(wrow + g * _GC, _GC)],
                        idx_v.at[t])

            @pl.when(i > 0)
            def _da():
                drain_writes(rows_a, wsem_a)

            do_chunk(j, rows_a, wsem_a)

            @pl.when(i > 0)
            def _db():
                drain_writes(rows_b, wsem_b)

            do_chunk(j + 1, rows_b, wsem_b)
            return carry

        lax.fori_loop(0, _G // 2, body, 0)
        drain_writes(rows_a, wsem_a)
        drain_writes(rows_b, wsem_b)

    return k(*idx_list, *tabs)


def _tc_fuse(combined, w, b2, g2, be2):
    nb = 256

    def body(c_ref, w_ref, b_ref, g_ref, be_ref, o_ref):
        c = c_ref[...].reshape(nb * 8, _D)
        x = lax.dot_general(c, w_ref[...], (((1,), (1,)), ((), ())),
                            preferred_element_type=jnp.float32)
        x = x + b_ref[...]
        mean = jnp.mean(x, axis=-1, keepdims=True)
        xc = x - mean
        var = jnp.mean(xc * xc, axis=-1, keepdims=True)
        xn = xc * lax.rsqrt(var + 1e-5)
        o_ref[...] = xn * g_ref[...] + be_ref[...]

    return pl.pallas_call(
        body,
        grid=(_N // (nb * 8),),
        in_specs=[
            pl.BlockSpec((nb, 8, _D), lambda i: (i, 0, 0)),
            pl.BlockSpec((_D, _D), lambda i: (0, 0)),
            pl.BlockSpec((1, _D), lambda i: (0, 0)),
            pl.BlockSpec((1, _D), lambda i: (0, 0)),
            pl.BlockSpec((1, _D), lambda i: (0, 0)),
        ],
        out_specs=pl.BlockSpec((nb * 8, _D), lambda i: (i, 0)),
        out_shape=jax.ShapeDtypeStruct((_N, _D), jnp.float32),
    )(combined.reshape(_N // 8, 8, _D), w, b2, g2, be2)


def kernel(h3_5, h3_6, h3_7, h3_8, s2_11, s2_13, s2_14, s2_15,
           tab0, tab1, tab2, tab3, tab4, tab5, tab6, tab7,
           W, b, gamma, beta):
    idx_list = _tc_stage_idx((h3_5, h3_6, h3_7, h3_8, s2_11, s2_13, s2_14,
                              s2_15))
    combined = _sc_gather(idx_list, (tab0, tab1, tab2, tab3, tab4, tab5,
                                     tab6, tab7))
    out = _tc_fuse(combined, W, b.reshape(1, _D), gamma.reshape(1, _D),
                   beta.reshape(1, _D))
    return out.reshape(_B, _L, _D)

# --- scband reference (transcript-rebuilt; emitter-appended) ---
"""Pipeline reference for scband-location-embedding-9749575762622 (READ-ONLY COPY).

The authoritative reference and input builder live on the scoring server;
editing this copy changes nothing except your own understanding.
"""

import jax, jax.numpy as jnp
import numpy as np

B, L = 16384, 50
D_MODEL = 128
D_LEVEL = D_MODEL // 8
VOCABS = [10000, 50000, 200000, 1000000, 20000, 100000, 400000, 1000000]
IDX_NAMES = ['h3_5', 'h3_6', 'h3_7', 'h3_8', 's2_11', 's2_13', 's2_14', 's2_15']


def setup_inputs(seed: int = 0) -> dict:
    key = jax.random.key(seed)
    keys = jax.random.split(key, 24)
    inp = {}
    for i, (name, v) in enumerate(zip(IDX_NAMES, VOCABS)):
        inp[name] = jax.random.randint(keys[i], (B, L), 0, v, dtype=jnp.int32)
    for i, v in enumerate(VOCABS):
        tab = jax.random.normal(keys[8 + i], (v, D_LEVEL), dtype=jnp.float32) * 0.02
        tab = tab.at[0].set(0.0)  # padding_idx=0
        inp[f'tab{i}'] = tab
    inp['W'] = jax.random.normal(keys[16], (D_MODEL, D_LEVEL * 8), dtype=jnp.float32) * (1.0 / np.sqrt(D_LEVEL * 8))
    inp['b'] = jnp.zeros((D_MODEL,), dtype=jnp.float32)
    inp['gamma'] = jnp.ones((D_MODEL,), dtype=jnp.float32)
    inp['beta'] = jnp.zeros((D_MODEL,), dtype=jnp.float32)
    return inp


def reference(h3_5, h3_6, h3_7, h3_8, s2_11, s2_13, s2_14, s2_15,
              tab0, tab1, tab2, tab3, tab4, tab5, tab6, tab7,
              W, b, gamma, beta):
    tables = [tab0, tab1, tab2, tab3, tab4, tab5, tab6, tab7]
    idxs = [h3_5, h3_6, h3_7, h3_8, s2_11, s2_13, s2_14, s2_15]
    embs = [jnp.take(t, i, axis=0) for t, i in zip(tables, idxs)]
    combined = jnp.concatenate(embs, axis=-1)  # [B, L, 128]
    x = jnp.dot(combined, W.T) + b
    mean = jnp.mean(x, axis=-1, keepdims=True)
    var = jnp.var(x, axis=-1, keepdims=True)
    xn = (x - mean) / jnp.sqrt(var + 1e-5)
    fused = xn * gamma + beta
    # dropout is identity in eval mode
    return fused

if __name__ == "__main__":
    import jax
    _d = setup_inputs()
    print(jax.jit(kernel)(*tuple(_d.values())))

</pallas_src>

<mosaic_0001>
#map = affine_map<(d0, d1) -> (0, 0)>
module attributes {stable_mosaic.version = 14 : i64} {
  func.func @k(%arg0: i32, %arg1: i32, %arg2: memref<6400x128xi32, #tpu.memory_space<hbm>>, %arg3: memref<6400x128xi32, #tpu.memory_space<hbm>>, %arg4: memref<6400x128xi32, #tpu.memory_space<hbm>>, %arg5: memref<6400x128xi32, #tpu.memory_space<hbm>>, %arg6: memref<6400x128xi32, #tpu.memory_space<hbm>>, %arg7: memref<6400x128xi32, #tpu.memory_space<hbm>>, %arg8: memref<6400x128xi32, #tpu.memory_space<hbm>>, %arg9: memref<6400x128xi32, #tpu.memory_space<hbm>>, %arg10: memref<10000x16xf32, #tpu.memory_space<hbm>>, %arg11: memref<50000x16xf32, #tpu.memory_space<hbm>>, %arg12: memref<200000x16xf32, #tpu.memory_space<hbm>>, %arg13: memref<1000000x16xf32, #tpu.memory_space<hbm>>, %arg14: memref<20000x16xf32, #tpu.memory_space<hbm>>, %arg15: memref<100000x16xf32, #tpu.memory_space<hbm>>, %arg16: memref<400000x16xf32, #tpu.memory_space<hbm>>, %arg17: memref<1000000x16xf32, #tpu.memory_space<hbm>>, %arg18: memref<819200x128xf32, #tpu.memory_space<hbm>>, %arg19: memref<8x20x128xi32, #tpu.memory_space<vmem>>, %arg20: memref<8x128x16xf32, #tpu.memory_space<vmem>>, %arg21: memref<8x128x16xf32, #tpu.memory_space<vmem>>, %arg22: memref<8x!tpu.dma_semaphore, #tpu.memory_space<semaphore_mem>>, %arg23: memref<8x!tpu.dma_semaphore, #tpu.memory_space<semaphore_mem>>, %arg24: memref<8x!tpu.dma_semaphore, #tpu.memory_space<semaphore_mem>>) attributes {dimension_semantics = [#tpu.dimension_semantics<core_parallel>, #tpu.dimension_semantics<subcore_parallel>], iteration_bounds = array<i64: 2, 16>, scalar_prefetch = 0 : i64, scratch_operands = 6 : i64, tpu.core_type = #tpu.core_type<sc_vector_subcore>, window_params = [{transform_indices = #map}, {transform_indices = #map}, {transform_indices = #map}, {transform_indices = #map}, {transform_indices = #map}, {transform_indices = #map}, {transform_indices = #map}, {transform_indices = #map}, {transform_indices = #map}, {transform_indices = #map}, {transform_indices = #map}, {transform_indices = #map}, {transform_indices = #map}, {transform_indices = #map}, {transform_indices = #map}, {transform_indices = #map}, {transform_indices = #map}]} {
    %mul3A = arith.constant 2 : i32
    %mul3A_0 = arith.muli %arg1, %mul3A : i32
    %add3A = arith.addi %mul3A_0, %arg0 : i32
    %mul3A_1 = arith.constant 200 : i32
    %mul3A_2 = arith.muli %add3A, %mul3A_1 : i32
    %mul3A_3 = arith.constant 25600 : i32
    %mul3A_4 = arith.muli %add3A, %mul3A_3 : i32
    %scan3A = arith.constant 0 : i32
    %scan3A_5 = arith.constant 0 : i32
    %scan3A_6 = arith.constant 100 : i32
    %scan3A_7 = arith.addi %scan3A_5, %scan3A_6 : i32
    %scan3A_8 = arith.constant 1 : i32
    scf.for %scan3A_297 = %scan3A_5 to %scan3A_7 step %scan3A_8  : i32 {
      %mul3A_298 = arith.constant 2 : i32
      %mul3A_299 = arith.muli %mul3A_298, %scan3A_297 : i32
      %jit3A = arith.constant 20 : i32
      %eq3A = arith.constant 0 : i32
      %eq3A_300 = arith.cmpi eq, %jit3A, %eq3A : i32
      %jit3A_301 = arith.constant 1 : i32
      %select_n3A = arith.select %eq3A_300, %jit3A_301, %jit3A : i32
      %rem3A = arith.remsi %mul3A_299, %select_n3A : i32
      %ne3A = arith.constant 0 : i32
      %ne3A_302 = arith.cmpi ne, %rem3A, %ne3A : i32
      %lt3A = arith.constant 0 : i32
      %lt3A_303 = arith.cmpi slt, %rem3A, %lt3A : i32
      %lt3A_304 = arith.constant 0 : i32
      %lt3A_305 = arith.cmpi slt, %select_n3A, %lt3A_304 : i32
      %ne3A_306 = arith.xori %lt3A_303, %lt3A_305 : i1
      %and3A = arith.andi %ne3A_306, %ne3A_302 : i1
      %add3A_307 = arith.addi %rem3A, %select_n3A : i32
      %select_n3A_308 = arith.select %and3A, %add3A_307, %rem3A : i32
      %eq3A_309 = arith.constant 0 : i32
      %eq3A_310 = arith.cmpi eq, %select_n3A_308, %eq3A_309 : i32
      %convert_element_type3A = arith.extui %eq3A_310 : i1 to i32
      %cond3A = arith.constant 0 : i32
      %cond3A_311 = arith.cmpi ne, %convert_element_type3A, %cond3A : i32
      scf.if %cond3A_311 {
        %jit3A_1141 = arith.constant 20 : i32
        %div3A_1142 = arith.divsi %mul3A_299, %jit3A_1141 : i32
        %sign3A_1143 = arith.constant 0 : i32
        %sign3A_1144 = arith.cmpi sgt, %mul3A_299, %sign3A_1143 : i32
        %sign3A_1145 = arith.extui %sign3A_1144 : i1 to i32
        %sign3A_1146 = arith.constant 0 : i32
        %sign3A_1147 = arith.cmpi slt, %mul3A_299, %sign3A_1146 : i32
        %sign3A_1148 = arith.extui %sign3A_1147 : i1 to i32
        %sign3A_1149 = arith.subi %sign3A_1145, %sign3A_1148 : i32
        %sign3A_1150 = arith.constant 0 : i32
        %sign3A_1151 = arith.cmpi sgt, %jit3A_1141, %sign3A_1150 : i32
        %sign3A_1152 = arith.extui %sign3A_1151 : i1 to i32
        %sign3A_1153 = arith.constant 0 : i32
        %sign3A_1154 = arith.cmpi slt, %jit3A_1141, %sign3A_1153 : i32
        %sign3A_1155 = arith.extui %sign3A_1154 : i1 to i32
        %sign3A_1156 = arith.subi %sign3A_1152, %sign3A_1155 : i32
        %ne3A_1157 = arith.cmpi ne, %sign3A_1149, %sign3A_1156 : i32
        %rem3A_1158 = arith.remsi %mul3A_299, %jit3A_1141 : i32
        %ne3A_1159 = arith.constant 0 : i32
        %ne3A_1160 = arith.cmpi ne, %rem3A_1158, %ne3A_1159 : i32
        %and3A_1161 = arith.andi %ne3A_1157, %ne3A_1160 : i1
        %sub3A_1162 = arith.constant 1 : i32
        %sub3A_1163 = arith.subi %div3A_1142, %sub3A_1162 : i32
        %select_n3A_1164 = arith.select %and3A_1161, %sub3A_1163, %div3A_1142 : i32
        %mul3A_1165 = arith.constant 20 : i32
        %mul3A_1166 = arith.muli %select_n3A_1164, %mul3A_1165 : i32
        %add3A_1167 = arith.addi %mul3A_2, %mul3A_1166 : i32
        %run_scoped3A = arith.constant 0 : i32
        "tpu.region"() ({
          %run_scoped3A_1196 = tpu.sem_alloc : memref<!tpu.dma_semaphore, #tpu.memory_space<semaphore_mem>>
          %dma_start3A_1197 = arith.constant 0 : i32
          %dma_start3A_1198 = arith.constant 0 : i32
          %dma_start3A_1199 = tpu.memref_slice %arg19[%run_scoped3A, %dma_start3A_1197, %dma_start3A_1198] : memref<8x20x128xi32, #tpu.memory_space<vmem>> -> memref<1x20x128xi32, #tpu.memory_space<vmem>>
          %dma_start3A_1200 = tpu.memref_squeeze %dma_start3A_1199 : memref<1x20x128xi32, #tpu.memory_space<vmem>> -> memref<20x128xi32, #tpu.memory_space<vmem>>
          %dma_start3A_1201 = arith.constant 0 : i32
          %dma_start3A_1202 = tpu.memref_slice %arg2[%add3A_1167, %dma_start3A_1201] : memref<6400x128xi32, #tpu.memory_space<hbm>> -> memref<20x128xi32, #tpu.memory_space<hbm>>
          %dma_start3A_1203 = arith.constant 0 : i32
          %dma_start3A_1204 = arith.constant 0 : i32
          %dma_start3A_1205 = tpu.memref_slice %arg19[%run_scoped3A, %dma_start3A_1203, %dma_start3A_1204] : memref<8x20x128xi32, #tpu.memory_space<vmem>> -> memref<1x20x128xi32, #tpu.memory_space<vmem>>
          %dma_start3A_1206 = tpu.memref_squeeze %dma_start3A_1205 : memref<1x20x128xi32, #tpu.memory_space<vmem>> -> memref<20x128xi32, #tpu.memory_space<vmem>>
          %dma_start3A_1207 = arith.constant 0 : i32
          %dma_start3A_1208 = tpu.memref_slice %arg2[%add3A_1167, %dma_start3A_1207] : memref<6400x128xi32, #tpu.memory_space<hbm>> -> memref<20x128xi32, #tpu.memory_space<hbm>>
          tpu.enqueue_dma source(%dma_start3A_1208 : memref<20x128xi32, #tpu.memory_space<hbm>>) target(%dma_start3A_1206 : memref<20x128xi32, #tpu.memory_space<vmem>>) target_semaphore(%run_scoped3A_1196 : memref<!tpu.dma_semaphore, #tpu.memory_space<semaphore_mem>>)
          %dma_wait3A_1209 = arith.constant 0 : i32
          %dma_wait3A_1210 = arith.constant 0 : i32
          %dma_wait3A_1211 = tpu.memref_slice %arg19[%run_scoped3A, %dma_wait3A_1209, %dma_wait3A_1210] : memref<8x20x128xi32, #tpu.memory_space<vmem>> -> memref<1x20x128xi32, #tpu.memory_space<vmem>>
          %dma_wait3A_1212 = tpu.memref_squeeze %dma_wait3A_1211 : memref<1x20x128xi32, #tpu.memory_space<vmem>> -> memref<20x128xi32, #tpu.memory_space<vmem>>
          %dma_wait3A_1213 = arith.constant 0 : i32
          %dma_wait3A_1214 = tpu.memref_slice %arg2[%add3A_1167, %dma_wait3A_1213] : memref<6400x128xi32, #tpu.memory_space<hbm>> -> memref<20x128xi32, #tpu.memory_space<hbm>>
          %dma_wait3A_1215 = arith.constant 0 : i32
          %dma_wait3A_1216 = arith.constant 0 : i32
          %dma_wait3A_1217 = tpu.memref_slice %arg19[%run_scoped3A, %dma_wait3A_1215, %dma_wait3A_1216] : memref<8x20x128xi32, #tpu.memory_space<vmem>> -> memref<1x20x128xi32, #tpu.memory_space<vmem>>
          %dma_wait3A_1218 = tpu.memref_squeeze %dma_wait3A_1217 : memref<1x20x128xi32, #tpu.memory_space<vmem>> -> memref<20x128xi32, #tpu.memory_space<vmem>>
          %dma_wait3A_1219 = arith.constant 0 : i32
          %dma_wait3A_1220 = tpu.memref_slice %arg2[%add3A_1167, %dma_wait3A_1219] : memref<6400x128xi32, #tpu.memory_space<hbm>> -> memref<20x128xi32, #tpu.memory_space<hbm>>
          tpu.wait_dma2 semaphore(%run_scoped3A_1196 : memref<!tpu.dma_semaphore, #tpu.memory_space<semaphore_mem>>) src(%dma_wait3A_1220 : memref<20x128xi32, #tpu.memory_space<hbm>>) dst(%dma_wait3A_1218 : memref<20x128xi32, #tpu.memory_space<vmem>>)
          tpu.yield
        }) : () -> ()
        %mul3A_1168 = arith.constant 20 : i32
        %mul3A_1169 = arith.muli %select_n3A_1164, %mul3A_1168 : i32
        %add3A_1170 = arith.addi %mul3A_2, %mul3A_1169 : i32
        %run_scoped3A_1171 = arith.constant 1 : i32
        "tpu.region"() ({
          %run_scoped3A_1196 = tpu.sem_alloc : memref<!tpu.dma_semaphore, #tpu.memory_space<semaphore_mem>>
          %dma_start3A_1197 = arith.constant 0 : i32
          %dma_start3A_1198 = arith.constant 0 : i32
          %dma_start3A_1199 = tpu.memref_slice %arg19[%run_scoped3A_1171, %dma_start3A_1197, %dma_start3A_1198] : memref<8x20x128xi32, #tpu.memory_space<vmem>> -> memref<1x20x128xi32, #tpu.memory_space<vmem>>
          %dma_start3A_1200 = tpu.memref_squeeze %dma_start3A_1199 : memref<1x20x128xi32, #tpu.memory_space<vmem>> -> memref<20x128xi32, #tpu.memory_space<vmem>>
          %dma_start3A_1201 = arith.constant 0 : i32
          %dma_start3A_1202 = tpu.memref_slice %arg3[%add3A_1170, %dma_start3A_1201] : memref<6400x128xi32, #tpu.memory_space<hbm>> -> memref<20x128xi32, #tpu.memory_space<hbm>>
          %dma_start3A_1203 = arith.constant 0 : i32
          %dma_start3A_1204 = arith.constant 0 : i32
          %dma_start3A_1205 = tpu.memref_slice %arg19[%run_scoped3A_1171, %dma_start3A_1203, %dma_start3A_1204] : memref<8x20x128xi32, #tpu.memory_space<vmem>> -> memref<1x20x128xi32, #tpu.memory_space<vmem>>
          %dma_start3A_1206 = tpu.memref_squeeze %dma_start3A_1205 : memref<1x20x128xi32, #tpu.memory_space<vmem>> -> memref<20x128xi32, #tpu.memory_space<vmem>>
          %dma_start3A_1207 = arith.constant 0 : i32
          %dma_start3A_1208 = tpu.memref_slice %arg3[%add3A_1170, %dma_start3A_1207] : memref<6400x128xi32, #tpu.memory_space<hbm>> -> memref<20x128xi32, #tpu.memory_space<hbm>>
          tpu.enqueue_dma source(%dma_start3A_1208 : memref<20x128xi32, #tpu.memory_space<hbm>>) target(%dma_start3A_1206 : memref<20x128xi32, #tpu.memory_space<vmem>>) target_semaphore(%run_scoped3A_1196 : memref<!tpu.dma_semaphore, #tpu.memory_space<semaphore_mem>>)
          %dma_wait3A_1209 = arith.constant 0 : i32
          %dma_wait3A_1210 = arith.constant 0 : i32
          %dma_wait3A_1211 = tpu.memref_slice %arg19[%run_scoped3A_1171, %dma_wait3A_1209, %dma_wait3A_1210] : memref<8x20x128xi32, #tpu.memory_space<vmem>> -> memref<1x20x128xi32, #tpu.memory_space<vmem>>
          %dma_wait3A_1212 = tpu.memref_squeeze %dma_wait3A_1211 : memref<1x20x128xi32, #tpu.memory_space<vmem>> -> memref<20x128xi32, #tpu.memory_space<vmem>>
          %dma_wait3A_1213 = arith.constant 0 : i32
          %dma_wait3A_1214 = tpu.memref_slice %arg3[%add3A_1170, %dma_wait3A_1213] : memref<6400x128xi32, #tpu.memory_space<hbm>> -> memref<20x128xi32, #tpu.memory_space<hbm>>
          %dma_wait3A_1215 = arith.constant 0 : i32
          %dma_wait3A_1216 = arith.constant 0 : i32
          %dma_wait3A_1217 = tpu.memref_slice %arg19[%run_scoped3A_1171, %dma_wait3A_1215, %dma_wait3A_1216] : memref<8x20x128xi32, #tpu.memory_space<vmem>> -> memref<1x20x128xi32, #tpu.memory_space<vmem>>
          %dma_wait3A_1218 = tpu.memref_squeeze %dma_wait3A_1217 : memref<1x20x128xi32, #tpu.memory_space<vmem>> -> memref<20x128xi32, #tpu.memory_space<vmem>>
          %dma_wait3A_1219 = arith.constant 0 : i32
          %dma_wait3A_1220 = tpu.memref_slice %arg3[%add3A_1170, %dma_wait3A_1219] : memref<6400x128xi32, #tpu.memory_space<hbm>> -> memref<20x128xi32, #tpu.memory_space<hbm>>
          tpu.wait_dma2 semaphore(%run_scoped3A_1196 : memref<!tpu.dma_semaphore, #tpu.memory_space<semaphore_mem>>) src(%dma_wait3A_1220 : memref<20x128xi32, #tpu.memory_space<hbm>>) dst(%dma_wait3A_1218 : memref<20x128xi32, #tpu.memory_space<vmem>>)
          tpu.yield
        }) : () -> ()
        %mul3A_1172 = arith.constant 20 : i32
        %mul3A_1173 = arith.muli %select_n3A_1164, %mul3A_1172 : i32
        %add3A_1174 = arith.addi %mul3A_2, %mul3A_1173 : i32
        %run_scoped3A_1175 = arith.constant 2 : i32
        "tpu.region"() ({
          %run_scoped3A_1196 = tpu.sem_alloc : memref<!tpu.dma_semaphore, #tpu.memory_space<semaphore_mem>>
          %dma_start3A_1197 = arith.constant 0 : i32
          %dma_start3A_1198 = arith.constant 0 : i32
          %dma_start3A_1199 = tpu.memref_slice %arg19[%run_scoped3A_1175, %dma_start3A_1197, %dma_start3A_1198] : memref<8x20x128xi32, #tpu.memory_space<vmem>> -> memref<1x20x128xi32, #tpu.memory_space<vmem>>
          %dma_start3A_1200 = tpu.memref_squeeze %dma_start3A_1199 : memref<1x20x128xi32, #tpu.memory_space<vmem>> -> memref<20x128xi32, #tpu.memory_space<vmem>>
          %dma_start3A_1201 = arith.constant 0 : i32
          %dma_start3A_1202 = tpu.memref_slice %arg4[%add3A_1174, %dma_start3A_1201] : memref<6400x128xi32, #tpu.memory_space<hbm>> -> memref<20x128xi32, #tpu.memory_space<hbm>>
          %dma_start3A_1203 = arith.constant 0 : i32
          %dma_start3A_1204 = arith.constant 0 : i32
          %dma_start3A_1205 = tpu.memref_slice %arg19[%run_scoped3A_1175, %dma_start3A_1203, %dma_start3A_1204] : memref<8x20x128xi32, #tpu.memory_space<vmem>> -> memref<1x20x128xi32, #tpu.memory_space<vmem>>
          %dma_start3A_1206 = tpu.memref_squeeze %dma_start3A_1205 : memref<1x20x128xi32, #tpu.memory_space<vmem>> -> memref<20x128xi32, #tpu.memory_space<vmem>>
          %dma_start3A_1207 = arith.constant 0 : i32
          %dma_start3A_1208 = tpu.memref_slice %arg4[%add3A_1174, %dma_start3A_1207] : memref<6400x128xi32, #tpu.memory_space<hbm>> -> memref<20x128xi32, #tpu.memory_space<hbm>>
          tpu.enqueue_dma source(%dma_start3A_1208 : memref<20x128xi32, #tpu.memory_space<hbm>>) target(%dma_start3A_1206 : memref<20x128xi32, #tpu.memory_space<vmem>>) target_semaphore(%run_scoped3A_1196 : memref<!tpu.dma_semaphore, #tpu.memory_space<semaphore_mem>>)
          %dma_wait3A_1209 = arith.constant 0 : i32
          %dma_wait3A_1210 = arith.constant 0 : i32
          %dma_wait3A_1211 = tpu.memref_slice %arg19[%run_scoped3A_1175, %dma_wait3A_1209, %dma_wait3A_1210] : memref<8x20x128xi32, #tpu.memory_space<vmem>> -> memref<1x20x128xi32, #tpu.memory_space<vmem>>
          %dma_wait3A_1212 = tpu.memref_squeeze %dma_wait3A_1211 : memref<1x20x128xi32, #tpu.memory_space<vmem>> -> memref<20x128xi32, #tpu.memory_space<vmem>>
          %dma_wait3A_1213 = arith.constant 0 : i32
          %dma_wait3A_1214 = tpu.memref_slice %arg4[%add3A_1174, %dma_wait3A_1213] : memref<6400x128xi32, #tpu.memory_space<hbm>> -> memref<20x128xi32, #tpu.memory_space<hbm>>
          %dma_wait3A_1215 = arith.constant 0 : i32
          %dma_wait3A_1216 = arith.constant 0 : i32
          %dma_wait3A_1217 = tpu.memref_slice %arg19[%run_scoped3A_1175, %dma_wait3A_1215, %dma_wait3A_1216] : memref<8x20x128xi32, #tpu.memory_space<vmem>> -> memref<1x20x128xi32, #tpu.memory_space<vmem>>
          %dma_wait3A_1218 = tpu.memref_squeeze %dma_wait3A_1217 : memref<1x20x128xi32, #tpu.memory_space<vmem>> -> memref<20x128xi32, #tpu.memory_space<vmem>>
          %dma_wait3A_1219 = arith.constant 0 : i32
          %dma_wait3A_1220 = tpu.memref_slice %arg4[%add3A_1174, %dma_wait3A_1219] : memref<6400x128xi32, #tpu.memory_space<hbm>> -> memref<20x128xi32, #tpu.memory_space<hbm>>
          tpu.wait_dma2 semaphore(%run_scoped3A_1196 : memref<!tpu.dma_semaphore, #tpu.memory_space<semaphore_mem>>) src(%dma_wait3A_1220 : memref<20x128xi32, #tpu.memory_space<hbm>>) dst(%dma_wait3A_1218 : memref<20x128xi32, #tpu.memory_space<vmem>>)
          tpu.yield
        }) : () -> ()
        %mul3A_1176 = arith.constant 20 : i32
        %mul3A_1177 = arith.muli %select_n3A_1164, %mul3A_1176 : i32
        %add3A_1178 = arith.addi %mul3A_2, %mul3A_1177 : i32
        %run_scoped3A_1179 = arith.constant 3 : i32
        "tpu.region"() ({
          %run_scoped3A_1196 = tpu.sem_alloc : memref<!tpu.dma_semaphore, #tpu.memory_space<semaphore_mem>>
          %dma_start3A_1197 = arith.constant 0 : i32
          %dma_start3A_1198 = arith.constant 0 : i32
          %dma_start3A_1199 = tpu.memref_slice %arg19[%run_scoped3A_1179, %dma_start3A_1197, %dma_start3A_1198] : memref<8x20x128xi32, #tpu.memory_space<vmem>> -> memref<1x20x128xi32, #tpu.memory_space<vmem>>
          %dma_start3A_1200 = tpu.memref_squeeze %dma_start3A_1199 : memref<1x20x128xi32, #tpu.memory_space<vmem>> -> memref<20x128xi32, #tpu.memory_space<vmem>>
          %dma_start3A_1201 = arith.constant 0 : i32
          %dma_start3A_1202 = tpu.memref_slice %arg5[%add3A_1178, %dma_start3A_1201] : memref<6400x128xi32, #tpu.memory_space<hbm>> -> memref<20x128xi32, #tpu.memory_space<hbm>>
          %dma_start3A_1203 = arith.constant 0 : i32
          %dma_start3A_1204 = arith.constant 0 : i32
          %dma_start3A_1205 = tpu.memref_slice %arg19[%run_scoped3A_1179, %dma_start3A_1203, %dma_start3A_1204] : memref<8x20x128xi32, #tpu.memory_space<vmem>> -> memref<1x20x128xi32, #tpu.memory_space<vmem>>
          %dma_start3A_1206 = tpu.memref_squeeze %dma_start3A_1205 : memref<1x20x128xi32, #tpu.memory_space<vmem>> -> memref<20x128xi32, #tpu.memory_space<vmem>>
          %dma_start3A_1207 = arith.constant 0 : i32
          %dma_start3A_1208 = tpu.memref_slice %arg5[%add3A_1178, %dma_start3A_1207] : memref<6400x128xi32, #tpu.memory_space<hbm>> -> memref<20x128xi32, #tpu.memory_space<hbm>>
          tpu.enqueue_dma source(%dma_start3A_1208 : memref<20x128xi32, #tpu.memory_space<hbm>>) target(%dma_start3A_1206 : memref<20x128xi32, #tpu.memory_space<vmem>>) target_semaphore(%run_scoped3A_1196 : memref<!tpu.dma_semaphore, #tpu.memory_space<semaphore_mem>>)
          %dma_wait3A_1209 = arith.constant 0 : i32
          %dma_wait3A_1210 = arith.constant 0 : i32
          %dma_wait3A_1211 = tpu.memref_slice %arg19[%run_scoped3A_1179, %dma_wait3A_1209, %dma_wait3A_1210] : memref<8x20x128xi32, #tpu.memory_space<vmem>> -> memref<1x20x128xi32, #tpu.memory_space<vmem>>
          %dma_wait3A_1212 = tpu.memref_squeeze %dma_wait3A_1211 : memref<1x20x128xi32, #tpu.memory_space<vmem>> -> memref<20x128xi32, #tpu.memory_space<vmem>>
          %dma_wait3A_1213 = arith.constant 0 : i32
          %dma_wait3A_1214 = tpu.memref_slice %arg5[%add3A_1178, %dma_wait3A_1213] : memref<6400x128xi32, #tpu.memory_space<hbm>> -> memref<20x128xi32, #tpu.memory_space<hbm>>
          %dma_wait3A_1215 = arith.constant 0 : i32
          %dma_wait3A_1216 = arith.constant 0 : i32
          %dma_wait3A_1217 = tpu.memref_slice %arg19[%run_scoped3A_1179, %dma_wait3A_1215, %dma_wait3A_1216] : memref<8x20x128xi32, #tpu.memory_space<vmem>> -> memref<1x20x128xi32, #tpu.memory_space<vmem>>
          %dma_wait3A_1218 = tpu.memref_squeeze %dma_wait3A_1217 : memref<1x20x128xi32, #tpu.memory_space<vmem>> -> memref<20x128xi32, #tpu.memory_space<vmem>>
          %dma_wait3A_1219 = arith.constant 0 : i32
          %dma_wait3A_1220 = tpu.memref_slice %arg5[%add3A_1178, %dma_wait3A_1219] : memref<6400x128xi32, #tpu.memory_space<hbm>> -> memref<20x128xi32, #tpu.memory_space<hbm>>
          tpu.wait_dma2 semaphore(%run_scoped3A_1196 : memref<!tpu.dma_semaphore, #tpu.memory_space<semaphore_mem>>) src(%dma_wait3A_1220 : memref<20x128xi32, #tpu.memory_space<hbm>>) dst(%dma_wait3A_1218 : memref<20x128xi32, #tpu.memory_space<vmem>>)
          tpu.yield
        }) : () -> ()
        %mul3A_1180 = arith.constant 20 : i32
        %mul3A_1181 = arith.muli %select_n3A_1164, %mul3A_1180 : i32
        %add3A_1182 = arith.addi %mul3A_2, %mul3A_1181 : i32
        %run_scoped3A_1183 = arith.constant 4 : i32
        "tpu.region"() ({
          %run_scoped3A_1196 = tpu.sem_alloc : memref<!tpu.dma_semaphore, #tpu.memory_space<semaphore_mem>>
          %dma_start3A_1197 = arith.constant 0 : i32
          %dma_start3A_1198 = arith.constant 0 : i32
          %dma_start3A_1199 = tpu.memref_slice %arg19[%run_scoped3A_1183, %dma_start3A_1197, %dma_start3A_1198] : memref<8x20x128xi32, #tpu.memory_space<vmem>> -> memref<1x20x128xi32, #tpu.memory_space<vmem>>
          %dma_start3A_1200 = tpu.memref_squeeze %dma_start3A_1199 : memref<1x20x128xi32, #tpu.memory_space<vmem>> -> memref<20x128xi32, #tpu.memory_space<vmem>>
          %dma_start3A_1201 = arith.constant 0 : i32
          %dma_start3A_1202 = tpu.memref_slice %arg6[%add3A_1182, %dma_start3A_1201] : memref<6400x128xi32, #tpu.memory_space<hbm>> -> memref<20x128xi32, #tpu.memory_space<hbm>>
          %dma_start3A_1203 = arith.constant 0 : i32
          %dma_start3A_1204 = arith.constant 0 : i32
          %dma_start3A_1205 = tpu.memref_slice %arg19[%run_scoped3A_1183, %dma_start3A_1203, %dma_start3A_1204] : memref<8x20x128xi32, #tpu.memory_space<vmem>> -> memref<1x20x128xi32, #tpu.memory_space<vmem>>
          %dma_start3A_1206 = tpu.memref_squeeze %dma_start3A_1205 : memref<1x20x128xi32, #tpu.memory_space<vmem>> -> memref<20x128xi32, #tpu.memory_space<vmem>>
          %dma_start3A_1207 = arith.constant 0 : i32
          %dma_start3A_1208 = tpu.memref_slice %arg6[%add3A_1182, %dma_start3A_1207] : memref<6400x128xi32, #tpu.memory_space<hbm>> -> memref<20x128xi32, #tpu.memory_space<hbm>>
          tpu.enqueue_dma source(%dma_start3A_1208 : memref<20x128xi32, #tpu.memory_space<hbm>>) target(%dma_start3A_1206 : memref<20x128xi32, #tpu.memory_space<vmem>>) target_semaphore(%run_scoped3A_1196 : memref<!tpu.dma_semaphore, #tpu.memory_space<semaphore_mem>>)
          %dma_wait3A_1209 = arith.constant 0 : i32
          %dma_wait3A_1210 = arith.constant 0 : i32
          %dma_wait3A_1211 = tpu.memref_slice %arg19[%run_scoped3A_1183, %dma_wait3A_1209, %dma_wait3A_1210] : memref<8x20x128xi32, #tpu.memory_space<vmem>> -> memref<1x20x128xi32, #tpu.memory_space<vmem>>
          %dma_wait3A_1212 = tpu.memref_squeeze %dma_wait3A_1211 : memref<1x20x128xi32, #tpu.memory_space<vmem>> -> memref<20x128xi32, #tpu.memory_space<vmem>>
          %dma_wait3A_1213 = arith.constant 0 : i32
          %dma_wait3A_1214 = tpu.memref_slice %arg6[%add3A_1182, %dma_wait3A_1213] : memref<6400x128xi32, #tpu.memory_space<hbm>> -> memref<20x128xi32, #tpu.memory_space<hbm>>
          %dma_wait3A_1215 = arith.constant 0 : i32
          %dma_wait3A_1216 = arith.constant 0 : i32
          %dma_wait3A_1217 = tpu.memref_slice %arg19[%run_scoped3A_1183, %dma_wait3A_1215, %dma_wait3A_1216] : memref<8x20x128xi32, #tpu.memory_space<vmem>> -> memref<1x20x128xi32, #tpu.memory_space<vmem>>
          %dma_wait3A_1218 = tpu.memref_squeeze %dma_wait3A_1217 : memref<1x20x128xi32, #tpu.memory_space<vmem>> -> memref<20x128xi32, #tpu.memory_space<vmem>>
          %dma_wait3A_1219 = arith.constant 0 : i32
          %dma_wait3A_1220 = tpu.memref_slice %arg6[%add3A_1182, %dma_wait3A_1219] : memref<6400x128xi32, #tpu.memory_space<hbm>> -> memref<20x128xi32, #tpu.memory_space<hbm>>
          tpu.wait_dma2 semaphore(%run_scoped3A_1196 : memref<!tpu.dma_semaphore, #tpu.memory_space<semaphore_mem>>) src(%dma_wait3A_1220 : memref<20x128xi32, #tpu.memory_space<hbm>>) dst(%dma_wait3A_1218 : memref<20x128xi32, #tpu.memory_space<vmem>>)
          tpu.yield
        }) : () -> ()
        %mul3A_1184 = arith.constant 20 : i32
        %mul3A_1185 = arith.muli %select_n3A_1164, %mul3A_1184 : i32
        %add3A_1186 = arith.addi %mul3A_2, %mul3A_1185 : i32
        %run_scoped3A_1187 = arith.constant 5 : i32
        "tpu.region"() ({
          %run_scoped3A_1196 = tpu.sem_alloc : memref<!tpu.dma_semaphore, #tpu.memory_space<semaphore_mem>>
          %dma_start3A_1197 = arith.constant 0 : i32
          %dma_start3A_1198 = arith.constant 0 : i32
          %dma_start3A_1199 = tpu.memref_slice %arg19[%run_scoped3A_1187, %dma_start3A_1197, %dma_start3A_1198] : memref<8x20x128xi32, #tpu.memory_space<vmem>> -> memref<1x20x128xi32, #tpu.memory_space<vmem>>
          %dma_start3A_1200 = tpu.memref_squeeze %dma_start3A_1199 : memref<1x20x128xi32, #tpu.memory_space<vmem>> -> memref<20x128xi32, #tpu.memory_space<vmem>>
          %dma_start3A_1201 = arith.constant 0 : i32
          %dma_start3A_1202 = tpu.memref_slice %arg7[%add3A_1186, %dma_start3A_1201] : memref<6400x128xi32, #tpu.memory_space<hbm>> -> memref<20x128xi32, #tpu.memory_space<hbm>>
          %dma_start3A_1203 = arith.constant 0 : i32
          %dma_start3A_1204 = arith.constant 0 : i32
          %dma_start3A_1205 = tpu.memref_slice %arg19[%run_scoped3A_1187, %dma_start3A_1203, %dma_start3A_1204] : memref<8x20x128xi32, #tpu.memory_space<vmem>> -> memref<1x20x128xi32, #tpu.memory_space<vmem>>
          %dma_start3A_1206 = tpu.memref_squeeze %dma_start3A_1205 : memref<1x20x128xi32, #tpu.memory_space<vmem>> -> memref<20x128xi32, #tpu.memory_space<vmem>>
          %dma_start3A_1207 = arith.constant 0 : i32
          %dma_start3A_1208 = tpu.memref_slice %arg7[%add3A_1186, %dma_start3A_1207] : memref<6400x128xi32, #tpu.memory_space<hbm>> -> memref<20x128xi32, #tpu.memory_space<hbm>>
          tpu.enqueue_dma source(%dma_start3A_1208 : memref<20x128xi32, #tpu.memory_space<hbm>>) target(%dma_start3A_1206 : memref<20x128xi32, #tpu.memory_space<vmem>>) target_semaphore(%run_scoped3A_1196 : memref<!tpu.dma_semaphore, #tpu.memory_space<semaphore_mem>>)
          %dma_wait3A_1209 = arith.constant 0 : i32
          %dma_wait3A_1210 = arith.constant 0 : i32
          %dma_wait3A_1211 = tpu.memref_slice %arg19[%run_scoped3A_1187, %dma_wait3A_1209, %dma_wait3A_1210] : memref<8x20x128xi32, #tpu.memory_space<vmem>> -> memref<1x20x128xi32, #tpu.memory_space<vmem>>
          %dma_wait3A_1212 = tpu.memref_squeeze %dma_wait3A_1211 : memref<1x20x128xi32, #tpu.memory_space<vmem>> -> memref<20x128xi32, #tpu.memory_space<vmem>>
          %dma_wait3A_1213 = arith.constant 0 : i32
          %dma_wait3A_1214 = tpu.memref_slice %arg7[%add3A_1186, %dma_wait3A_1213] : memref<6400x128xi32, #tpu.memory_space<hbm>> -> memref<20x128xi32, #tpu.memory_space<hbm>>
          %dma_wait3A_1215 = arith.constant 0 : i32
          %dma_wait3A_1216 = arith.constant 0 : i32
          %dma_wait3A_1217 = tpu.memref_slice %arg19[%run_scoped3A_1187, %dma_wait3A_1215, %dma_wait3A_1216] : memref<8x20x128xi32, #tpu.memory_space<vmem>> -> memref<1x20x128xi32, #tpu.memory_space<vmem>>
          %dma_wait3A_1218 = tpu.memref_squeeze %dma_wait3A_1217 : memref<1x20x128xi32, #tpu.memory_space<vmem>> -> memref<20x128xi32, #tpu.memory_space<vmem>>
          %dma_wait3A_1219 = arith.constant 0 : i32
          %dma_wait3A_1220 = tpu.memref_slice %arg7[%add3A_1186, %dma_wait3A_1219] : memref<6400x128xi32, #tpu.memory_space<hbm>> -> memref<20x128xi32, #tpu.memory_space<hbm>>
          tpu.wait_dma2 semaphore(%run_scoped3A_1196 : memref<!tpu.dma_semaphore, #tpu.memory_space<semaphore_mem>>) src(%dma_wait3A_1220 : memref<20x128xi32, #tpu.memory_space<hbm>>) dst(%dma_wait3A_1218 : memref<20x128xi32, #tpu.memory_space<vmem>>)
          tpu.yield
        }) : () -> ()
        %mul3A_1188 = arith.constant 20 : i32
        %mul3A_1189 = arith.muli %select_n3A_1164, %mul3A_1188 : i32
        %add3A_1190 = arith.addi %mul3A_2, %mul3A_1189 : i32
        %run_scoped3A_1191 = arith.constant 6 : i32
        "tpu.region"() ({
          %run_scoped3A_1196 = tpu.sem_alloc : memref<!tpu.dma_semaphore, #tpu.memory_space<semaphore_mem>>
          %dma_start3A_1197 = arith.constant 0 : i32
          %dma_start3A_1198 = arith.constant 0 : i32
          %dma_start3A_1199 = tpu.memref_slice %arg19[%run_scoped3A_1191, %dma_start3A_1197, %dma_start3A_1198] : memref<8x20x128xi32, #tpu.memory_space<vmem>> -> memref<1x20x128xi32, #tpu.memory_space<vmem>>
          %dma_start3A_1200 = tpu.memref_squeeze %dma_start3A_1199 : memref<1x20x128xi32, #tpu.memory_space<vmem>> -> memref<20x128xi32, #tpu.memory_space<vmem>>
          %dma_start3A_1201 = arith.constant 0 : i32
          %dma_start3A_1202 = tpu.memref_slice %arg8[%add3A_1190, %dma_start3A_1201] : memref<6400x128xi32, #tpu.memory_space<hbm>> -> memref<20x128xi32, #tpu.memory_space<hbm>>
          %dma_start3A_1203 = arith.constant 0 : i32
          %dma_start3A_1204 = arith.constant 0 : i32
          %dma_start3A_1205 = tpu.memref_slice %arg19[%run_scoped3A_1191, %dma_start3A_1203, %dma_start3A_1204] : memref<8x20x128xi32, #tpu.memory_space<vmem>> -> memref<1x20x128xi32, #tpu.memory_space<vmem>>
          %dma_start3A_1206 = tpu.memref_squeeze %dma_start3A_1205 : memref<1x20x128xi32, #tpu.memory_space<vmem>> -> memref<20x128xi32, #tpu.memory_space<vmem>>
          %dma_start3A_1207 = arith.constant 0 : i32
          %dma_start3A_1208 = tpu.memref_slice %arg8[%add3A_1190, %dma_start3A_1207] : memref<6400x128xi32, #tpu.memory_space<hbm>> -> memref<20x128xi32, #tpu.memory_space<hbm>>
          tpu.enqueue_dma source(%dma_start3A_1208 : memref<20x128xi32, #tpu.memory_space<hbm>>) target(%dma_start3A_1206 : memref<20x128xi32, #tpu.memory_space<vmem>>) target_semaphore(%run_scoped3A_1196 : memref<!tpu.dma_semaphore, #tpu.memory_space<semaphore_mem>>)
          %dma_wait3A_1209 = arith.constant 0 : i32
          %dma_wait3A_1210 = arith.constant 0 : i32
          %dma_wait3A_1211 = tpu.memref_slice %arg19[%run_scoped3A_1191, %dma_wait3A_1209, %dma_wait3A_1210] : memref<8x20x128xi32, #tpu.memory_space<vmem>> -> memref<1x20x128xi32, #tpu.memory_space<vmem>>
          %dma_wait3A_1212 = tpu.memref_squeeze %dma_wait3A_1211 : memref<1x20x128xi32, #tpu.memory_space<vmem>> -> memref<20x128xi32, #tpu.memory_space<vmem>>
          %dma_wait3A_1213 = arith.constant 0 : i32
          %dma_wait3A_1214 = tpu.memref_slice %arg8[%add3A_1190, %dma_wait3A_1213] : memref<6400x128xi32, #tpu.memory_space<hbm>> -> memref<20x128xi32, #tpu.memory_space<hbm>>
          %dma_wait3A_1215 = arith.constant 0 : i32
          %dma_wait3A_1216 = arith.constant 0 : i32
          %dma_wait3A_1217 = tpu.memref_slice %arg19[%run_scoped3A_1191, %dma_wait3A_1215, %dma_wait3A_1216] : memref<8x20x128xi32, #tpu.memory_space<vmem>> -> memref<1x20x128xi32, #tpu.memory_space<vmem>>
          %dma_wait3A_1218 = tpu.memref_squeeze %dma_wait3A_1217 : memref<1x20x128xi32, #tpu.memory_space<vmem>> -> memref<20x128xi32, #tpu.memory_space<vmem>>
          %dma_wait3A_1219 = arith.constant 0 : i32
          %dma_wait3A_1220 = tpu.memref_slice %arg8[%add3A_1190, %dma_wait3A_1219] : memref<6400x128xi32, #tpu.memory_space<hbm>> -> memref<20x128xi32, #tpu.memory_space<hbm>>
          tpu.wait_dma2 semaphore(%run_scoped3A_1196 : memref<!tpu.dma_semaphore, #tpu.memory_space<semaphore_mem>>) src(%dma_wait3A_1220 : memref<20x128xi32, #tpu.memory_space<hbm>>) dst(%dma_wait3A_1218 : memref<20x128xi32, #tpu.memory_space<vmem>>)
          tpu.yield
        }) : () -> ()
        %mul3A_1192 = arith.constant 20 : i32
        %mul3A_1193 = arith.muli %select_n3A_1164, %mul3A_1192 : i32
        %add3A_1194 = arith.addi %mul3A_2, %mul3A_1193 : i32
        %run_scoped3A_1195 = arith.constant 7 : i32
        "tpu.region"() ({
          %run_scoped3A_1196 = tpu.sem_alloc : memref<!tpu.dma_semaphore, #tpu.memory_space<semaphore_mem>>
          %dma_start3A_1197 = arith.constant 0 : i32
          %dma_start3A_1198 = arith.constant 0 : i32
          %dma_start3A_1199 = tpu.memref_slice %arg19[%run_scoped3A_1195, %dma_start3A_1197, %dma_start3A_1198] : memref<8x20x128xi32, #tpu.memory_space<vmem>> -> memref<1x20x128xi32, #tpu.memory_space<vmem>>
          %dma_start3A_1200 = tpu.memref_squeeze %dma_start3A_1199 : memref<1x20x128xi32, #tpu.memory_space<vmem>> -> memref<20x128xi32, #tpu.memory_space<vmem>>
          %dma_start3A_1201 = arith.constant 0 : i32
          %dma_start3A_1202 = tpu.memref_slice %arg9[%add3A_1194, %dma_start3A_1201] : memref<6400x128xi32, #tpu.memory_space<hbm>> -> memref<20x128xi32, #tpu.memory_space<hbm>>
          %dma_start3A_1203 = arith.constant 0 : i32
          %dma_start3A_1204 = arith.constant 0 : i32
          %dma_start3A_1205 = tpu.memref_slice %arg19[%run_scoped3A_1195, %dma_start3A_1203, %dma_start3A_1204] : memref<8x20x128xi32, #tpu.memory_space<vmem>> -> memref<1x20x128xi32, #tpu.memory_space<vmem>>
          %dma_start3A_1206 = tpu.memref_squeeze %dma_start3A_1205 : memref<1x20x128xi32, #tpu.memory_space<vmem>> -> memref<20x128xi32, #tpu.memory_space<vmem>>
          %dma_start3A_1207 = arith.constant 0 : i32
          %dma_start3A_1208 = tpu.memref_slice %arg9[%add3A_1194, %dma_start3A_1207] : memref<6400x128xi32, #tpu.memory_space<hbm>> -> memref<20x128xi32, #tpu.memory_space<hbm>>
          tpu.enqueue_dma source(%dma_start3A_1208 : memref<20x128xi32, #tpu.memory_space<hbm>>) target(%dma_start3A_1206 : memref<20x128xi32, #tpu.memory_space<vmem>>) target_semaphore(%run_scoped3A_1196 : memref<!tpu.dma_semaphore, #tpu.memory_space<semaphore_mem>>)
          %dma_wait3A_1209 = arith.constant 0 : i32
          %dma_wait3A_1210 = arith.constant 0 : i32
          %dma_wait3A_1211 = tpu.memref_slice %arg19[%run_scoped3A_1195, %dma_wait3A_1209, %dma_wait3A_1210] : memref<8x20x128xi32, #tpu.memory_space<vmem>> -> memref<1x20x128xi32, #tpu.memory_space<vmem>>
          %dma_wait3A_1212 = tpu.memref_squeeze %dma_wait3A_1211 : memref<1x20x128xi32, #tpu.memory_space<vmem>> -> memref<20x128xi32, #tpu.memory_space<vmem>>
          %dma_wait3A_1213 = arith.constant 0 : i32
          %dma_wait3A_1214 = tpu.memref_slice %arg9[%add3A_1194, %dma_wait3A_1213] : memref<6400x128xi32, #tpu.memory_space<hbm>> -> memref<20x128xi32, #tpu.memory_space<hbm>>
          %dma_wait3A_1215 = arith.constant 0 : i32
          %dma_wait3A_1216 = arith.constant 0 : i32
          %dma_wait3A_1217 = tpu.memref_slice %arg19[%run_scoped3A_1195, %dma_wait3A_1215, %dma_wait3A_1216] : memref<8x20x128xi32, #tpu.memory_space<vmem>> -> memref<1x20x128xi32, #tpu.memory_space<vmem>>
          %dma_wait3A_1218 = tpu.memref_squeeze %dma_wait3A_1217 : memref<1x20x128xi32, #tpu.memory_space<vmem>> -> memref<20x128xi32, #tpu.memory_space<vmem>>
          %dma_wait3A_1219 = arith.constant 0 : i32
          %dma_wait3A_1220 = tpu.memref_slice %arg9[%add3A_1194, %dma_wait3A_1219] : memref<6400x128xi32, #tpu.memory_space<hbm>> -> memref<20x128xi32, #tpu.memory_space<hbm>>
          tpu.wait_dma2 semaphore(%run_scoped3A_1196 : memref<!tpu.dma_semaphore, #tpu.memory_space<semaphore_mem>>) src(%dma_wait3A_1220 : memref<20x128xi32, #tpu.memory_space<hbm>>) dst(%dma_wait3A_1218 : memref<20x128xi32, #tpu.memory_space<vmem>>)
          tpu.yield
        }) : () -> ()
      } else {
      }
      %gt3A = arith.constant 0 : i32
      %gt3A_312 = arith.cmpi sgt, %scan3A_297, %gt3A : i32
      %convert_element_type3A_313 = arith.extui %gt3A_312 : i1 to i32
      %cond3A_314 = arith.constant 0 : i32
      %cond3A_315 = arith.cmpi ne, %convert_element_type3A_313, %cond3A_314 : i32
      scf.if %cond3A_315 {
        %dma_wait3A_1141 = arith.constant 0 : i32
        %dma_wait3A_1142 = arith.constant 0 : i32
        %dma_wait3A_1143 = arith.constant 0 : i32
        %dma_wait3A_1144 = arith.constant 0 : i32
        %dma_wait3A_1145 = tpu.memref_slice %arg20[%dma_wait3A_1141, %dma_wait3A_1143, %dma_wait3A_1144] : memref<8x128x16xf32, #tpu.memory_space<vmem>> -> memref<1x128x16xf32, #tpu.memory_space<vmem>>
        %dma_wait3A_1146 = tpu.memref_squeeze %dma_wait3A_1145 : memref<1x128x16xf32, #tpu.memory_space<vmem>> -> memref<128x16xf32, #tpu.memory_space<vmem>>
        %dma_wait3A_1147 = arith.constant 0 : i32
        %dma_wait3A_1148 = arith.constant 0 : i32
        %dma_wait3A_1149 = tpu.memref_slice %arg18[%dma_wait3A_1147, %dma_wait3A_1148] : memref<819200x128xf32, #tpu.memory_space<hbm>> -> memref<128x16xf32, #tpu.memory_space<hbm>>
        %dma_wait3A_1150 = tpu.memref_slice %arg23[%dma_wait3A_1142] : memref<8x!tpu.dma_semaphore, #tpu.memory_space<semaphore_mem>> -> memref<1x!tpu.dma_semaphore, #tpu.memory_space<semaphore_mem>>
        %dma_wait3A_1151 = tpu.memref_squeeze %dma_wait3A_1150 : memref<1x!tpu.dma_semaphore, #tpu.memory_space<semaphore_mem>> -> memref<!tpu.dma_semaphore, #tpu.memory_space<semaphore_mem>>
        %dma_wait3A_1152 = arith.constant 0 : i32
        %dma_wait3A_1153 = arith.constant 0 : i32
        %dma_wait3A_1154 = tpu.memref_slice %arg18[%dma_wait3A_1152, %dma_wait3A_1153] : memref<819200x128xf32, #tpu.memory_space<hbm>> -> memref<128x16xf32, #tpu.memory_space<hbm>>
        %dma_wait3A_1155 = arith.constant 0 : i32
        %dma_wait3A_1156 = arith.constant 0 : i32
        %dma_wait3A_1157 = tpu.memref_slice %arg20[%dma_wait3A_1141, %dma_wait3A_1155, %dma_wait3A_1156] : memref<8x128x16xf32, #tpu.memory_space<vmem>> -> memref<1x128x16xf32, #tpu.memory_space<vmem>>
        %dma_wait3A_1158 = tpu.memref_squeeze %dma_wait3A_1157 : memref<1x128x16xf32, #tpu.memory_space<vmem>> -> memref<128x16xf32, #tpu.memory_space<vmem>>
        tpu.wait_dma2 semaphore(%dma_wait3A_1151 : memref<!tpu.dma_semaphore, #tpu.memory_space<semaphore_mem>>) src(%dma_wait3A_1158 : memref<128x16xf32, #tpu.memory_space<vmem>>) dst(%dma_wait3A_1154 : memref<128x16xf32, #tpu.memory_space<hbm>>)
        %dma_wait3A_1159 = arith.constant 1 : i32
        %dma_wait3A_1160 = arith.constant 1 : i32
        %dma_wait3A_1161 = arith.constant 0 : i32
        %dma_wait3A_1162 = arith.constant 0 : i32
        %dma_wait3A_1163 = tpu.memref_slice %arg20[%dma_wait3A_1159, %dma_wait3A_1161, %dma_wait3A_1162] : memref<8x128x16xf32, #tpu.memory_space<vmem>> -> memref<1x128x16xf32, #tpu.memory_space<vmem>>
        %dma_wait3A_1164 = tpu.memref_squeeze %dma_wait3A_1163 : memref<1x128x16xf32, #tpu.memory_space<vmem>> -> memref<128x16xf32, #tpu.memory_space<vmem>>
        %dma_wait3A_1165 = arith.constant 0 : i32
        %dma_wait3A_1166 = arith.constant 16 : i32
        %dma_wait3A_1167 = tpu.memref_slice %arg18[%dma_wait3A_1165, %dma_wait3A_1166] : memref<819200x128xf32, #tpu.memory_space<hbm>> -> memref<128x16xf32, #tpu.memory_space<hbm>>
        %dma_wait3A_1168 = tpu.memref_slice %arg23[%dma_wait3A_1160] : memref<8x!tpu.dma_semaphore, #tpu.memory_space<semaphore_mem>> -> memref<1x!tpu.dma_semaphore, #tpu.memory_space<semaphore_mem>>
        %dma_wait3A_1169 = tpu.memref_squeeze %dma_wait3A_1168 : memref<1x!tpu.dma_semaphore, #tpu.memory_space<semaphore_mem>> -> memref<!tpu.dma_semaphore, #tpu.memory_space<semaphore_mem>>
        %dma_wait3A_1170 = arith.constant 0 : i32
        %dma_wait3A_1171 = arith.constant 16 : i32
        %dma_wait3A_1172 = tpu.memref_slice %arg18[%dma_wait3A_1170, %dma_wait3A_1171] : memref<819200x128xf32, #tpu.memory_space<hbm>> -> memref<128x16xf32, #tpu.memory_space<hbm>>
        %dma_wait3A_1173 = arith.constant 0 : i32
        %dma_wait3A_1174 = arith.constant 0 : i32
        %dma_wait3A_1175 = tpu.memref_slice %arg20[%dma_wait3A_1159, %dma_wait3A_1173, %dma_wait3A_1174] : memref<8x128x16xf32, #tpu.memory_space<vmem>> -> memref<1x128x16xf32, #tpu.memory_space<vmem>>
        %dma_wait3A_1176 = tpu.memref_squeeze %dma_wait3A_1175 : memref<1x128x16xf32, #tpu.memory_space<vmem>> -> memref<128x16xf32, #tpu.memory_space<vmem>>
        tpu.wait_dma2 semaphore(%dma_wait3A_1169 : memref<!tpu.dma_semaphore, #tpu.memory_space<semaphore_mem>>) src(%dma_wait3A_1176 : memref<128x16xf32, #tpu.memory_space<vmem>>) dst(%dma_wait3A_1172 : memref<128x16xf32, #tpu.memory_space<hbm>>)
        %dma_wait3A_1177 = arith.constant 2 : i32
        %dma_wait3A_1178 = arith.constant 2 : i32
        %dma_wait3A_1179 = arith.constant 0 : i32
        %dma_wait3A_1180 = arith.constant 0 : i32
        %dma_wait3A_1181 = tpu.memref_slice %arg20[%dma_wait3A_1177, %dma_wait3A_1179, %dma_wait3A_1180] : memref<8x128x16xf32, #tpu.memory_space<vmem>> -> memref<1x128x16xf32, #tpu.memory_space<vmem>>
        %dma_wait3A_1182 = tpu.memref_squeeze %dma_wait3A_1181 : memref<1x128x16xf32, #tpu.memory_space<vmem>> -> memref<128x16xf32, #tpu.memory_space<vmem>>
        %dma_wait3A_1183 = arith.constant 0 : i32
        %dma_wait3A_1184 = arith.constant 32 : i32
        %dma_wait3A_1185 = tpu.memref_slice %arg18[%dma_wait3A_1183, %dma_wait3A_1184] : memref<819200x128xf32, #tpu.memory_space<hbm>> -> memref<128x16xf32, #tpu.memory_space<hbm>>
        %dma_wait3A_1186 = tpu.memref_slice %arg23[%dma_wait3A_1178] : memref<8x!tpu.dma_semaphore, #tpu.memory_space<semaphore_mem>> -> memref<1x!tpu.dma_semaphore, #tpu.memory_space<semaphore_mem>>
        %dma_wait3A_1187 = tpu.memref_squeeze %dma_wait3A_1186 : memref<1x!tpu.dma_semaphore, #tpu.memory_space<semaphore_mem>> -> memref<!tpu.dma_semaphore, #tpu.memory_space<semaphore_mem>>
        %dma_wait3A_1188 = arith.constant 0 : i32
        %dma_wait3A_1189 = arith.constant 32 : i32
        %dma_wait3A_1190 = tpu.memref_slice %arg18[%dma_wait3A_1188, %dma_wait3A_1189] : memref<819200x128xf32, #tpu.memory_space<hbm>> -> memref<128x16xf32, #tpu.memory_space<hbm>>
        %dma_wait3A_1191 = arith.constant 0 : i32
        %dma_wait3A_1192 = arith.constant 0 : i32
        %dma_wait3A_1193 = tpu.memref_slice %arg20[%dma_wait3A_1177, %dma_wait3A_1191, %dma_wait3A_1192] : memref<8x128x16xf32, #tpu.memory_space<vmem>> -> memref<1x128x16xf32, #tpu.memory_space<vmem>>
        %dma_wait3A_1194 = tpu.memref_squeeze %dma_wait3A_1193 : memref<1x128x16xf32, #tpu.memory_space<vmem>> -> memref<128x16xf32, #tpu.memory_space<vmem>>
        tpu.wait_dma2 semaphore(%dma_wait3A_1187 : memref<!tpu.dma_semaphore, #tpu.memory_space<semaphore_mem>>) src(%dma_wait3A_1194 : memref<128x16xf32, #tpu.memory_space<vmem>>) dst(%dma_wait3A_1190 : memref<128x16xf32, #tpu.memory_space<hbm>>)
        %dma_wait3A_1195 = arith.constant 3 : i32
        %dma_wait3A_1196 = arith.constant 3 : i32
        %dma_wait3A_1197 = arith.constant 0 : i32
        %dma_wait3A_1198 = arith.constant 0 : i32
        %dma_wait3A_1199 = tpu.memref_slice %arg20[%dma_wait3A_1195, %dma_wait3A_1197, %dma_wait3A_1198] : memref<8x128x16xf32, #tpu.memory_space<vmem>> -> memref<1x128x16xf32, #tpu.memory_space<vmem>>
        %dma_wait3A_1200 = tpu.memref_squeeze %dma_wait3A_1199 : memref<1x128x16xf32, #tpu.memory_space<vmem>> -> memref<128x16xf32, #tpu.memory_space<vmem>>
        %dma_wait3A_1201 = arith.constant 0 : i32
        %dma_wait3A_1202 = arith.constant 48 : i32
        %dma_wait3A_1203 = tpu.memref_slice %arg18[%dma_wait3A_1201, %dma_wait3A_1202] : memref<819200x128xf32, #tpu.memory_space<hbm>> -> memref<128x16xf32, #tpu.memory_space<hbm>>
        %dma_wait3A_1204 = tpu.memref_slice %arg23[%dma_wait3A_1196] : memref<8x!tpu.dma_semaphore, #tpu.memory_space<semaphore_mem>> -> memref<1x!tpu.dma_semaphore, #tpu.memory_space<semaphore_mem>>
        %dma_wait3A_1205 = tpu.memref_squeeze %dma_wait3A_1204 : memref<1x!tpu.dma_semaphore, #tpu.memory_space<semaphore_mem>> -> memref<!tpu.dma_semaphore, #tpu.memory_space<semaphore_mem>>
        %dma_wait3A_1206 = arith.constant 0 : i32
        %dma_wait3A_1207 = arith.constant 48 : i32
        %dma_wait3A_1208 = tpu.memref_slice %arg18[%dma_wait3A_1206, %dma_wait3A_1207] : memref<819200x128xf32, #tpu.memory_space<hbm>> -> memref<128x16xf32, #tpu.memory_space<hbm>>
        %dma_wait3A_1209 = arith.constant 0 : i32
        %dma_wait3A_1210 = arith.constant 0 : i32
        %dma_wait3A_1211 = tpu.memref_slice %arg20[%dma_wait3A_1195, %dma_wait3A_1209, %dma_wait3A_1210] : memref<8x128x16xf32, #tpu.memory_space<vmem>> -> memref<1x128x16xf32, #tpu.memory_space<vmem>>
        %dma_wait3A_1212 = tpu.memref_squeeze %dma_wait3A_1211 : memref<1x128x16xf32, #tpu.memory_space<vmem>> -> memref<128x16xf32, #tpu.memory_space<vmem>>
        tpu.wait_dma2 semaphore(%dma_wait3A_1205 : memref<!tpu.dma_semaphore, #tpu.memory_space<semaphore_mem>>) src(%dma_wait3A_1212 : memref<128x16xf32, #tpu.memory_space<vmem>>) dst(%dma_wait3A_1208 : memref<128x16xf32, #tpu.memory_space<hbm>>)
        %dma_wait3A_1213 = arith.constant 4 : i32
        %dma_wait3A_1214 = arith.constant 4 : i32
        %dma_wait3A_1215 = arith.constant 0 : i32
        %dma_wait3A_1216 = arith.constant 0 : i32
        %dma_wait3A_1217 = tpu.memref_slice %arg20[%dma_wait3A_1213, %dma_wait3A_1215, %dma_wait3A_1216] : memref<8x128x16xf32, #tpu.memory_space<vmem>> -> memref<1x128x16xf32, #tpu.memory_space<vmem>>
        %dma_wait3A_1218 = tpu.memref_squeeze %dma_wait3A_1217 : memref<1x128x16xf32, #tpu.memory_space<vmem>> -> memref<128x16xf32, #tpu.memory_space<vmem>>
        %dma_wait3A_1219 = arith.constant 0 : i32
        %dma_wait3A_1220 = arith.constant 64 : i32
        %dma_wait3A_1221 = tpu.memref_slice %arg18[%dma_wait3A_1219, %dma_wait3A_1220] : memref<819200x128xf32, #tpu.memory_space<hbm>> -> memref<128x16xf32, #tpu.memory_space<hbm>>
        %dma_wait3A_1222 = tpu.memref_slice %arg23[%dma_wait3A_1214] : memref<8x!tpu.dma_semaphore, #tpu.memory_space<semaphore_mem>> -> memref<1x!tpu.dma_semaphore, #tpu.memory_space<semaphore_mem>>
        %dma_wait3A_1223 = tpu.memref_squeeze %dma_wait3A_1222 : memref<1x!tpu.dma_semaphore, #tpu.memory_space<semaphore_mem>> -> memref<!tpu.dma_semaphore, #tpu.memory_space<semaphore_mem>>
        %dma_wait3A_1224 = arith.constant 0 : i32
        %dma_wait3A_1225 = arith.constant 64 : i32
        %dma_wait3A_1226 = tpu.memref_slice %arg18[%dma_wait3A_1224, %dma_wait3A_1225] : memref<819200x128xf32, #tpu.memory_space<hbm>> -> memref<128x16xf32, #tpu.memory_space<hbm>>
        %dma_wait3A_1227 = arith.constant 0 : i32
        %dma_wait3A_1228 = arith.constant 0 : i32
        %dma_wait3A_1229 = tpu.memref_slice %arg20[%dma_wait3A_1213, %dma_wait3A_1227, %dma_wait3A_1228] : memref<8x128x16xf32, #tpu.memory_space<vmem>> -> memref<1x128x16xf32, #tpu.memory_space<vmem>>
        %dma_wait3A_1230 = tpu.memref_squeeze %dma_wait3A_1229 : memref<1x128x16xf32, #tpu.memory_space<vmem>> -> memref<128x16xf32, #tpu.memory_space<vmem>>
        tpu.wait_dma2 semaphore(%dma_wait3A_1223 : memref<!tpu.dma_semaphore, #tpu.memory_space<semaphore_mem>>) src(%dma_wait3A_1230 : memref<128x16xf32, #tpu.memory_space<vmem>>) dst(%dma_wait3A_1226 : memref<128x16xf32, #tpu.memory_space<hbm>>)
        %dma_wait3A_1231 = arith.constant 5 : i32
        %dma_wait3A_1232 = arith.constant 5 : i32
        %dma_wait3A_1233 = arith.constant 0 : i32
        %dma_wait3A_1234 = arith.constant 0 : i32
        %dma_wait3A_1235 = tpu.memref_slice %arg20[%dma_wait3A_1231, %dma_wait3A_1233, %dma_wait3A_1234] : memref<8x128x16xf32, #tpu.memory_space<vmem>> -> memref<1x128x16xf32, #tpu.memory_space<vmem>>
        %dma_wait3A_1236 = tpu.memref_squeeze %dma_wait3A_1235 : memref<1x128x16xf32, #tpu.memory_space<vmem>> -> memref<128x16xf32, #tpu.memory_space<vmem>>
        %dma_wait3A_1237 = arith.constant 0 : i32
        %dma_wait3A_1238 = arith.constant 80 : i32
        %dma_wait3A_1239 = tpu.memref_slice %arg18[%dma_wait3A_1237, %dma_wait3A_1238] : memref<819200x128xf32, #tpu.memory_space<hbm>> -> memref<128x16xf32, #tpu.memory_space<hbm>>
        %dma_wait3A_1240 = tpu.memref_slice %arg23[%dma_wait3A_1232] : memref<8x!tpu.dma_semaphore, #tpu.memory_space<semaphore_mem>> -> memref<1x!tpu.dma_semaphore, #tpu.memory_space<semaphore_mem>>
        %dma_wait3A_1241 = tpu.memref_squeeze %dma_wait3A_1240 : memref<1x!tpu.dma_semaphore, #tpu.memory_space<semaphore_mem>> -> memref<!tpu.dma_semaphore, #tpu.memory_space<semaphore_mem>>
        %dma_wait3A_1242 = arith.constant 0 : i32
        %dma_wait3A_1243 = arith.constant 80 : i32
        %dma_wait3A_1244 = tpu.memref_slice %arg18[%dma_wait3A_1242, %dma_wait3A_1243] : memref<819200x128xf32, #tpu.memory_space<hbm>> -> memref<128x16xf32, #tpu.memory_space<hbm>>
        %dma_wait3A_1245 = arith.constant 0 : i32
        %dma_wait3A_1246 = arith.constant 0 : i32
        %dma_wait3A_1247 = tpu.memref_slice %arg20[%dma_wait3A_1231, %dma_wait3A_1245, %dma_wait3A_1246] : memref<8x128x16xf32, #tpu.memory_space<vmem>> -> memref<1x128x16xf32, #tpu.memory_space<vmem>>
        %dma_wait3A_1248 = tpu.memref_squeeze %dma_wait3A_1247 : memref<1x128x16xf32, #tpu.memory_space<vmem>> -> memref<128x16xf32, #tpu.memory_space<vmem>>
        tpu.wait_dma2 semaphore(%dma_wait3A_1241 : memref<!tpu.dma_semaphore, #tpu.memory_space<semaphore_mem>>) src(%dma_wait3A_1248 : memref<128x16xf32, #tpu.memory_space<vmem>>) dst(%dma_wait3A_1244 : memref<128x16xf32, #tpu.memory_space<hbm>>)
        %dma_wait3A_1249 = arith.constant 6 : i32
        %dma_wait3A_1250 = arith.constant 6 : i32
        %dma_wait3A_1251 = arith.constant 0 : i32
        %dma_wait3A_1252 = arith.constant 0 : i32
        %dma_wait3A_1253 = tpu.memref_slice %arg20[%dma_wait3A_1249, %dma_wait3A_1251, %dma_wait3A_1252] : memref<8x128x16xf32, #tpu.memory_space<vmem>> -> memref<1x128x16xf32, #tpu.memory_space<vmem>>
        %dma_wait3A_1254 = tpu.memref_squeeze %dma_wait3A_1253 : memref<1x128x16xf32, #tpu.memory_space<vmem>> -> memref<128x16xf32, #tpu.memory_space<vmem>>
        %dma_wait3A_1255 = arith.constant 0 : i32
        %dma_wait3A_1256 = arith.constant 96 : i32
        %dma_wait3A_1257 = tpu.memref_slice %arg18[%dma_wait3A_1255, %dma_wait3A_1256] : memref<819200x128xf32, #tpu.memory_space<hbm>> -> memref<128x16xf32, #tpu.memory_space<hbm>>
        %dma_wait3A_1258 = tpu.memref_slice %arg23[%dma_wait3A_1250] : memref<8x!tpu.dma_semaphore, #tpu.memory_space<semaphore_mem>> -> memref<1x!tpu.dma_semaphore, #tpu.memory_space<semaphore_mem>>
        %dma_wait3A_1259 = tpu.memref_squeeze %dma_wait3A_1258 : memref<1x!tpu.dma_semaphore, #tpu.memory_space<semaphore_mem>> -> memref<!tpu.dma_semaphore, #tpu.memory_space<semaphore_mem>>
        %dma_wait3A_1260 = arith.constant 0 : i32
        %dma_wait3A_1261 = arith.constant 96 : i32
        %dma_wait3A_1262 = tpu.memref_slice %arg18[%dma_wait3A_1260, %dma_wait3A_1261] : memref<819200x128xf32, #tpu.memory_space<hbm>> -> memref<128x16xf32, #tpu.memory_space<hbm>>
        %dma_wait3A_1263 = arith.constant 0 : i32
        %dma_wait3A_1264 = arith.constant 0 : i32
        %dma_wait3A_1265 = tpu.memref_slice %arg20[%dma_wait3A_1249, %dma_wait3A_1263, %dma_wait3A_1264] : memref<8x128x16xf32, #tpu.memory_space<vmem>> -> memref<1x128x16xf32, #tpu.memory_space<vmem>>
        %dma_wait3A_1266 = tpu.memref_squeeze %dma_wait3A_1265 : memref<1x128x16xf32, #tpu.memory_space<vmem>> -> memref<128x16xf32, #tpu.memory_space<vmem>>
        tpu.wait_dma2 semaphore(%dma_wait3A_1259 : memref<!tpu.dma_semaphore, #tpu.memory_space<semaphore_mem>>) src(%dma_wait3A_1266 : memref<128x16xf32, #tpu.memory_space<vmem>>) dst(%dma_wait3A_1262 : memref<128x16xf32, #tpu.memory_space<hbm>>)
        %dma_wait3A_1267 = arith.constant 7 : i32
        %dma_wait3A_1268 = arith.constant 7 : i32
        %dma_wait3A_1269 = arith.constant 0 : i32
        %dma_wait3A_1270 = arith.constant 0 : i32
        %dma_wait3A_1271 = tpu.memref_slice %arg20[%dma_wait3A_1267, %dma_wait3A_1269, %dma_wait3A_1270] : memref<8x128x16xf32, #tpu.memory_space<vmem>> -> memref<1x128x16xf32, #tpu.memory_space<vmem>>
        %dma_wait3A_1272 = tpu.memref_squeeze %dma_wait3A_1271 : memref<1x128x16xf32, #tpu.memory_space<vmem>> -> memref<128x16xf32, #tpu.memory_space<vmem>>
        %dma_wait3A_1273 = arith.constant 0 : i32
        %dma_wait3A_1274 = arith.constant 112 : i32
        %dma_wait3A_1275 = tpu.memref_slice %arg18[%dma_wait3A_1273, %dma_wait3A_1274] : memref<819200x128xf32, #tpu.memory_space<hbm>> -> memref<128x16xf32, #tpu.memory_space<hbm>>
        %dma_wait3A_1276 = tpu.memref_slice %arg23[%dma_wait3A_1268] : memref<8x!tpu.dma_semaphore, #tpu.memory_space<semaphore_mem>> -> memref<1x!tpu.dma_semaphore, #tpu.memory_space<semaphore_mem>>
        %dma_wait3A_1277 = tpu.memref_squeeze %dma_wait3A_1276 : memref<1x!tpu.dma_semaphore, #tpu.memory_space<semaphore_mem>> -> memref<!tpu.dma_semaphore, #tpu.memory_space<semaphore_mem>>
        %dma_wait3A_1278 = arith.constant 0 : i32
        %dma_wait3A_1279 = arith.constant 112 : i32
        %dma_wait3A_1280 = tpu.memref_slice %arg18[%dma_wait3A_1278, %dma_wait3A_1279] : memref<819200x128xf32, #tpu.memory_space<hbm>> -> memref<128x16xf32, #tpu.memory_space<hbm>>
        %dma_wait3A_1281 = arith.constant 0 : i32
        %dma_wait3A_1282 = arith.constant 0 : i32
        %dma_wait3A_1283 = tpu.memref_slice %arg20[%dma_wait3A_1267, %dma_wait3A_1281, %dma_wait3A_1282] : memref<8x128x16xf32, #tpu.memory_space<vmem>> -> memref<1x128x16xf32, #tpu.memory_space<vmem>>
        %dma_wait3A_1284 = tpu.memref_squeeze %dma_wait3A_1283 : memref<1x128x16xf32, #tpu.memory_space<vmem>> -> memref<128x16xf32, #tpu.memory_space<vmem>>
        tpu.wait_dma2 semaphore(%dma_wait3A_1277 : memref<!tpu.dma_semaphore, #tpu.memory_space<semaphore_mem>>) src(%dma_wait3A_1284 : memref<128x16xf32, #tpu.memory_space<vmem>>) dst(%dma_wait3A_1280 : memref<128x16xf32, #tpu.memory_space<hbm>>)
      } else {
      }
      %jit3A_316 = arith.constant 20 : i32
      %div3A = arith.divsi %mul3A_299, %jit3A_316 : i32
      %sign3A = arith.constant 0 : i32
      %sign3A_317 = arith.cmpi sgt, %mul3A_299, %sign3A : i32
      %sign3A_318 = arith.extui %sign3A_317 : i1 to i32
      %sign3A_319 = arith.constant 0 : i32
      %sign3A_320 = arith.cmpi slt, %mul3A_299, %sign3A_319 : i32
      %sign3A_321 = arith.extui %sign3A_320 : i1 to i32
      %sign3A_322 = arith.subi %sign3A_318, %sign3A_321 : i32
      %sign3A_323 = arith.constant 0 : i32
      %sign3A_324 = arith.cmpi sgt, %jit3A_316, %sign3A_323 : i32
      %sign3A_325 = arith.extui %sign3A_324 : i1 to i32
      %sign3A_326 = arith.constant 0 : i32
      %sign3A_327 = arith.cmpi slt, %jit3A_316, %sign3A_326 : i32
      %sign3A_328 = arith.extui %sign3A_327 : i1 to i32
      %sign3A_329 = arith.subi %sign3A_325, %sign3A_328 : i32
      %ne3A_330 = arith.cmpi ne, %sign3A_322, %sign3A_329 : i32
      %rem3A_331 = arith.remsi %mul3A_299, %jit3A_316 : i32
      %ne3A_332 = arith.constant 0 : i32
      %ne3A_333 = arith.cmpi ne, %rem3A_331, %ne3A_332 : i32
      %and3A_334 = arith.andi %ne3A_330, %ne3A_333 : i1
      %sub3A = arith.constant 1 : i32
      %sub3A_335 = arith.subi %div3A, %sub3A : i32
      %select_n3A_336 = arith.select %and3A_334, %sub3A_335, %div3A : i32
      %jit3A_337 = arith.constant 20 : i32
      %eq3A_338 = arith.constant 0 : i32
      %eq3A_339 = arith.cmpi eq, %jit3A_337, %eq3A_338 : i32
      %jit3A_340 = arith.constant 1 : i32
      %select_n3A_341 = arith.select %eq3A_339, %jit3A_340, %jit3A_337 : i32
      %rem3A_342 = arith.remsi %mul3A_299, %select_n3A_341 : i32
      %ne3A_343 = arith.constant 0 : i32
      %ne3A_344 = arith.cmpi ne, %rem3A_342, %ne3A_343 : i32
      %lt3A_345 = arith.constant 0 : i32
      %lt3A_346 = arith.cmpi slt, %rem3A_342, %lt3A_345 : i32
      %lt3A_347 = arith.constant 0 : i32
      %lt3A_348 = arith.cmpi slt, %select_n3A_341, %lt3A_347 : i32
      %ne3A_349 = arith.xori %lt3A_346, %lt3A_348 : i1
      %and3A_350 = arith.andi %ne3A_349, %ne3A_344 : i1
      %add3A_351 = arith.addi %rem3A_342, %select_n3A_341 : i32
      %select_n3A_352 = arith.select %and3A_350, %add3A_351, %rem3A_342 : i32
      %dma_start3A = arith.constant 0 : i32
      %dma_start3A_353 = arith.constant 0 : i32
      %dma_start3A_354 = arith.constant 0 : i32
      %dma_start3A_355 = arith.constant 0 : i32
      %dma_start3A_356 = arith.constant 0 : i32
      %dma_start3A_357 = tpu.memref_slice %arg20[%dma_start3A_353, %dma_start3A_355, %dma_start3A_356] : memref<8x128x16xf32, #tpu.memory_space<vmem>> -> memref<1x128x16xf32, #tpu.memory_space<vmem>>
      %dma_start3A_358 = tpu.memref_squeeze %dma_start3A_357 : memref<1x128x16xf32, #tpu.memory_space<vmem>> -> memref<128x16xf32, #tpu.memory_space<vmem>>
      %dma_start3A_359 = arith.constant 0 : i32
      %dma_start3A_360 = tpu.memref_slice %arg19[%dma_start3A, %select_n3A_352, %dma_start3A_359] : memref<8x20x128xi32, #tpu.memory_space<vmem>> -> memref<1x1x128xi32, #tpu.memory_space<vmem>>
      %dma_start3A_361 = tpu.memref_squeeze %dma_start3A_360 : memref<1x1x128xi32, #tpu.memory_space<vmem>> -> memref<128xi32, #tpu.memory_space<vmem>>
      %dma_start3A_362 = arith.constant 0 : i32
      %dma_start3A_363 = arith.constant 0 : i32
      %dma_start3A_364 = tpu.memref_slice %arg10[%dma_start3A_362, %dma_start3A_363] : memref<10000x16xf32, #tpu.memory_space<hbm>> -> memref<10000x16xf32, #tpu.memory_space<hbm>>
      %dma_start3A_365 = tpu.memref_slice %arg22[%dma_start3A_354] : memref<8x!tpu.dma_semaphore, #tpu.memory_space<semaphore_mem>> -> memref<1x!tpu.dma_semaphore, #tpu.memory_space<semaphore_mem>>
      %dma_start3A_366 = tpu.memref_squeeze %dma_start3A_365 : memref<1x!tpu.dma_semaphore, #tpu.memory_space<semaphore_mem>> -> memref<!tpu.dma_semaphore, #tpu.memory_space<semaphore_mem>>
      tpu.enqueue_indirect_dma source(%dma_start3A_364 : memref<10000x16xf32, #tpu.memory_space<hbm>>) target(%dma_start3A_358 : memref<128x16xf32, #tpu.memory_space<vmem>>) offsets(%dma_start3A_361 : memref<128xi32, #tpu.memory_space<vmem>>) semaphore(%dma_start3A_366 : memref<!tpu.dma_semaphore, #tpu.memory_space<semaphore_mem>>)
      %dma_start3A_367 = arith.constant 1 : i32
      %dma_start3A_368 = arith.constant 1 : i32
      %dma_start3A_369 = arith.constant 1 : i32
      %dma_start3A_370 = arith.constant 0 : i32
      %dma_start3A_371 = arith.constant 0 : i32
      %dma_start3A_372 = tpu.memref_slice %arg20[%dma_start3A_368, %dma_start3A_370, %dma_start3A_371] : memref<8x128x16xf32, #tpu.memory_space<vmem>> -> memref<1x128x16xf32, #tpu.memory_space<vmem>>
      %dma_start3A_373 = tpu.memref_squeeze %dma_start3A_372 : memref<1x128x16xf32, #tpu.memory_space<vmem>> -> memref<128x16xf32, #tpu.memory_space<vmem>>
      %dma_start3A_374 = arith.constant 0 : i32
      %dma_start3A_375 = tpu.memref_slice %arg19[%dma_start3A_367, %select_n3A_352, %dma_start3A_374] : memref<8x20x128xi32, #tpu.memory_space<vmem>> -> memref<1x1x128xi32, #tpu.memory_space<vmem>>
      %dma_start3A_376 = tpu.memref_squeeze %dma_start3A_375 : memref<1x1x128xi32, #tpu.memory_space<vmem>> -> memref<128xi32, #tpu.memory_space<vmem>>
      %dma_start3A_377 = arith.constant 0 : i32
      %dma_start3A_378 = arith.constant 0 : i32
      %dma_start3A_379 = tpu.memref_slice %arg11[%dma_start3A_377, %dma_start3A_378] : memref<50000x16xf32, #tpu.memory_space<hbm>> -> memref<50000x16xf32, #tpu.memory_space<hbm>>
      %dma_start3A_380 = tpu.memref_slice %arg22[%dma_start3A_369] : memref<8x!tpu.dma_semaphore, #tpu.memory_space<semaphore_mem>> -> memref<1x!tpu.dma_semaphore, #tpu.memory_space<semaphore_mem>>
      %dma_start3A_381 = tpu.memref_squeeze %dma_start3A_380 : memref<1x!tpu.dma_semaphore, #tpu.memory_space<semaphore_mem>> -> memref<!tpu.dma_semaphore, #tpu.memory_space<semaphore_mem>>
      tpu.enqueue_indirect_dma source(%dma_start3A_379 : memref<50000x16xf32, #tpu.memory_space<hbm>>) target(%dma_start3A_373 : memref<128x16xf32, #tpu.memory_space<vmem>>) offsets(%dma_start3A_376 : memref<128xi32, #tpu.memory_space<vmem>>) semaphore(%dma_start3A_381 : memref<!tpu.dma_semaphore, #tpu.memory_space<semaphore_mem>>)
      %dma_start3A_382 = arith.constant 2 : i32
      %dma_start3A_383 = arith.constant 2 : i32
      %dma_start3A_384 = arith.constant 2 : i32
      %dma_start3A_385 = arith.constant 0 : i32
      %dma_start3A_386 = arith.constant 0 : i32
      %dma_start3A_387 = tpu.memref_slice %arg20[%dma_start3A_383, %dma_start3A_385, %dma_start3A_386] : memref<8x128x16xf32, #tpu.memory_space<vmem>> -> memref<1x128x16xf32, #tpu.memory_space<vmem>>
      %dma_start3A_388 = tpu.memref_squeeze %dma_start3A_387 : memref<1x128x16xf32, #tpu.memory_space<vmem>> -> memref<128x16xf32, #tpu.memory_space<vmem>>
      %dma_start3A_389 = arith.constant 0 : i32
      %dma_start3A_390 = tpu.memref_slice %arg19[%dma_start3A_382, %select_n3A_352, %dma_start3A_389] : memref<8x20x128xi32, #tpu.memory_space<vmem>> -> memref<1x1x128xi32, #tpu.memory_space<vmem>>
      %dma_start3A_391 = tpu.memref_squeeze %dma_start3A_390 : memref<1x1x128xi32, #tpu.memory_space<vmem>> -> memref<128xi32, #tpu.memory_space<vmem>>
      %dma_start3A_392 = arith.constant 0 : i32
      %dma_start3A_393 = arith.constant 0 : i32
      %dma_start3A_394 = tpu.memref_slice %arg12[%dma_start3A_392, %dma_start3A_393] : memref<200000x16xf32, #tpu.memory_space<hbm>> -> memref<200000x16xf32, #tpu.memory_space<hbm>>
      %dma_start3A_395 = tpu.memref_slice %arg22[%dma_start3A_384] : memref<8x!tpu.dma_semaphore, #tpu.memory_space<semaphore_mem>> -> memref<1x!tpu.dma_semaphore, #tpu.memory_space<semaphore_mem>>
      %dma_start3A_396 = tpu.memref_squeeze %dma_start3A_395 : memref<1x!tpu.dma_semaphore, #tpu.memory_space<semaphore_mem>> -> memref<!tpu.dma_semaphore, #tpu.memory_space<semaphore_mem>>
      tpu.enqueue_indirect_dma source(%dma_start3A_394 : memref<200000x16xf32, #tpu.memory_space<hbm>>) target(%dma_start3A_388 : memref<128x16xf32, #tpu.memory_space<vmem>>) offsets(%dma_start3A_391 : memref<128xi32, #tpu.memory_space<vmem>>) semaphore(%dma_start3A_396 : memref<!tpu.dma_semaphore, #tpu.memory_space<semaphore_mem>>)
      %dma_start3A_397 = arith.constant 3 : i32
      %dma_start3A_398 = arith.constant 3 : i32
      %dma_start3A_399 = arith.constant 3 : i32
      %dma_start3A_400 = arith.constant 0 : i32
      %dma_start3A_401 = arith.constant 0 : i32
      %dma_start3A_402 = tpu.memref_slice %arg20[%dma_start3A_398, %dma_start3A_400, %dma_start3A_401] : memref<8x128x16xf32, #tpu.memory_space<vmem>> -> memref<1x128x16xf32, #tpu.memory_space<vmem>>
      %dma_start3A_403 = tpu.memref_squeeze %dma_start3A_402 : memref<1x128x16xf32, #tpu.memory_space<vmem>> -> memref<128x16xf32, #tpu.memory_space<vmem>>
      %dma_start3A_404 = arith.constant 0 : i32
      %dma_start3A_405 = tpu.memref_slice %arg19[%dma_start3A_397, %select_n3A_352, %dma_start3A_404] : memref<8x20x128xi32, #tpu.memory_space<vmem>> -> memref<1x1x128xi32, #tpu.memory_space<vmem>>
      %dma_start3A_406 = tpu.memref_squeeze %dma_start3A_405 : memref<1x1x128xi32, #tpu.memory_space<vmem>> -> memref<128xi32, #tpu.memory_space<vmem>>
      %dma_start3A_407 = arith.constant 0 : i32
      %dma_start3A_408 = arith.constant 0 : i32
      %dma_start3A_409 = tpu.memref_slice %arg13[%dma_start3A_407, %dma_start3A_408] : memref<1000000x16xf32, #tpu.memory_space<hbm>> -> memref<1000000x16xf32, #tpu.memory_space<hbm>>
      %dma_start3A_410 = tpu.memref_slice %arg22[%dma_start3A_399] : memref<8x!tpu.dma_semaphore, #tpu.memory_space<semaphore_mem>> -> memref<1x!tpu.dma_semaphore, #tpu.memory_space<semaphore_mem>>
      %dma_start3A_411 = tpu.memref_squeeze %dma_start3A_410 : memref<1x!tpu.dma_semaphore, #tpu.memory_space<semaphore_mem>> -> memref<!tpu.dma_semaphore, #tpu.memory_space<semaphore_mem>>
      tpu.enqueue_indirect_dma source(%dma_start3A_409 : memref<1000000x16xf32, #tpu.memory_space<hbm>>) target(%dma_start3A_403 : memref<128x16xf32, #tpu.memory_space<vmem>>) offsets(%dma_start3A_406 : memref<128xi32, #tpu.memory_space<vmem>>) semaphore(%dma_start3A_411 : memref<!tpu.dma_semaphore, #tpu.memory_space<semaphore_mem>>)
      %dma_start3A_412 = arith.constant 4 : i32
      %dma_start3A_413 = arith.constant 4 : i32
      %dma_start3A_414 = arith.constant 4 : i32
      %dma_start3A_415 = arith.constant 0 : i32
      %dma_start3A_416 = arith.constant 0 : i32
      %dma_start3A_417 = tpu.memref_slice %arg20[%dma_start3A_413, %dma_start3A_415, %dma_start3A_416] : memref<8x128x16xf32, #tpu.memory_space<vmem>> -> memref<1x128x16xf32, #tpu.memory_space<vmem>>
      %dma_start3A_418 = tpu.memref_squeeze %dma_start3A_417 : memref<1x128x16xf32, #tpu.memory_space<vmem>> -> memref<128x16xf32, #tpu.memory_space<vmem>>
      %dma_start3A_419 = arith.constant 0 : i32
      %dma_start3A_420 = tpu.memref_slice %arg19[%dma_start3A_412, %select_n3A_352, %dma_start3A_419] : memref<8x20x128xi32, #tpu.memory_space<vmem>> -> memref<1x1x128xi32, #tpu.memory_space<vmem>>
      %dma_start3A_421 = tpu.memref_squeeze %dma_start3A_420 : memref<1x1x128xi32, #tpu.memory_space<vmem>> -> memref<128xi32, #tpu.memory_space<vmem>>
      %dma_start3A_422 = arith.constant 0 : i32
      %dma_start3A_423 = arith.constant 0 : i32
      %dma_start3A_424 = tpu.memref_slice %arg14[%dma_start3A_422, %dma_start3A_423] : memref<20000x16xf32, #tpu.memory_space<hbm>> -> memref<20000x16xf32, #tpu.memory_space<hbm>>
      %dma_start3A_425 = tpu.memref_slice %arg22[%dma_start3A_414] : memref<8x!tpu.dma_semaphore, #tpu.memory_space<semaphore_mem>> -> memref<1x!tpu.dma_semaphore, #tpu.memory_space<semaphore_mem>>
      %dma_start3A_426 = tpu.memref_squeeze %dma_start3A_425 : memref<1x!tpu.dma_semaphore, #tpu.memory_space<semaphore_mem>> -> memref<!tpu.dma_semaphore, #tpu.memory_space<semaphore_mem>>
      tpu.enqueue_indirect_dma source(%dma_start3A_424 : memref<20000x16xf32, #tpu.memory_space<hbm>>) target(%dma_start3A_418 : memref<128x16xf32, #tpu.memory_space<vmem>>) offsets(%dma_start3A_421 : memref<128xi32, #tpu.memory_space<vmem>>) semaphore(%dma_start3A_426 : memref<!tpu.dma_semaphore, #tpu.memory_space<semaphore_mem>>)
      %dma_start3A_427 = arith.constant 5 : i32
      %dma_start3A_428 = arith.constant 5 : i32
      %dma_start3A_429 = arith.constant 5 : i32
      %dma_start3A_430 = arith.constant 0 : i32
      %dma_start3A_431 = arith.constant 0 : i32
      %dma_start3A_432 = tpu.memref_slice %arg20[%dma_start3A_428, %dma_start3A_430, %dma_start3A_431] : memref<8x128x16xf32, #tpu.memory_space<vmem>> -> memref<1x128x16xf32, #tpu.memory_space<vmem>>
      %dma_start3A_433 = tpu.memref_squeeze %dma_start3A_432 : memref<1x128x16xf32, #tpu.memory_space<vmem>> -> memref<128x16xf32, #tpu.memory_space<vmem>>
      %dma_start3A_434 = arith.constant 0 : i32
      %dma_start3A_435 = tpu.memref_slice %arg19[%dma_start3A_427, %select_n3A_352, %dma_start3A_434] : memref<8x20x128xi32, #tpu.memory_space<vmem>> -> memref<1x1x128xi32, #tpu.memory_space<vmem>>
      %dma_start3A_436 = tpu.memref_squeeze %dma_start3A_435 : memref<1x1x128xi32, #tpu.memory_space<vmem>> -> memref<128xi32, #tpu.memory_space<vmem>>
      %dma_start3A_437 = arith.constant 0 : i32
      %dma_start3A_438 = arith.constant 0 : i32
      %dma_start3A_439 = tpu.memref_slice %arg15[%dma_start3A_437, %dma_start3A_438] : memref<100000x16xf32, #tpu.memory_space<hbm>> -> memref<100000x16xf32, #tpu.memory_space<hbm>>
      %dma_start3A_440 = tpu.memref_slice %arg22[%dma_start3A_429] : memref<8x!tpu.dma_semaphore, #tpu.memory_space<semaphore_mem>> -> memref<1x!tpu.dma_semaphore, #tpu.memory_space<semaphore_mem>>
      %dma_start3A_441 = tpu.memref_squeeze %dma_start3A_440 : memref<1x!tpu.dma_semaphore, #tpu.memory_space<semaphore_mem>> -> memref<!tpu.dma_semaphore, #tpu.memory_space<semaphore_mem>>
      tpu.enqueue_indirect_dma source(%dma_start3A_439 : memref<100000x16xf32, #tpu.memory_space<hbm>>) target(%dma_start3A_433 : memref<128x16xf32, #tpu.memory_space<vmem>>) offsets(%dma_start3A_436 : memref<128xi32, #tpu.memory_space<vmem>>) semaphore(%dma_start3A_441 : memref<!tpu.dma_semaphore, #tpu.memory_space<semaphore_mem>>)
      %dma_start3A_442 = arith.constant 6 : i32
      %dma_start3A_443 = arith.constant 6 : i32
      %dma_start3A_444 = arith.constant 6 : i32
      %dma_start3A_445 = arith.constant 0 : i32
      %dma_start3A_446 = arith.constant 0 : i32
      %dma_start3A_447 = tpu.memref_slice %arg20[%dma_start3A_443, %dma_start3A_445, %dma_start3A_446] : memref<8x128x16xf32, #tpu.memory_space<vmem>> -> memref<1x128x16xf32, #tpu.memory_space<vmem>>
      %dma_start3A_448 = tpu.memref_squeeze %dma_start3A_447 : memref<1x128x16xf32, #tpu.memory_space<vmem>> -> memref<128x16xf32, #tpu.memory_space<vmem>>
      %dma_start3A_449 = arith.constant 0 : i32
      %dma_start3A_450 = tpu.memref_slice %arg19[%dma_start3A_442, %select_n3A_352, %dma_start3A_449] : memref<8x20x128xi32, #tpu.memory_space<vmem>> -> memref<1x1x128xi32, #tpu.memory_space<vmem>>
      %dma_start3A_451 = tpu.memref_squeeze %dma_start3A_450 : memref<1x1x128xi32, #tpu.memory_space<vmem>> -> memref<128xi32, #tpu.memory_space<vmem>>
      %dma_start3A_452 = arith.constant 0 : i32
      %dma_start3A_453 = arith.constant 0 : i32
      %dma_start3A_454 = tpu.memref_slice %arg16[%dma_start3A_452, %dma_start3A_453] : memref<400000x16xf32, #tpu.memory_space<hbm>> -> memref<400000x16xf32, #tpu.memory_space<hbm>>
      %dma_start3A_455 = tpu.memref_slice %arg22[%dma_start3A_444] : memref<8x!tpu.dma_semaphore, #tpu.memory_space<semaphore_mem>> -> memref<1x!tpu.dma_semaphore, #tpu.memory_space<semaphore_mem>>
      %dma_start3A_456 = tpu.memref_squeeze %dma_start3A_455 : memref<1x!tpu.dma_semaphore, #tpu.memory_space<semaphore_mem>> -> memref<!tpu.dma_semaphore, #tpu.memory_space<semaphore_mem>>
      tpu.enqueue_indirect_dma source(%dma_start3A_454 : memref<400000x16xf32, #tpu.memory_space<hbm>>) target(%dma_start3A_448 : memref<128x16xf32, #tpu.memory_space<vmem>>) offsets(%dma_start3A_451 : memref<128xi32, #tpu.memory_space<vmem>>) semaphore(%dma_start3A_456 : memref<!tpu.dma_semaphore, #tpu.memory_space<semaphore_mem>>)
      %dma_start3A_457 = arith.constant 7 : i32
      %dma_start3A_458 = arith.constant 7 : i32
      %dma_start3A_459 = arith.constant 7 : i32
      %dma_start3A_460 = arith.constant 0 : i32
      %dma_start3A_461 = arith.constant 0 : i32
      %dma_start3A_462 = tpu.memref_slice %arg20[%dma_start3A_458, %dma_start3A_460, %dma_start3A_461] : memref<8x128x16xf32, #tpu.memory_space<vmem>> -> memref<1x128x16xf32, #tpu.memory_space<vmem>>
      %dma_start3A_463 = tpu.memref_squeeze %dma_start3A_462 : memref<1x128x16xf32, #tpu.memory_space<vmem>> -> memref<128x16xf32, #tpu.memory_space<vmem>>
      %dma_start3A_464 = arith.constant 0 : i32
      %dma_start3A_465 = tpu.memref_slice %arg19[%dma_start3A_457, %select_n3A_352, %dma_start3A_464] : memref<8x20x128xi32, #tpu.memory_space<vmem>> -> memref<1x1x128xi32, #tpu.memory_space<vmem>>
      %dma_start3A_466 = tpu.memref_squeeze %dma_start3A_465 : memref<1x1x128xi32, #tpu.memory_space<vmem>> -> memref<128xi32, #tpu.memory_space<vmem>>
      %dma_start3A_467 = arith.constant 0 : i32
      %dma_start3A_468 = arith.constant 0 : i32
      %dma_start3A_469 = tpu.memref_slice %arg17[%dma_start3A_467, %dma_start3A_468] : memref<1000000x16xf32, #tpu.memory_space<hbm>> -> memref<1000000x16xf32, #tpu.memory_space<hbm>>
      %dma_start3A_470 = tpu.memref_slice %arg22[%dma_start3A_459] : memref<8x!tpu.dma_semaphore, #tpu.memory_space<semaphore_mem>> -> memref<1x!tpu.dma_semaphore, #tpu.memory_space<semaphore_mem>>
      %dma_start3A_471 = tpu.memref_squeeze %dma_start3A_470 : memref<1x!tpu.dma_semaphore, #tpu.memory_space<semaphore_mem>> -> memref<!tpu.dma_semaphore, #tpu.memory_space<semaphore_mem>>
      tpu.enqueue_indirect_dma source(%dma_start3A_469 : memref<1000000x16xf32, #tpu.memory_space<hbm>>) target(%dma_start3A_463 : memref<128x16xf32, #tpu.memory_space<vmem>>) offsets(%dma_start3A_466 : memref<128xi32, #tpu.memory_space<vmem>>) semaphore(%dma_start3A_471 : memref<!tpu.dma_semaphore, #tpu.memory_space<semaphore_mem>>)
      %dma_wait3A_472 = arith.constant 0 : i32
      %dma_wait3A_473 = arith.constant 0 : i32
      %dma_wait3A_474 = arith.constant 0 : i32
      %dma_wait3A_475 = arith.constant 0 : i32
      %dma_wait3A_476 = arith.constant 0 : i32
      %dma_wait3A_477 = tpu.memref_slice %arg20[%dma_wait3A_473, %dma_wait3A_475, %dma_wait3A_476] : memref<8x128x16xf32, #tpu.memory_space<vmem>> -> memref<1x128x16xf32, #tpu.memory_space<vmem>>
      %dma_wait3A_478 = tpu.memref_squeeze %dma_wait3A_477 : memref<1x128x16xf32, #tpu.memory_space<vmem>> -> memref<128x16xf32, #tpu.memory_space<vmem>>
      %dma_wait3A_479 = arith.constant 0 : i32
      %dma_wait3A_480 = tpu.memref_slice %arg19[%dma_wait3A_472, %select_n3A_352, %dma_wait3A_479] : memref<8x20x128xi32, #tpu.memory_space<vmem>> -> memref<1x1x128xi32, #tpu.memory_space<vmem>>
      %dma_wait3A_481 = tpu.memref_squeeze %dma_wait3A_480 : memref<1x1x128xi32, #tpu.memory_space<vmem>> -> memref<128xi32, #tpu.memory_space<vmem>>
      %dma_wait3A_482 = arith.constant 0 : i32
      %dma_wait3A_483 = arith.constant 0 : i32
      %dma_wait3A_484 = tpu.memref_slice %arg10[%dma_wait3A_482, %dma_wait3A_483] : memref<10000x16xf32, #tpu.memory_space<hbm>> -> memref<10000x16xf32, #tpu.memory_space<hbm>>
      %dma_wait3A_485 = tpu.memref_slice %arg22[%dma_wait3A_474] : memref<8x!tpu.dma_semaphore, #tpu.memory_space<semaphore_mem>> -> memref<1x!tpu.dma_semaphore, #tpu.memory_space<semaphore_mem>>
      %dma_wait3A_486 = tpu.memref_squeeze %dma_wait3A_485 : memref<1x!tpu.dma_semaphore, #tpu.memory_space<semaphore_mem>> -> memref<!tpu.dma_semaphore, #tpu.memory_space<semaphore_mem>>
      tpu.wait_indirect_dma semaphore(%dma_wait3A_486 : memref<!tpu.dma_semaphore, #tpu.memory_space<semaphore_mem>>) src(%dma_wait3A_484 : memref<10000x16xf32, #tpu.memory_space<hbm>>) dst(%dma_wait3A_478 : memref<128x16xf32, #tpu.memory_space<vmem>>)
      %dma_wait3A_487 = arith.constant 1 : i32
      %dma_wait3A_488 = arith.constant 1 : i32
      %dma_wait3A_489 = arith.constant 1 : i32
      %dma_wait3A_490 = arith.constant 0 : i32
      %dma_wait3A_491 = arith.constant 0 : i32
      %dma_wait3A_492 = tpu.memref_slice %arg20[%dma_wait3A_488, %dma_wait3A_490, %dma_wait3A_491] : memref<8x128x16xf32, #tpu.memory_space<vmem>> -> memref<1x128x16xf32, #tpu.memory_space<vmem>>
      %dma_wait3A_493 = tpu.memref_squeeze %dma_wait3A_492 : memref<1x128x16xf32, #tpu.memory_space<vmem>> -> memref<128x16xf32, #tpu.memory_space<vmem>>
      %dma_wait3A_494 = arith.constant 0 : i32
      %dma_wait3A_495 = tpu.memref_slice %arg19[%dma_wait3A_487, %select_n3A_352, %dma_wait3A_494] : memref<8x20x128xi32, #tpu.memory_space<vmem>> -> memref<1x1x128xi32, #tpu.memory_space<vmem>>
      %dma_wait3A_496 = tpu.memref_squeeze %dma_wait3A_495 : memref<1x1x128xi32, #tpu.memory_space<vmem>> -> memref<128xi32, #tpu.memory_space<vmem>>
      %dma_wait3A_497 = arith.constant 0 : i32
      %dma_wait3A_498 = arith.constant 0 : i32
      %dma_wait3A_499 = tpu.memref_slice %arg11[%dma_wait3A_497, %dma_wait3A_498] : memref<50000x16xf32, #tpu.memory_space<hbm>> -> memref<50000x16xf32, #tpu.memory_space<hbm>>
      %dma_wait3A_500 = tpu.memref_slice %arg22[%dma_wait3A_489] : memref<8x!tpu.dma_semaphore, #tpu.memory_space<semaphore_mem>> -> memref<1x!tpu.dma_semaphore, #tpu.memory_space<semaphore_mem>>
      %dma_wait3A_501 = tpu.memref_squeeze %dma_wait3A_500 : memref<1x!tpu.dma_semaphore, #tpu.memory_space<semaphore_mem>> -> memref<!tpu.dma_semaphore, #tpu.memory_space<semaphore_mem>>
      tpu.wait_indirect_dma semaphore(%dma_wait3A_501 : memref<!tpu.dma_semaphore, #tpu.memory_space<semaphore_mem>>) src(%dma_wait3A_499 : memref<50000x16xf32, #tpu.memory_space<hbm>>) dst(%dma_wait3A_493 : memref<128x16xf32, #tpu.memory_space<vmem>>)
      %dma_wait3A_502 = arith.constant 2 : i32
      %dma_wait3A_503 = arith.constant 2 : i32
      %dma_wait3A_504 = arith.constant 2 : i32
      %dma_wait3A_505 = arith.constant 0 : i32
      %dma_wait3A_506 = arith.constant 0 : i32
      %dma_wait3A_507 = tpu.memref_slice %arg20[%dma_wait3A_503, %dma_wait3A_505, %dma_wait3A_506] : memref<8x128x16xf32, #tpu.memory_space<vmem>> -> memref<1x128x16xf32, #tpu.memory_space<vmem>>
      %dma_wait3A_508 = tpu.memref_squeeze %dma_wait3A_507 : memref<1x128x16xf32, #tpu.memory_space<vmem>> -> memref<128x16xf32, #tpu.memory_space<vmem>>
      %dma_wait3A_509 = arith.constant 0 : i32
      %dma_wait3A_510 = tpu.memref_slice %arg19[%dma_wait3A_502, %select_n3A_352, %dma_wait3A_509] : memref<8x20x128xi32, #tpu.memory_space<vmem>> -> memref<1x1x128xi32, #tpu.memory_space<vmem>>
      %dma_wait3A_511 = tpu.memref_squeeze %dma_wait3A_510 : memref<1x1x128xi32, #tpu.memory_space<vmem>> -> memref<128xi32, #tpu.memory_space<vmem>>
      %dma_wait3A_512 = arith.constant 0 : i32
      %dma_wait3A_513 = arith.constant 0 : i32
      %dma_wait3A_514 = tpu.memref_slice %arg12[%dma_wait3A_512, %dma_wait3A_513] : memref<200000x16xf32, #tpu.memory_space<hbm>> -> memref<200000x16xf32, #tpu.memory_space<hbm>>
      %dma_wait3A_515 = tpu.memref_slice %arg22[%dma_wait3A_504] : memref<8x!tpu.dma_semaphore, #tpu.memory_space<semaphore_mem>> -> memref<1x!tpu.dma_semaphore, #tpu.memory_space<semaphore_mem>>
      %dma_wait3A_516 = tpu.memref_squeeze %dma_wait3A_515 : memref<1x!tpu.dma_semaphore, #tpu.memory_space<semaphore_mem>> -> memref<!tpu.dma_semaphore, #tpu.memory_space<semaphore_mem>>
      tpu.wait_indirect_dma semaphore(%dma_wait3A_516 : memref<!tpu.dma_semaphore, #tpu.memory_space<semaphore_mem>>) src(%dma_wait3A_514 : memref<200000x16xf32, #tpu.memory_space<hbm>>) dst(%dma_wait3A_508 : memref<128x16xf32, #tpu.memory_space<vmem>>)
      %dma_wait3A_517 = arith.constant 3 : i32
      %dma_wait3A_518 = arith.constant 3 : i32
      %dma_wait3A_519 = arith.constant 3 : i32
      %dma_wait3A_520 = arith.constant 0 : i32
      %dma_wait3A_521 = arith.constant 0 : i32
      %dma_wait3A_522 = tpu.memref_slice %arg20[%dma_wait3A_518, %dma_wait3A_520, %dma_wait3A_521] : memref<8x128x16xf32, #tpu.memory_space<vmem>> -> memref<1x128x16xf32, #tpu.memory_space<vmem>>
      %dma_wait3A_523 = tpu.memref_squeeze %dma_wait3A_522 : memref<1x128x16xf32, #tpu.memory_space<vmem>> -> memref<128x16xf32, #tpu.memory_space<vmem>>
      %dma_wait3A_524 = arith.constant 0 : i32
      %dma_wait3A_525 = tpu.memref_slice %arg19[%dma_wait3A_517, %select_n3A_352, %dma_wait3A_524] : memref<8x20x128xi32, #tpu.memory_space<vmem>> -> memref<1x1x128xi32, #tpu.memory_space<vmem>>
      %dma_wait3A_526 = tpu.memref_squeeze %dma_wait3A_525 : memref<1x1x128xi32, #tpu.memory_space<vmem>> -> memref<128xi32, #tpu.memory_space<vmem>>
      %dma_wait3A_527 = arith.constant 0 : i32
      %dma_wait3A_528 = arith.constant 0 : i32
      %dma_wait3A_529 = tpu.memref_slice %arg13[%dma_wait3A_527, %dma_wait3A_528] : memref<1000000x16xf32, #tpu.memory_space<hbm>> -> memref<1000000x16xf32, #tpu.memory_space<hbm>>
      %dma_wait3A_530 = tpu.memref_slice %arg22[%dma_wait3A_519] : memref<8x!tpu.dma_semaphore, #tpu.memory_space<semaphore_mem>> -> memref<1x!tpu.dma_semaphore, #tpu.memory_space<semaphore_mem>>
      %dma_wait3A_531 = tpu.memref_squeeze %dma_wait3A_530 : memref<1x!tpu.dma_semaphore, #tpu.memory_space<semaphore_mem>> -> memref<!tpu.dma_semaphore, #tpu.memory_space<semaphore_mem>>
      tpu.wait_indirect_dma semaphore(%dma_wait3A_531 : memref<!tpu.dma_semaphore, #tpu.memory_space<semaphore_mem>>) src(%dma_wait3A_529 : memref<1000000x16xf32, #tpu.memory_space<hbm>>) dst(%dma_wait3A_523 : memref<128x16xf32, #tpu.memory_space<vmem>>)
      %dma_wait3A_532 = arith.constant 4 : i32
      %dma_wait3A_533 = arith.constant 4 : i32
      %dma_wait3A_534 = arith.constant 4 : i32
      %dma_wait3A_535 = arith.constant 0 : i32
      %dma_wait3A_536 = arith.constant 0 : i32
      %dma_wait3A_537 = tpu.memref_slice %arg20[%dma_wait3A_533, %dma_wait3A_535, %dma_wait3A_536] : memref<8x128x16xf32, #tpu.memory_space<vmem>> -> memref<1x128x16xf32, #tpu.memory_space<vmem>>
      %dma_wait3A_538 = tpu.memref_squeeze %dma_wait3A_537 : memref<1x128x16xf32, #tpu.memory_space<vmem>> -> memref<128x16xf32, #tpu.memory_space<vmem>>
      %dma_wait3A_539 = arith.constant 0 : i32
      %dma_wait3A_540 = tpu.memref_slice %arg19[%dma_wait3A_532, %select_n3A_352, %dma_wait3A_539] : memref<8x20x128xi32, #tpu.memory_space<vmem>> -> memref<1x1x128xi32, #tpu.memory_space<vmem>>
      %dma_wait3A_541 = tpu.memref_squeeze %dma_wait3A_540 : memref<1x1x128xi32, #tpu.memory_space<vmem>> -> memref<128xi32, #tpu.memory_space<vmem>>
      %dma_wait3A_542 = arith.constant 0 : i32
      %dma_wait3A_543 = arith.constant 0 : i32
      %dma_wait3A_544 = tpu.memref_slice %arg14[%dma_wait3A_542, %dma_wait3A_543] : memref<20000x16xf32, #tpu.memory_space<hbm>> -> memref<20000x16xf32, #tpu.memory_space<hbm>>
      %dma_wait3A_545 = tpu.memref_slice %arg22[%dma_wait3A_534] : memref<8x!tpu.dma_semaphore, #tpu.memory_space<semaphore_mem>> -> memref<1x!tpu.dma_semaphore, #tpu.memory_space<semaphore_mem>>
      %dma_wait3A_546 = tpu.memref_squeeze %dma_wait3A_545 : memref<1x!tpu.dma_semaphore, #tpu.memory_space<semaphore_mem>> -> memref<!tpu.dma_semaphore, #tpu.memory_space<semaphore_mem>>
      tpu.wait_indirect_dma semaphore(%dma_wait3A_546 : memref<!tpu.dma_semaphore, #tpu.memory_space<semaphore_mem>>) src(%dma_wait3A_544 : memref<20000x16xf32, #tpu.memory_space<hbm>>) dst(%dma_wait3A_538 : memref<128x16xf32, #tpu.memory_space<vmem>>)
      %dma_wait3A_547 = arith.constant 5 : i32
      %dma_wait3A_548 = arith.constant 5 : i32
      %dma_wait3A_549 = arith.constant 5 : i32
      %dma_wait3A_550 = arith.constant 0 : i32
      %dma_wait3A_551 = arith.constant 0 : i32
      %dma_wait3A_552 = tpu.memref_slice %arg20[%dma_wait3A_548, %dma_wait3A_550, %dma_wait3A_551] : memref<8x128x16xf32, #tpu.memory_space<vmem>> -> memref<1x128x16xf32, #tpu.memory_space<vmem>>
      %dma_wait3A_553 = tpu.memref_squeeze %dma_wait3A_552 : memref<1x128x16xf32, #tpu.memory_space<vmem>> -> memref<128x16xf32, #tpu.memory_space<vmem>>
      %dma_wait3A_554 = arith.constant 0 : i32
      %dma_wait3A_555 = tpu.memref_slice %arg19[%dma_wait3A_547, %select_n3A_352, %dma_wait3A_554] : memref<8x20x128xi32, #tpu.memory_space<vmem>> -> memref<1x1x128xi32, #tpu.memory_space<vmem>>
      %dma_wait3A_556 = tpu.memref_squeeze %dma_wait3A_555 : memref<1x1x128xi32, #tpu.memory_space<vmem>> -> memref<128xi32, #tpu.memory_space<vmem>>
      %dma_wait3A_557 = arith.constant 0 : i32
      %dma_wait3A_558 = arith.constant 0 : i32
      %dma_wait3A_559 = tpu.memref_slice %arg15[%dma_wait3A_557, %dma_wait3A_558] : memref<100000x16xf32, #tpu.memory_space<hbm>> -> memref<100000x16xf32, #tpu.memory_space<hbm>>
      %dma_wait3A_560 = tpu.memref_slice %arg22[%dma_wait3A_549] : memref<8x!tpu.dma_semaphore, #tpu.memory_space<semaphore_mem>> -> memref<1x!tpu.dma_semaphore, #tpu.memory_space<semaphore_mem>>
      %dma_wait3A_561 = tpu.memref_squeeze %dma_wait3A_560 : memref<1x!tpu.dma_semaphore, #tpu.memory_space<semaphore_mem>> -> memref<!tpu.dma_semaphore, #tpu.memory_space<semaphore_mem>>
      tpu.wait_indirect_dma semaphore(%dma_wait3A_561 : memref<!tpu.dma_semaphore, #tpu.memory_space<semaphore_mem>>) src(%dma_wait3A_559 : memref<100000x16xf32, #tpu.memory_space<hbm>>) dst(%dma_wait3A_553 : memref<128x16xf32, #tpu.memory_space<vmem>>)
      %dma_wait3A_562 = arith.constant 6 : i32
      %dma_wait3A_563 = arith.constant 6 : i32
      %dma_wait3A_564 = arith.constant 6 : i32
      %dma_wait3A_565 = arith.constant 0 : i32
      %dma_wait3A_566 = arith.constant 0 : i32
      %dma_wait3A_567 = tpu.memref_slice %arg20[%dma_wait3A_563, %dma_wait3A_565, %dma_wait3A_566] : memref<8x128x16xf32, #tpu.memory_space<vmem>> -> memref<1x128x16xf32, #tpu.memory_space<vmem>>
      %dma_wait3A_568 = tpu.memref_squeeze %dma_wait3A_567 : memref<1x128x16xf32, #tpu.memory_space<vmem>> -> memref<128x16xf32, #tpu.memory_space<vmem>>
      %dma_wait3A_569 = arith.constant 0 : i32
      %dma_wait3A_570 = tpu.memref_slice %arg19[%dma_wait3A_562, %select_n3A_352, %dma_wait3A_569] : memref<8x20x128xi32, #tpu.memory_space<vmem>> -> memref<1x1x128xi32, #tpu.memory_space<vmem>>
      %dma_wait3A_571 = tpu.memref_squeeze %dma_wait3A_570 : memref<1x1x128xi32, #tpu.memory_space<vmem>> -> memref<128xi32, #tpu.memory_space<vmem>>
      %dma_wait3A_572 = arith.constant 0 : i32
      %dma_wait3A_573 = arith.constant 0 : i32
      %dma_wait3A_574 = tpu.memref_slice %arg16[%dma_wait3A_572, %dma_wait3A_573] : memref<400000x16xf32, #tpu.memory_space<hbm>> -> memref<400000x16xf32, #tpu.memory_space<hbm>>
      %dma_wait3A_575 = tpu.memref_slice %arg22[%dma_wait3A_564] : memref<8x!tpu.dma_semaphore, #tpu.memory_space<semaphore_mem>> -> memref<1x!tpu.dma_semaphore, #tpu.memory_space<semaphore_mem>>
      %dma_wait3A_576 = tpu.memref_squeeze %dma_wait3A_575 : memref<1x!tpu.dma_semaphore, #tpu.memory_space<semaphore_mem>> -> memref<!tpu.dma_semaphore, #tpu.memory_space<semaphore_mem>>
      tpu.wait_indirect_dma semaphore(%dma_wait3A_576 : memref<!tpu.dma_semaphore, #tpu.memory_space<semaphore_mem>>) src(%dma_wait3A_574 : memref<400000x16xf32, #tpu.memory_space<hbm>>) dst(%dma_wait3A_568 : memref<128x16xf32, #tpu.memory_space<vmem>>)
      %dma_wait3A_577 = arith.constant 7 : i32
      %dma_wait3A_578 = arith.constant 7 : i32
      %dma_wait3A_579 = arith.constant 7 : i32
      %dma_wait3A_580 = arith.constant 0 : i32
      %dma_wait3A_581 = arith.constant 0 : i32
      %dma_wait3A_582 = tpu.memref_slice %arg20[%dma_wait3A_578, %dma_wait3A_580, %dma_wait3A_581] : memref<8x128x16xf32, #tpu.memory_space<vmem>> -> memref<1x128x16xf32, #tpu.memory_space<vmem>>
      %dma_wait3A_583 = tpu.memref_squeeze %dma_wait3A_582 : memref<1x128x16xf32, #tpu.memory_space<vmem>> -> memref<128x16xf32, #tpu.memory_space<vmem>>
      %dma_wait3A_584 = arith.constant 0 : i32
      %dma_wait3A_585 = tpu.memref_slice %arg19[%dma_wait3A_577, %select_n3A_352, %dma_wait3A_584] : memref<8x20x128xi32, #tpu.memory_space<vmem>> -> memref<1x1x128xi32, #tpu.memory_space<vmem>>
      %dma_wait3A_586 = tpu.memref_squeeze %dma_wait3A_585 : memref<1x1x128xi32, #tpu.memory_space<vmem>> -> memref<128xi32, #tpu.memory_space<vmem>>
      %dma_wait3A_587 = arith.constant 0 : i32
      %dma_wait3A_588 = arith.constant 0 : i32
      %dma_wait3A_589 = tpu.memref_slice %arg17[%dma_wait3A_587, %dma_wait3A_588] : memref<1000000x16xf32, #tpu.memory_space<hbm>> -> memref<1000000x16xf32, #tpu.memory_space<hbm>>
      %dma_wait3A_590 = tpu.memref_slice %arg22[%dma_wait3A_579] : memref<8x!tpu.dma_semaphore, #tpu.memory_space<semaphore_mem>> -> memref<1x!tpu.dma_semaphore, #tpu.memory_space<semaphore_mem>>
      %dma_wait3A_591 = tpu.memref_squeeze %dma_wait3A_590 : memref<1x!tpu.dma_semaphore, #tpu.memory_space<semaphore_mem>> -> memref<!tpu.dma_semaphore, #tpu.memory_space<semaphore_mem>>
      tpu.wait_indirect_dma semaphore(%dma_wait3A_591 : memref<!tpu.dma_semaphore, #tpu.memory_space<semaphore_mem>>) src(%dma_wait3A_589 : memref<1000000x16xf32, #tpu.memory_space<hbm>>) dst(%dma_wait3A_583 : memref<128x16xf32, #tpu.memory_space<vmem>>)
      %mul3A_592 = arith.constant 128 : i32
      %mul3A_593 = arith.muli %mul3A_299, %mul3A_592 : i32
      %add3A_594 = arith.addi %mul3A_4, %mul3A_593 : i32
      %dma_start3A_595 = arith.constant 0 : i32
      %dma_start3A_596 = arith.constant 0 : i32
      %dma_start3A_597 = arith.constant 0 : i32
      %dma_start3A_598 = arith.constant 0 : i32
      %dma_start3A_599 = tpu.memref_slice %arg20[%dma_start3A_595, %dma_start3A_597, %dma_start3A_598] : memref<8x128x16xf32, #tpu.memory_space<vmem>> -> memref<1x128x16xf32, #tpu.memory_space<vmem>>
      %dma_start3A_600 = tpu.memref_squeeze %dma_start3A_599 : memref<1x128x16xf32, #tpu.memory_space<vmem>> -> memref<128x16xf32, #tpu.memory_space<vmem>>
      %dma_start3A_601 = arith.constant 0 : i32
      %dma_start3A_602 = tpu.memref_slice %arg18[%add3A_594, %dma_start3A_601] : memref<819200x128xf32, #tpu.memory_space<hbm>> -> memref<128x16xf32, #tpu.memory_space<hbm>>
      %dma_start3A_603 = tpu.memref_slice %arg23[%dma_start3A_596] : memref<8x!tpu.dma_semaphore, #tpu.memory_space<semaphore_mem>> -> memref<1x!tpu.dma_semaphore, #tpu.memory_space<semaphore_mem>>
      %dma_start3A_604 = tpu.memref_squeeze %dma_start3A_603 : memref<1x!tpu.dma_semaphore, #tpu.memory_space<semaphore_mem>> -> memref<!tpu.dma_semaphore, #tpu.memory_space<semaphore_mem>>
      %dma_start3A_605 = arith.constant 0 : i32
      %dma_start3A_606 = tpu.memref_slice %arg18[%add3A_594, %dma_start3A_605] : memref<819200x128xf32, #tpu.memory_space<hbm>> -> memref<128x16xf32, #tpu.memory_space<hbm>>
      %dma_start3A_607 = arith.constant 0 : i32
      %dma_start3A_608 = arith.constant 0 : i32
      %dma_start3A_609 = tpu.memref_slice %arg20[%dma_start3A_595, %dma_start3A_607, %dma_start3A_608] : memref<8x128x16xf32, #tpu.memory_space<vmem>> -> memref<1x128x16xf32, #tpu.memory_space<vmem>>
      %dma_start3A_610 = tpu.memref_squeeze %dma_start3A_609 : memref<1x128x16xf32, #tpu.memory_space<vmem>> -> memref<128x16xf32, #tpu.memory_space<vmem>>
      tpu.enqueue_dma source(%dma_start3A_610 : memref<128x16xf32, #tpu.memory_space<vmem>>) target(%dma_start3A_606 : memref<128x16xf32, #tpu.memory_space<hbm>>) target_semaphore(%dma_start3A_604 : memref<!tpu.dma_semaphore, #tpu.memory_space<semaphore_mem>>)
      %dma_start3A_611 = arith.constant 1 : i32
      %dma_start3A_612 = arith.constant 1 : i32
      %dma_start3A_613 = arith.constant 0 : i32
      %dma_start3A_614 = arith.constant 0 : i32
      %dma_start3A_615 = tpu.memref_slice %arg20[%dma_start3A_611, %dma_start3A_613, %dma_start3A_614] : memref<8x128x16xf32, #tpu.memory_space<vmem>> -> memref<1x128x16xf32, #tpu.memory_space<vmem>>
      %dma_start3A_616 = tpu.memref_squeeze %dma_start3A_615 : memref<1x128x16xf32, #tpu.memory_space<vmem>> -> memref<128x16xf32, #tpu.memory_space<vmem>>
      %dma_start3A_617 = arith.constant 16 : i32
      %dma_start3A_618 = tpu.memref_slice %arg18[%add3A_594, %dma_start3A_617] : memref<819200x128xf32, #tpu.memory_space<hbm>> -> memref<128x16xf32, #tpu.memory_space<hbm>>
      %dma_start3A_619 = tpu.memref_slice %arg23[%dma_start3A_612] : memref<8x!tpu.dma_semaphore, #tpu.memory_space<semaphore_mem>> -> memref<1x!tpu.dma_semaphore, #tpu.memory_space<semaphore_mem>>
      %dma_start3A_620 = tpu.memref_squeeze %dma_start3A_619 : memref<1x!tpu.dma_semaphore, #tpu.memory_space<semaphore_mem>> -> memref<!tpu.dma_semaphore, #tpu.memory_space<semaphore_mem>>
      %dma_start3A_621 = arith.constant 16 : i32
      %dma_start3A_622 = tpu.memref_slice %arg18[%add3A_594, %dma_start3A_621] : memref<819200x128xf32, #tpu.memory_space<hbm>> -> memref<128x16xf32, #tpu.memory_space<hbm>>
      %dma_start3A_623 = arith.constant 0 : i32
      %dma_start3A_624 = arith.constant 0 : i32
      %dma_start3A_625 = tpu.memref_slice %arg20[%dma_start3A_611, %dma_start3A_623, %dma_start3A_624] : memref<8x128x16xf32, #tpu.memory_space<vmem>> -> memref<1x128x16xf32, #tpu.memory_space<vmem>>
      %dma_start3A_626 = tpu.memref_squeeze %dma_start3A_625 : memref<1x128x16xf32, #tpu.memory_space<vmem>> -> memref<128x16xf32, #tpu.memory_space<vmem>>
      tpu.enqueue_dma source(%dma_start3A_626 : memref<128x16xf32, #tpu.memory_space<vmem>>) target(%dma_start3A_622 : memref<128x16xf32, #tpu.memory_space<hbm>>) target_semaphore(%dma_start3A_620 : memref<!tpu.dma_semaphore, #tpu.memory_space<semaphore_mem>>)
      %dma_start3A_627 = arith.constant 2 : i32
      %dma_start3A_628 = arith.constant 2 : i32
      %dma_start3A_629 = arith.constant 0 : i32
      %dma_start3A_630 = arith.constant 0 : i32
      %dma_start3A_631 = tpu.memref_slice %arg20[%dma_start3A_627, %dma_start3A_629, %dma_start3A_630] : memref<8x128x16xf32, #tpu.memory_space<vmem>> -> memref<1x128x16xf32, #tpu.memory_space<vmem>>
      %dma_start3A_632 = tpu.memref_squeeze %dma_start3A_631 : memref<1x128x16xf32, #tpu.memory_space<vmem>> -> memref<128x16xf32, #tpu.memory_space<vmem>>
      %dma_start3A_633 = arith.constant 32 : i32
      %dma_start3A_634 = tpu.memref_slice %arg18[%add3A_594, %dma_start3A_633] : memref<819200x128xf32, #tpu.memory_space<hbm>> -> memref<128x16xf32, #tpu.memory_space<hbm>>
      %dma_start3A_635 = tpu.memref_slice %arg23[%dma_start3A_628] : memref<8x!tpu.dma_semaphore, #tpu.memory_space<semaphore_mem>> -> memref<1x!tpu.dma_semaphore, #tpu.memory_space<semaphore_mem>>
      %dma_start3A_636 = tpu.memref_squeeze %dma_start3A_635 : memref<1x!tpu.dma_semaphore, #tpu.memory_space<semaphore_mem>> -> memref<!tpu.dma_semaphore, #tpu.memory_space<semaphore_mem>>
      %dma_start3A_637 = arith.constant 32 : i32
      %dma_start3A_638 = tpu.memref_slice %arg18[%add3A_594, %dma_start3A_637] : memref<819200x128xf32, #tpu.memory_space<hbm>> -> memref<128x16xf32, #tpu.memory_space<hbm>>
      %dma_start3A_639 = arith.constant 0 : i32
      %dma_start3A_640 = arith.constant 0 : i32
      %dma_start3A_641 = tpu.memref_slice %arg20[%dma_start3A_627, %dma_start3A_639, %dma_start3A_640] : memref<8x128x16xf32, #tpu.memory_space<vmem>> -> memref<1x128x16xf32, #tpu.memory_space<vmem>>
      %dma_start3A_642 = tpu.memref_squeeze %dma_start3A_641 : memref<1x128x16xf32, #tpu.memory_space<vmem>> -> memref<128x16xf32, #tpu.memory_space<vmem>>
      tpu.enqueue_dma source(%dma_start3A_642 : memref<128x16xf32, #tpu.memory_space<vmem>>) target(%dma_start3A_638 : memref<128x16xf32, #tpu.memory_space<hbm>>) target_semaphore(%dma_start3A_636 : memref<!tpu.dma_semaphore, #tpu.memory_space<semaphore_mem>>)
      %dma_start3A_643 = arith.constant 3 : i32
      %dma_start3A_644 = arith.constant 3 : i32
      %dma_start3A_645 = arith.constant 0 : i32
      %dma_start3A_646 = arith.constant 0 : i32
      %dma_start3A_647 = tpu.memref_slice %arg20[%dma_start3A_643, %dma_start3A_645, %dma_start3A_646] : memref<8x128x16xf32, #tpu.memory_space<vmem>> -> memref<1x128x16xf32, #tpu.memory_space<vmem>>
      %dma_start3A_648 = tpu.memref_squeeze %dma_start3A_647 : memref<1x128x16xf32, #tpu.memory_space<vmem>> -> memref<128x16xf32, #tpu.memory_space<vmem>>
      %dma_start3A_649 = arith.constant 48 : i32
      %dma_start3A_650 = tpu.memref_slice %arg18[%add3A_594, %dma_start3A_649] : memref<819200x128xf32, #tpu.memory_space<hbm>> -> memref<128x16xf32, #tpu.memory_space<hbm>>
      %dma_start3A_651 = tpu.memref_slice %arg23[%dma_start3A_644] : memref<8x!tpu.dma_semaphore, #tpu.memory_space<semaphore_mem>> -> memref<1x!tpu.dma_semaphore, #tpu.memory_space<semaphore_mem>>
      %dma_start3A_652 = tpu.memref_squeeze %dma_start3A_651 : memref<1x!tpu.dma_semaphore, #tpu.memory_space<semaphore_mem>> -> memref<!tpu.dma_semaphore, #tpu.memory_space<semaphore_mem>>
      %dma_start3A_653 = arith.constant 48 : i32
      %dma_start3A_654 = tpu.memref_slice %arg18[%add3A_594, %dma_start3A_653] : memref<819200x128xf32, #tpu.memory_space<hbm>> -> memref<128x16xf32, #tpu.memory_space<hbm>>
      %dma_start3A_655 = arith.constant 0 : i32
      %dma_start3A_656 = arith.constant 0 : i32
      %dma_start3A_657 = tpu.memref_slice %arg20[%dma_start3A_643, %dma_start3A_655, %dma_start3A_656] : memref<8x128x16xf32, #tpu.memory_space<vmem>> -> memref<1x128x16xf32, #tpu.memory_space<vmem>>
      %dma_start3A_658 = tpu.memref_squeeze %dma_start3A_657 : memref<1x128x16xf32, #tpu.memory_space<vmem>> -> memref<128x16xf32, #tpu.memory_space<vmem>>
      tpu.enqueue_dma source(%dma_start3A_658 : memref<128x16xf32, #tpu.memory_space<vmem>>) target(%dma_start3A_654 : memref<128x16xf32, #tpu.memory_space<hbm>>) target_semaphore(%dma_start3A_652 : memref<!tpu.dma_semaphore, #tpu.memory_space<semaphore_mem>>)
      %dma_start3A_659 = arith.constant 4 : i32
      %dma_start3A_660 = arith.constant 4 : i32
      %dma_start3A_661 = arith.constant 0 : i32
      %dma_start3A_662 = arith.constant 0 : i32
      %dma_start3A_663 = tpu.memref_slice %arg20[%dma_start3A_659, %dma_start3A_661, %dma_start3A_662] : memref<8x128x16xf32, #tpu.memory_space<vmem>> -> memref<1x128x16xf32, #tpu.memory_space<vmem>>
      %dma_start3A_664 = tpu.memref_squeeze %dma_start3A_663 : memref<1x128x16xf32, #tpu.memory_space<vmem>> -> memref<128x16xf32, #tpu.memory_space<vmem>>
      %dma_start3A_665 = arith.constant 64 : i32
      %dma_start3A_666 = tpu.memref_slice %arg18[%add3A_594, %dma_start3A_665] : memref<819200x128xf32, #tpu.memory_space<hbm>> -> memref<128x16xf32, #tpu.memory_space<hbm>>
      %dma_start3A_667 = tpu.memref_slice %arg23[%dma_start3A_660] : memref<8x!tpu.dma_semaphore, #tpu.memory_space<semaphore_mem>> -> memref<1x!tpu.dma_semaphore, #tpu.memory_space<semaphore_mem>>
      %dma_start3A_668 = tpu.memref_squeeze %dma_start3A_667 : memref<1x!tpu.dma_semaphore, #tpu.memory_space<semaphore_mem>> -> memref<!tpu.dma_semaphore, #tpu.memory_space<semaphore_mem>>
      %dma_start3A_669 = arith.constant 64 : i32
      %dma_start3A_670 = tpu.memref_slice %arg18[%add3A_594, %dma_start3A_669] : memref<819200x128xf32, #tpu.memory_space<hbm>> -> memref<128x16xf32, #tpu.memory_space<hbm>>
      %dma_start3A_671 = arith.constant 0 : i32
      %dma_start3A_672 = arith.constant 0 : i32
      %dma_start3A_673 = tpu.memref_slice %arg20[%dma_start3A_659, %dma_start3A_671, %dma_start3A_672] : memref<8x128x16xf32, #tpu.memory_space<vmem>> -> memref<1x128x16xf32, #tpu.memory_space<vmem>>
      %dma_start3A_674 = tpu.memref_squeeze %dma_start3A_673 : memref<1x128x16xf32, #tpu.memory_space<vmem>> -> memref<128x16xf32, #tpu.memory_space<vmem>>
      tpu.enqueue_dma source(%dma_start3A_674 : memref<128x16xf32, #tpu.memory_space<vmem>>) target(%dma_start3A_670 : memref<128x16xf32, #tpu.memory_space<hbm>>) target_semaphore(%dma_start3A_668 : memref<!tpu.dma_semaphore, #tpu.memory_space<semaphore_mem>>)
      %dma_start3A_675 = arith.constant 5 : i32
      %dma_start3A_676 = arith.constant 5 : i32
      %dma_start3A_677 = arith.constant 0 : i32
      %dma_start3A_678 = arith.constant 0 : i32
      %dma_start3A_679 = tpu.memref_slice %arg20[%dma_start3A_675, %dma_start3A_677, %dma_start3A_678] : memref<8x128x16xf32, #tpu.memory_space<vmem>> -> memref<1x128x16xf32, #tpu.memory_space<vmem>>
      %dma_start3A_680 = tpu.memref_squeeze %dma_start3A_679 : memref<1x128x16xf32, #tpu.memory_space<vmem>> -> memref<128x16xf32, #tpu.memory_space<vmem>>
      %dma_start3A_681 = arith.constant 80 : i32
      %dma_start3A_682 = tpu.memref_slice %arg18[%add3A_594, %dma_start3A_681] : memref<819200x128xf32, #tpu.memory_space<hbm>> -> memref<128x16xf32, #tpu.memory_space<hbm>>
      %dma_start3A_683 = tpu.memref_slice %arg23[%dma_start3A_676] : memref<8x!tpu.dma_semaphore, #tpu.memory_space<semaphore_mem>> -> memref<1x!tpu.dma_semaphore, #tpu.memory_space<semaphore_mem>>
      %dma_start3A_684 = tpu.memref_squeeze %dma_start3A_683 : memref<1x!tpu.dma_semaphore, #tpu.memory_space<semaphore_mem>> -> memref<!tpu.dma_semaphore, #tpu.memory_space<semaphore_mem>>
      %dma_start3A_685 = arith.constant 80 : i32
      %dma_start3A_686 = tpu.memref_slice %arg18[%add3A_594, %dma_start3A_685] : memref<819200x128xf32, #tpu.memory_space<hbm>> -> memref<128x16xf32, #tpu.memory_space<hbm>>
      %dma_start3A_687 = arith.constant 0 : i32
      %dma_start3A_688 = arith.constant 0 : i32
      %dma_start3A_689 = tpu.memref_slice %arg20[%dma_start3A_675, %dma_start3A_687, %dma_start3A_688] : memref<8x128x16xf32, #tpu.memory_space<vmem>> -> memref<1x128x16xf32, #tpu.memory_space<vmem>>
      %dma_start3A_690 = tpu.memref_squeeze %dma_start3A_689 : memref<1x128x16xf32, #tpu.memory_space<vmem>> -> memref<128x16xf32, #tpu.memory_space<vmem>>
      tpu.enqueue_dma source(%dma_start3A_690 : memref<128x16xf32, #tpu.memory_space<vmem>>) target(%dma_start3A_686 : memref<128x16xf32, #tpu.memory_space<hbm>>) target_semaphore(%dma_start3A_684 : memref<!tpu.dma_semaphore, #tpu.memory_space<semaphore_mem>>)
      %dma_start3A_691 = arith.constant 6 : i32
      %dma_start3A_692 = arith.constant 6 : i32
      %dma_start3A_693 = arith.constant 0 : i32
      %dma_start3A_694 = arith.constant 0 : i32
      %dma_start3A_695 = tpu.memref_slice %arg20[%dma_start3A_691, %dma_start3A_693, %dma_start3A_694] : memref<8x128x16xf32, #tpu.memory_space<vmem>> -> memref<1x128x16xf32, #tpu.memory_space<vmem>>
      %dma_start3A_696 = tpu.memref_squeeze %dma_start3A_695 : memref<1x128x16xf32, #tpu.memory_space<vmem>> -> memref<128x16xf32, #tpu.memory_space<vmem>>
      %dma_start3A_697 = arith.constant 96 : i32
      %dma_start3A_698 = tpu.memref_slice %arg18[%add3A_594, %dma_start3A_697] : memref<819200x128xf32, #tpu.memory_space<hbm>> -> memref<128x16xf32, #tpu.memory_space<hbm>>
      %dma_start3A_699 = tpu.memref_slice %arg23[%dma_start3A_692] : memref<8x!tpu.dma_semaphore, #tpu.memory_space<semaphore_mem>> -> memref<1x!tpu.dma_semaphore, #tpu.memory_space<semaphore_mem>>
      %dma_start3A_700 = tpu.memref_squeeze %dma_start3A_699 : memref<1x!tpu.dma_semaphore, #tpu.memory_space<semaphore_mem>> -> memref<!tpu.dma_semaphore, #tpu.memory_space<semaphore_mem>>
      %dma_start3A_701 = arith.constant 96 : i32
      %dma_start3A_702 = tpu.memref_slice %arg18[%add3A_594, %dma_start3A_701] : memref<819200x128xf32, #tpu.memory_space<hbm>> -> memref<128x16xf32, #tpu.memory_space<hbm>>
      %dma_start3A_703 = arith.constant 0 : i32
      %dma_start3A_704 = arith.constant 0 : i32
      %dma_start3A_705 = tpu.memref_slice %arg20[%dma_start3A_691, %dma_start3A_703, %dma_start3A_704] : memref<8x128x16xf32, #tpu.memory_space<vmem>> -> memref<1x128x16xf32, #tpu.memory_space<vmem>>
      %dma_start3A_706 = tpu.memref_squeeze %dma_start3A_705 : memref<1x128x16xf32, #tpu.memory_space<vmem>> -> memref<128x16xf32, #tpu.memory_space<vmem>>
      tpu.enqueue_dma source(%dma_start3A_706 : memref<128x16xf32, #tpu.memory_space<vmem>>) target(%dma_start3A_702 : memref<128x16xf32, #tpu.memory_space<hbm>>) target_semaphore(%dma_start3A_700 : memref<!tpu.dma_semaphore, #tpu.memory_space<semaphore_mem>>)
      %dma_start3A_707 = arith.constant 7 : i32
      %dma_start3A_708 = arith.constant 7 : i32
      %dma_start3A_709 = arith.constant 0 : i32
      %dma_start3A_710 = arith.constant 0 : i32
      %dma_start3A_711 = tpu.memref_slice %arg20[%dma_start3A_707, %dma_start3A_709, %dma_start3A_710] : memref<8x128x16xf32, #tpu.memory_space<vmem>> -> memref<1x128x16xf32, #tpu.memory_space<vmem>>
      %dma_start3A_712 = tpu.memref_squeeze %dma_start3A_711 : memref<1x128x16xf32, #tpu.memory_space<vmem>> -> memref<128x16xf32, #tpu.memory_space<vmem>>
      %dma_start3A_713 = arith.constant 112 : i32
      %dma_start3A_714 = tpu.memref_slice %arg18[%add3A_594, %dma_start3A_713] : memref<819200x128xf32, #tpu.memory_space<hbm>> -> memref<128x16xf32, #tpu.memory_space<hbm>>
      %dma_start3A_715 = tpu.memref_slice %arg23[%dma_start3A_708] : memref<8x!tpu.dma_semaphore, #tpu.memory_space<semaphore_mem>> -> memref<1x!tpu.dma_semaphore, #tpu.memory_space<semaphore_mem>>
      %dma_start3A_716 = tpu.memref_squeeze %dma_start3A_715 : memref<1x!tpu.dma_semaphore, #tpu.memory_space<semaphore_mem>> -> memref<!tpu.dma_semaphore, #tpu.memory_space<semaphore_mem>>
      %dma_start3A_717 = arith.constant 112 : i32
      %dma_start3A_718 = tpu.memref_slice %arg18[%add3A_594, %dma_start3A_717] : memref<819200x128xf32, #tpu.memory_space<hbm>> -> memref<128x16xf32, #tpu.memory_space<hbm>>
      %dma_start3A_719 = arith.constant 0 : i32
      %dma_start3A_720 = arith.constant 0 : i32
      %dma_start3A_721 = tpu.memref_slice %arg20[%dma_start3A_707, %dma_start3A_719, %dma_start3A_720] : memref<8x128x16xf32, #tpu.memory_space<vmem>> -> memref<1x128x16xf32, #tpu.memory_space<vmem>>
      %dma_start3A_722 = tpu.memref_squeeze %dma_start3A_721 : memref<1x128x16xf32, #tpu.memory_space<vmem>> -> memref<128x16xf32, #tpu.memory_space<vmem>>
      tpu.enqueue_dma source(%dma_start3A_722 : memref<128x16xf32, #tpu.memory_space<vmem>>) target(%dma_start3A_718 : memref<128x16xf32, #tpu.memory_space<hbm>>) target_semaphore(%dma_start3A_716 : memref<!tpu.dma_semaphore, #tpu.memory_space<semaphore_mem>>)
      %gt3A_723 = arith.constant 0 : i32
      %gt3A_724 = arith.cmpi sgt, %scan3A_297, %gt3A_723 : i32
      %convert_element_type3A_725 = arith.extui %gt3A_724 : i1 to i32
      %cond3A_726 = arith.constant 0 : i32
      %cond3A_727 = arith.cmpi ne, %convert_element_type3A_725, %cond3A_726 : i32
      scf.if %cond3A_727 {
        %dma_wait3A_1141 = arith.constant 0 : i32
        %dma_wait3A_1142 = arith.constant 0 : i32
        %dma_wait3A_1143 = arith.constant 0 : i32
        %dma_wait3A_1144 = arith.constant 0 : i32
        %dma_wait3A_1145 = tpu.memref_slice %arg21[%dma_wait3A_1141, %dma_wait3A_1143, %dma_wait3A_1144] : memref<8x128x16xf32, #tpu.memory_space<vmem>> -> memref<1x128x16xf32, #tpu.memory_space<vmem>>
        %dma_wait3A_1146 = tpu.memref_squeeze %dma_wait3A_1145 : memref<1x128x16xf32, #tpu.memory_space<vmem>> -> memref<128x16xf32, #tpu.memory_space<vmem>>
        %dma_wait3A_1147 = arith.constant 0 : i32
        %dma_wait3A_1148 = arith.constant 0 : i32
        %dma_wait3A_1149 = tpu.memref_slice %arg18[%dma_wait3A_1147, %dma_wait3A_1148] : memref<819200x128xf32, #tpu.memory_space<hbm>> -> memref<128x16xf32, #tpu.memory_space<hbm>>
        %dma_wait3A_1150 = tpu.memref_slice %arg24[%dma_wait3A_1142] : memref<8x!tpu.dma_semaphore, #tpu.memory_space<semaphore_mem>> -> memref<1x!tpu.dma_semaphore, #tpu.memory_space<semaphore_mem>>
        %dma_wait3A_1151 = tpu.memref_squeeze %dma_wait3A_1150 : memref<1x!tpu.dma_semaphore, #tpu.memory_space<semaphore_mem>> -> memref<!tpu.dma_semaphore, #tpu.memory_space<semaphore_mem>>
        %dma_wait3A_1152 = arith.constant 0 : i32
        %dma_wait3A_1153 = arith.constant 0 : i32
        %dma_wait3A_1154 = tpu.memref_slice %arg18[%dma_wait3A_1152, %dma_wait3A_1153] : memref<819200x128xf32, #tpu.memory_space<hbm>> -> memref<128x16xf32, #tpu.memory_space<hbm>>
        %dma_wait3A_1155 = arith.constant 0 : i32
        %dma_wait3A_1156 = arith.constant 0 : i32
        %dma_wait3A_1157 = tpu.memref_slice %arg21[%dma_wait3A_1141, %dma_wait3A_1155, %dma_wait3A_1156] : memref<8x128x16xf32, #tpu.memory_space<vmem>> -> memref<1x128x16xf32, #tpu.memory_space<vmem>>
        %dma_wait3A_1158 = tpu.memref_squeeze %dma_wait3A_1157 : memref<1x128x16xf32, #tpu.memory_space<vmem>> -> memref<128x16xf32, #tpu.memory_space<vmem>>
        tpu.wait_dma2 semaphore(%dma_wait3A_1151 : memref<!tpu.dma_semaphore, #tpu.memory_space<semaphore_mem>>) src(%dma_wait3A_1158 : memref<128x16xf32, #tpu.memory_space<vmem>>) dst(%dma_wait3A_1154 : memref<128x16xf32, #tpu.memory_space<hbm>>)
        %dma_wait3A_1159 = arith.constant 1 : i32
        %dma_wait3A_1160 = arith.constant 1 : i32
        %dma_wait3A_1161 = arith.constant 0 : i32
        %dma_wait3A_1162 = arith.constant 0 : i32
        %dma_wait3A_1163 = tpu.memref_slice %arg21[%dma_wait3A_1159, %dma_wait3A_1161, %dma_wait3A_1162] : memref<8x128x16xf32, #tpu.memory_space<vmem>> -> memref<1x128x16xf32, #tpu.memory_space<vmem>>
        %dma_wait3A_1164 = tpu.memref_squeeze %dma_wait3A_1163 : memref<1x128x16xf32, #tpu.memory_space<vmem>> -> memref<128x16xf32, #tpu.memory_space<vmem>>
        %dma_wait3A_1165 = arith.constant 0 : i32
        %dma_wait3A_1166 = arith.constant 16 : i32
        %dma_wait3A_1167 = tpu.memref_slice %arg18[%dma_wait3A_1165, %dma_wait3A_1166] : memref<819200x128xf32, #tpu.memory_space<hbm>> -> memref<128x16xf32, #tpu.memory_space<hbm>>
        %dma_wait3A_1168 = tpu.memref_slice %arg24[%dma_wait3A_1160] : memref<8x!tpu.dma_semaphore, #tpu.memory_space<semaphore_mem>> -> memref<1x!tpu.dma_semaphore, #tpu.memory_space<semaphore_mem>>
        %dma_wait3A_1169 = tpu.memref_squeeze %dma_wait3A_1168 : memref<1x!tpu.dma_semaphore, #tpu.memory_space<semaphore_mem>> -> memref<!tpu.dma_semaphore, #tpu.memory_space<semaphore_mem>>
        %dma_wait3A_1170 = arith.constant 0 : i32
        %dma_wait3A_1171 = arith.constant 16 : i32
        %dma_wait3A_1172 = tpu.memref_slice %arg18[%dma_wait3A_1170, %dma_wait3A_1171] : memref<819200x128xf32, #tpu.memory_space<hbm>> -> memref<128x16xf32, #tpu.memory_space<hbm>>
        %dma_wait3A_1173 = arith.constant 0 : i32
        %dma_wait3A_1174 = arith.constant 0 : i32
        %dma_wait3A_1175 = tpu.memref_slice %arg21[%dma_wait3A_1159, %dma_wait3A_1173, %dma_wait3A_1174] : memref<8x128x16xf32, #tpu.memory_space<vmem>> -> memref<1x128x16xf32, #tpu.memory_space<vmem>>
        %dma_wait3A_1176 = tpu.memref_squeeze %dma_wait3A_1175 : memref<1x128x16xf32, #tpu.memory_space<vmem>> -> memref<128x16xf32, #tpu.memory_space<vmem>>
        tpu.wait_dma2 semaphore(%dma_wait3A_1169 : memref<!tpu.dma_semaphore, #tpu.memory_space<semaphore_mem>>) src(%dma_wait3A_1176 : memref<128x16xf32, #tpu.memory_space<vmem>>) dst(%dma_wait3A_1172 : memref<128x16xf32, #tpu.memory_space<hbm>>)
        %dma_wait3A_1177 = arith.constant 2 : i32
        %dma_wait3A_1178 = arith.constant 2 : i32
        %dma_wait3A_1179 = arith.constant 0 : i32
        %dma_wait3A_1180 = arith.constant 0 : i32
        %dma_wait3A_1181 = tpu.memref_slice %arg21[%dma_wait3A_1177, %dma_wait3A_1179, %dma_wait3A_1180] : memref<8x128x16xf32, #tpu.memory_space<vmem>> -> memref<1x128x16xf32, #tpu.memory_space<vmem>>
        %dma_wait3A_1182 = tpu.memref_squeeze %dma_wait3A_1181 : memref<1x128x16xf32, #tpu.memory_space<vmem>> -> memref<128x16xf32, #tpu.memory_space<vmem>>
        %dma_wait3A_1183 = arith.constant 0 : i32
        %dma_wait3A_1184 = arith.constant 32 : i32
        %dma_wait3A_1185 = tpu.memref_slice %arg18[%dma_wait3A_1183, %dma_wait3A_1184] : memref<819200x128xf32, #tpu.memory_space<hbm>> -> memref<128x16xf32, #tpu.memory_space<hbm>>
        %dma_wait3A_1186 = tpu.memref_slice %arg24[%dma_wait3A_1178] : memref<8x!tpu.dma_semaphore, #tpu.memory_space<semaphore_mem>> -> memref<1x!tpu.dma_semaphore, #tpu.memory_space<semaphore_mem>>
        %dma_wait3A_1187 = tpu.memref_squeeze %dma_wait3A_1186 : memref<1x!tpu.dma_semaphore, #tpu.memory_space<semaphore_mem>> -> memref<!tpu.dma_semaphore, #tpu.memory_space<semaphore_mem>>
        %dma_wait3A_1188 = arith.constant 0 : i32
        %dma_wait3A_1189 = arith.constant 32 : i32
        %dma_wait3A_1190 = tpu.memref_slice %arg18[%dma_wait3A_1188, %dma_wait3A_1189] : memref<819200x128xf32, #tpu.memory_space<hbm>> -> memref<128x16xf32, #tpu.memory_space<hbm>>
        %dma_wait3A_1191 = arith.constant 0 : i32
        %dma_wait3A_1192 = arith.constant 0 : i32
        %dma_wait3A_1193 = tpu.memref_slice %arg21[%dma_wait3A_1177, %dma_wait3A_1191, %dma_wait3A_1192] : memref<8x128x16xf32, #tpu.memory_space<vmem>> -> memref<1x128x16xf32, #tpu.memory_space<vmem>>
        %dma_wait3A_1194 = tpu.memref_squeeze %dma_wait3A_1193 : memref<1x128x16xf32, #tpu.memory_space<vmem>> -> memref<128x16xf32, #tpu.memory_space<vmem>>
        tpu.wait_dma2 semaphore(%dma_wait3A_1187 : memref<!tpu.dma_semaphore, #tpu.memory_space<semaphore_mem>>) src(%dma_wait3A_1194 : memref<128x16xf32, #tpu.memory_space<vmem>>) dst(%dma_wait3A_1190 : memref<128x16xf32, #tpu.memory_space<hbm>>)
        %dma_wait3A_1195 = arith.constant 3 : i32
        %dma_wait3A_1196 = arith.constant 3 : i32
        %dma_wait3A_1197 = arith.constant 0 : i32
        %dma_wait3A_1198 = arith.constant 0 : i32
        %dma_wait3A_1199 = tpu.memref_slice %arg21[%dma_wait3A_1195, %dma_wait3A_1197, %dma_wait3A_1198] : memref<8x128x16xf32, #tpu.memory_space<vmem>> -> memref<1x128x16xf32, #tpu.memory_space<vmem>>
        %dma_wait3A_1200 = tpu.memref_squeeze %dma_wait3A_1199 : memref<1x128x16xf32, #tpu.memory_space<vmem>> -> memref<128x16xf32, #tpu.memory_space<vmem>>
        %dma_wait3A_1201 = arith.constant 0 : i32
        %dma_wait3A_1202 = arith.constant 48 : i32
        %dma_wait3A_1203 = tpu.memref_slice %arg18[%dma_wait3A_1201, %dma_wait3A_1202] : memref<819200x128xf32, #tpu.memory_space<hbm>> -> memref<128x16xf32, #tpu.memory_space<hbm>>
        %dma_wait3A_1204 = tpu.memref_slice %arg24[%dma_wait3A_1196] : memref<8x!tpu.dma_semaphore, #tpu.memory_space<semaphore_mem>> -> memref<1x!tpu.dma_semaphore, #tpu.memory_space<semaphore_mem>>
        %dma_wait3A_1205 = tpu.memref_squeeze %dma_wait3A_1204 : memref<1x!tpu.dma_semaphore, #tpu.memory_space<semaphore_mem>> -> memref<!tpu.dma_semaphore, #tpu.memory_space<semaphore_mem>>
        %dma_wait3A_1206 = arith.constant 0 : i32
        %dma_wait3A_1207 = arith.constant 48 : i32
        %dma_wait3A_1208 = tpu.memref_slice %arg18[%dma_wait3A_1206, %dma_wait3A_1207] : memref<819200x128xf32, #tpu.memory_space<hbm>> -> memref<128x16xf32, #tpu.memory_space<hbm>>
        %dma_wait3A_1209 = arith.constant 0 : i32
        %dma_wait3A_1210 = arith.constant 0 : i32
        %dma_wait3A_1211 = tpu.memref_slice %arg21[%dma_wait3A_1195, %dma_wait3A_1209, %dma_wait3A_1210] : memref<8x128x16xf32, #tpu.memory_space<vmem>> -> memref<1x128x16xf32, #tpu.memory_space<vmem>>
        %dma_wait3A_1212 = tpu.memref_squeeze %dma_wait3A_1211 : memref<1x128x16xf32, #tpu.memory_space<vmem>> -> memref<128x16xf32, #tpu.memory_space<vmem>>
        tpu.wait_dma2 semaphore(%dma_wait3A_1205 : memref<!tpu.dma_semaphore, #tpu.memory_space<semaphore_mem>>) src(%dma_wait3A_1212 : memref<128x16xf32, #tpu.memory_space<vmem>>) dst(%dma_wait3A_1208 : memref<128x16xf32, #tpu.memory_space<hbm>>)
        %dma_wait3A_1213 = arith.constant 4 : i32
        %dma_wait3A_1214 = arith.constant 4 : i32
        %dma_wait3A_1215 = arith.constant 0 : i32
        %dma_wait3A_1216 = arith.constant 0 : i32
        %dma_wait3A_1217 = tpu.memref_slice %arg21[%dma_wait3A_1213, %dma_wait3A_1215, %dma_wait3A_1216] : memref<8x128x16xf32, #tpu.memory_space<vmem>> -> memref<1x128x16xf32, #tpu.memory_space<vmem>>
        %dma_wait3A_1218 = tpu.memref_squeeze %dma_wait3A_1217 : memref<1x128x16xf32, #tpu.memory_space<vmem>> -> memref<128x16xf32, #tpu.memory_space<vmem>>
        %dma_wait3A_1219 = arith.constant 0 : i32
        %dma_wait3A_1220 = arith.constant 64 : i32
        %dma_wait3A_1221 = tpu.memref_slice %arg18[%dma_wait3A_1219, %dma_wait3A_1220] : memref<819200x128xf32, #tpu.memory_space<hbm>> -> memref<128x16xf32, #tpu.memory_space<hbm>>
        %dma_wait3A_1222 = tpu.memref_slice %arg24[%dma_wait3A_1214] : memref<8x!tpu.dma_semaphore, #tpu.memory_space<semaphore_mem>> -> memref<1x!tpu.dma_semaphore, #tpu.memory_space<semaphore_mem>>
        %dma_wait3A_1223 = tpu.memref_squeeze %dma_wait3A_1222 : memref<1x!tpu.dma_semaphore, #tpu.memory_space<semaphore_mem>> -> memref<!tpu.dma_semaphore, #tpu.memory_space<semaphore_mem>>
        %dma_wait3A_1224 = arith.constant 0 : i32
        %dma_wait3A_1225 = arith.constant 64 : i32
        %dma_wait3A_1226 = tpu.memref_slice %arg18[%dma_wait3A_1224, %dma_wait3A_1225] : memref<819200x128xf32, #tpu.memory_space<hbm>> -> memref<128x16xf32, #tpu.memory_space<hbm>>
        %dma_wait3A_1227 = arith.constant 0 : i32
        %dma_wait3A_1228 = arith.constant 0 : i32
        %dma_wait3A_1229 = tpu.memref_slice %arg21[%dma_wait3A_1213, %dma_wait3A_1227, %dma_wait3A_1228] : memref<8x128x16xf32, #tpu.memory_space<vmem>> -> memref<1x128x16xf32, #tpu.memory_space<vmem>>
        %dma_wait3A_1230 = tpu.memref_squeeze %dma_wait3A_1229 : memref<1x128x16xf32, #tpu.memory_space<vmem>> -> memref<128x16xf32, #tpu.memory_space<vmem>>
        tpu.wait_dma2 semaphore(%dma_wait3A_1223 : memref<!tpu.dma_semaphore, #tpu.memory_space<semaphore_mem>>) src(%dma_wait3A_1230 : memref<128x16xf32, #tpu.memory_space<vmem>>) dst(%dma_wait3A_1226 : memref<128x16xf32, #tpu.memory_space<hbm>>)
        %dma_wait3A_1231 = arith.constant 5 : i32
        %dma_wait3A_1232 = arith.constant 5 : i32
        %dma_wait3A_1233 = arith.constant 0 : i32
        %dma_wait3A_1234 = arith.constant 0 : i32
        %dma_wait3A_1235 = tpu.memref_slice %arg21[%dma_wait3A_1231, %dma_wait3A_1233, %dma_wait3A_1234] : memref<8x128x16xf32, #tpu.memory_space<vmem>> -> memref<1x128x16xf32, #tpu.memory_space<vmem>>
        %dma_wait3A_1236 = tpu.memref_squeeze %dma_wait3A_1235 : memref<1x128x16xf32, #tpu.memory_space<vmem>> -> memref<128x16xf32, #tpu.memory_space<vmem>>
        %dma_wait3A_1237 = arith.constant 0 : i32
        %dma_wait3A_1238 = arith.constant 80 : i32
        %dma_wait3A_1239 = tpu.memref_slice %arg18[%dma_wait3A_1237, %dma_wait3A_1238] : memref<819200x128xf32, #tpu.memory_space<hbm>> -> memref<128x16xf32, #tpu.memory_space<hbm>>
        %dma_wait3A_1240 = tpu.memref_slice %arg24[%dma_wait3A_1232] : memref<8x!tpu.dma_semaphore, #tpu.memory_space<semaphore_mem>> -> memref<1x!tpu.dma_semaphore, #tpu.memory_space<semaphore_mem>>
        %dma_wait3A_1241 = tpu.memref_squeeze %dma_wait3A_1240 : memref<1x!tpu.dma_semaphore, #tpu.memory_space<semaphore_mem>> -> memref<!tpu.dma_semaphore, #tpu.memory_space<semaphore_mem>>
        %dma_wait3A_1242 = arith.constant 0 : i32
        %dma_wait3A_1243 = arith.constant 80 : i32
        %dma_wait3A_1244 = tpu.memref_slice %arg18[%dma_wait3A_1242, %dma_wait3A_1243] : memref<819200x128xf32, #tpu.memory_space<hbm>> -> memref<128x16xf32, #tpu.memory_space<hbm>>
        %dma_wait3A_1245 = arith.constant 0 : i32
        %dma_wait3A_1246 = arith.constant 0 : i32
        %dma_wait3A_1247 = tpu.memref_slice %arg21[%dma_wait3A_1231, %dma_wait3A_1245, %dma_wait3A_1246] : memref<8x128x16xf32, #tpu.memory_space<vmem>> -> memref<1x128x16xf32, #tpu.memory_space<vmem>>
        %dma_wait3A_1248 = tpu.memref_squeeze %dma_wait3A_1247 : memref<1x128x16xf32, #tpu.memory_space<vmem>> -> memref<128x16xf32, #tpu.memory_space<vmem>>
        tpu.wait_dma2 semaphore(%dma_wait3A_1241 : memref<!tpu.dma_semaphore, #tpu.memory_space<semaphore_mem>>) src(%dma_wait3A_1248 : memref<128x16xf32, #tpu.memory_space<vmem>>) dst(%dma_wait3A_1244 : memref<128x16xf32, #tpu.memory_space<hbm>>)
        %dma_wait3A_1249 = arith.constant 6 : i32
        %dma_wait3A_1250 = arith.constant 6 : i32
        %dma_wait3A_1251 = arith.constant 0 : i32
        %dma_wait3A_1252 = arith.constant 0 : i32
        %dma_wait3A_1253 = tpu.memref_slice %arg21[%dma_wait3A_1249, %dma_wait3A_1251, %dma_wait3A_1252] : memref<8x128x16xf32, #tpu.memory_space<vmem>> -> memref<1x128x16xf32, #tpu.memory_space<vmem>>
        %dma_wait3A_1254 = tpu.memref_squeeze %dma_wait3A_1253 : memref<1x128x16xf32, #tpu.memory_space<vmem>> -> memref<128x16xf32, #tpu.memory_space<vmem>>
        %dma_wait3A_1255 = arith.constant 0 : i32
        %dma_wait3A_1256 = arith.constant 96 : i32
        %dma_wait3A_1257 = tpu.memref_slice %arg18[%dma_wait3A_1255, %dma_wait3A_1256] : memref<819200x128xf32, #tpu.memory_space<hbm>> -> memref<128x16xf32, #tpu.memory_space<hbm>>
        %dma_wait3A_1258 = tpu.memref_slice %arg24[%dma_wait3A_1250] : memref<8x!tpu.dma_semaphore, #tpu.memory_space<semaphore_mem>> -> memref<1x!tpu.dma_semaphore, #tpu.memory_space<semaphore_mem>>
        %dma_wait3A_1259 = tpu.memref_squeeze %dma_wait3A_1258 : memref<1x!tpu.dma_semaphore, #tpu.memory_space<semaphore_mem>> -> memref<!tpu.dma_semaphore, #tpu.memory_space<semaphore_mem>>
        %dma_wait3A_1260 = arith.constant 0 : i32
        %dma_wait3A_1261 = arith.constant 96 : i32
        %dma_wait3A_1262 = tpu.memref_slice %arg18[%dma_wait3A_1260, %dma_wait3A_1261] : memref<819200x128xf32, #tpu.memory_space<hbm>> -> memref<128x16xf32, #tpu.memory_space<hbm>>
        %dma_wait3A_1263 = arith.constant 0 : i32
        %dma_wait3A_1264 = arith.constant 0 : i32
        %dma_wait3A_1265 = tpu.memref_slice %arg21[%dma_wait3A_1249, %dma_wait3A_1263, %dma_wait3A_1264] : memref<8x128x16xf32, #tpu.memory_space<vmem>> -> memref<1x128x16xf32, #tpu.memory_space<vmem>>
        %dma_wait3A_1266 = tpu.memref_squeeze %dma_wait3A_1265 : memref<1x128x16xf32, #tpu.memory_space<vmem>> -> memref<128x16xf32, #tpu.memory_space<vmem>>
        tpu.wait_dma2 semaphore(%dma_wait3A_1259 : memref<!tpu.dma_semaphore, #tpu.memory_space<semaphore_mem>>) src(%dma_wait3A_1266 : memref<128x16xf32, #tpu.memory_space<vmem>>) dst(%dma_wait3A_1262 : memref<128x16xf32, #tpu.memory_space<hbm>>)
        %dma_wait3A_1267 = arith.constant 7 : i32
        %dma_wait3A_1268 = arith.constant 7 : i32
        %dma_wait3A_1269 = arith.constant 0 : i32
        %dma_wait3A_1270 = arith.constant 0 : i32
        %dma_wait3A_1271 = tpu.memref_slice %arg21[%dma_wait3A_1267, %dma_wait3A_1269, %dma_wait3A_1270] : memref<8x128x16xf32, #tpu.memory_space<vmem>> -> memref<1x128x16xf32, #tpu.memory_space<vmem>>
        %dma_wait3A_1272 = tpu.memref_squeeze %dma_wait3A_1271 : memref<1x128x16xf32, #tpu.memory_space<vmem>> -> memref<128x16xf32, #tpu.memory_space<vmem>>
        %dma_wait3A_1273 = arith.constant 0 : i32
        %dma_wait3A_1274 = arith.constant 112 : i32
        %dma_wait3A_1275 = tpu.memref_slice %arg18[%dma_wait3A_1273, %dma_wait3A_1274] : memref<819200x128xf32, #tpu.memory_space<hbm>> -> memref<128x16xf32, #tpu.memory_space<hbm>>
        %dma_wait3A_1276 = tpu.memref_slice %arg24[%dma_wait3A_1268] : memref<8x!tpu.dma_semaphore, #tpu.memory_space<semaphore_mem>> -> memref<1x!tpu.dma_semaphore, #tpu.memory_space<semaphore_mem>>
        %dma_wait3A_1277 = tpu.memref_squeeze %dma_wait3A_1276 : memref<1x!tpu.dma_semaphore, #tpu.memory_space<semaphore_mem>> -> memref<!tpu.dma_semaphore, #tpu.memory_space<semaphore_mem>>
        %dma_wait3A_1278 = arith.constant 0 : i32
        %dma_wait3A_1279 = arith.constant 112 : i32
        %dma_wait3A_1280 = tpu.memref_slice %arg18[%dma_wait3A_1278, %dma_wait3A_1279] : memref<819200x128xf32, #tpu.memory_space<hbm>> -> memref<128x16xf32, #tpu.memory_space<hbm>>
        %dma_wait3A_1281 = arith.constant 0 : i32
        %dma_wait3A_1282 = arith.constant 0 : i32
        %dma_wait3A_1283 = tpu.memref_slice %arg21[%dma_wait3A_1267, %dma_wait3A_1281, %dma_wait3A_1282] : memref<8x128x16xf32, #tpu.memory_space<vmem>> -> memref<1x128x16xf32, #tpu.memory_space<vmem>>
        %dma_wait3A_1284 = tpu.memref_squeeze %dma_wait3A_1283 : memref<1x128x16xf32, #tpu.memory_space<vmem>> -> memref<128x16xf32, #tpu.memory_space<vmem>>
        tpu.wait_dma2 semaphore(%dma_wait3A_1277 : memref<!tpu.dma_semaphore, #tpu.memory_space<semaphore_mem>>) src(%dma_wait3A_1284 : memref<128x16xf32, #tpu.memory_space<vmem>>) dst(%dma_wait3A_1280 : memref<128x16xf32, #tpu.memory_space<hbm>>)
      } else {
      }
      %add3A_728 = arith.constant 1 : i32
      %add3A_729 = arith.addi %mul3A_299, %add3A_728 : i32
      %jit3A_730 = arith.constant 20 : i32
      %div3A_731 = arith.divsi %add3A_729, %jit3A_730 : i32
      %sign3A_732 = arith.constant 0 : i32
      %sign3A_733 = arith.cmpi sgt, %add3A_729, %sign3A_732 : i32
      %sign3A_734 = arith.extui %sign3A_733 : i1 to i32
      %sign3A_735 = arith.constant 0 : i32
      %sign3A_736 = arith.cmpi slt, %add3A_729, %sign3A_735 : i32
      %sign3A_737 = arith.extui %sign3A_736 : i1 to i32
      %sign3A_738 = arith.subi %sign3A_734, %sign3A_737 : i32
      %sign3A_739 = arith.constant 0 : i32
      %sign3A_740 = arith.cmpi sgt, %jit3A_730, %sign3A_739 : i32
      %sign3A_741 = arith.extui %sign3A_740 : i1 to i32
      %sign3A_742 = arith.constant 0 : i32
      %sign3A_743 = arith.cmpi slt, %jit3A_730, %sign3A_742 : i32
      %sign3A_744 = arith.extui %sign3A_743 : i1 to i32
      %sign3A_745 = arith.subi %sign3A_741, %sign3A_744 : i32
      %ne3A_746 = arith.cmpi ne, %sign3A_738, %sign3A_745 : i32
      %rem3A_747 = arith.remsi %add3A_729, %jit3A_730 : i32
      %ne3A_748 = arith.constant 0 : i32
      %ne3A_749 = arith.cmpi ne, %rem3A_747, %ne3A_748 : i32
      %and3A_750 = arith.andi %ne3A_746, %ne3A_749 : i1
      %sub3A_751 = arith.constant 1 : i32
      %sub3A_752 = arith.subi %div3A_731, %sub3A_751 : i32
      %select_n3A_753 = arith.select %and3A_750, %sub3A_752, %div3A_731 : i32
      %jit3A_754 = arith.constant 20 : i32
      %eq3A_755 = arith.constant 0 : i32
      %eq3A_756 = arith.cmpi eq, %jit3A_754, %eq3A_755 : i32
      %jit3A_757 = arith.constant 1 : i32
      %select_n3A_758 = arith.select %eq3A_756, %jit3A_757, %jit3A_754 : i32
      %rem3A_759 = arith.remsi %add3A_729, %select_n3A_758 : i32
      %ne3A_760 = arith.constant 0 : i32
      %ne3A_761 = arith.cmpi ne, %rem3A_759, %ne3A_760 : i32
      %lt3A_762 = arith.constant 0 : i32
      %lt3A_763 = arith.cmpi slt, %rem3A_759, %lt3A_762 : i32
      %lt3A_764 = arith.constant 0 : i32
      %lt3A_765 = arith.cmpi slt, %select_n3A_758, %lt3A_764 : i32
      %ne3A_766 = arith.xori %lt3A_763, %lt3A_765 : i1
      %and3A_767 = arith.andi %ne3A_766, %ne3A_761 : i1
      %add3A_768 = arith.addi %rem3A_759, %select_n3A_758 : i32
      %select_n3A_769 = arith.select %and3A_767, %add3A_768, %rem3A_759 : i32
      %dma_start3A_770 = arith.constant 0 : i32
      %dma_start3A_771 = arith.constant 0 : i32
      %dma_start3A_772 = arith.constant 0 : i32
      %dma_start3A_773 = arith.constant 0 : i32
      %dma_start3A_774 = arith.constant 0 : i32
      %dma_start3A_775 = tpu.memref_slice %arg21[%dma_start3A_771, %dma_start3A_773, %dma_start3A_774] : memref<8x128x16xf32, #tpu.memory_space<vmem>> -> memref<1x128x16xf32, #tpu.memory_space<vmem>>
      %dma_start3A_776 = tpu.memref_squeeze %dma_start3A_775 : memref<1x128x16xf32, #tpu.memory_space<vmem>> -> memref<128x16xf32, #tpu.memory_space<vmem>>
      %dma_start3A_777 = arith.constant 0 : i32
      %dma_start3A_778 = tpu.memref_slice %arg19[%dma_start3A_770, %select_n3A_769, %dma_start3A_777] : memref<8x20x128xi32, #tpu.memory_space<vmem>> -> memref<1x1x128xi32, #tpu.memory_space<vmem>>
      %dma_start3A_779 = tpu.memref_squeeze %dma_start3A_778 : memref<1x1x128xi32, #tpu.memory_space<vmem>> -> memref<128xi32, #tpu.memory_space<vmem>>
      %dma_start3A_780 = arith.constant 0 : i32
      %dma_start3A_781 = arith.constant 0 : i32
      %dma_start3A_782 = tpu.memref_slice %arg10[%dma_start3A_780, %dma_start3A_781] : memref<10000x16xf32, #tpu.memory_space<hbm>> -> memref<10000x16xf32, #tpu.memory_space<hbm>>
      %dma_start3A_783 = tpu.memref_slice %arg22[%dma_start3A_772] : memref<8x!tpu.dma_semaphore, #tpu.memory_space<semaphore_mem>> -> memref<1x!tpu.dma_semaphore, #tpu.memory_space<semaphore_mem>>
      %dma_start3A_784 = tpu.memref_squeeze %dma_start3A_783 : memref<1x!tpu.dma_semaphore, #tpu.memory_space<semaphore_mem>> -> memref<!tpu.dma_semaphore, #tpu.memory_space<semaphore_mem>>
      tpu.enqueue_indirect_dma source(%dma_start3A_782 : memref<10000x16xf32, #tpu.memory_space<hbm>>) target(%dma_start3A_776 : memref<128x16xf32, #tpu.memory_space<vmem>>) offsets(%dma_start3A_779 : memref<128xi32, #tpu.memory_space<vmem>>) semaphore(%dma_start3A_784 : memref<!tpu.dma_semaphore, #tpu.memory_space<semaphore_mem>>)
      %dma_start3A_785 = arith.constant 1 : i32
      %dma_start3A_786 = arith.constant 1 : i32
      %dma_start3A_787 = arith.constant 1 : i32
      %dma_start3A_788 = arith.constant 0 : i32
      %dma_start3A_789 = arith.constant 0 : i32
      %dma_start3A_790 = tpu.memref_slice %arg21[%dma_start3A_786, %dma_start3A_788, %dma_start3A_789] : memref<8x128x16xf32, #tpu.memory_space<vmem>> -> memref<1x128x16xf32, #tpu.memory_space<vmem>>
      %dma_start3A_791 = tpu.memref_squeeze %dma_start3A_790 : memref<1x128x16xf32, #tpu.memory_space<vmem>> -> memref<128x16xf32, #tpu.memory_space<vmem>>
      %dma_start3A_792 = arith.constant 0 : i32
      %dma_start3A_793 = tpu.memref_slice %arg19[%dma_start3A_785, %select_n3A_769, %dma_start3A_792] : memref<8x20x128xi32, #tpu.memory_space<vmem>> -> memref<1x1x128xi32, #tpu.memory_space<vmem>>
      %dma_start3A_794 = tpu.memref_squeeze %dma_start3A_793 : memref<1x1x128xi32, #tpu.memory_space<vmem>> -> memref<128xi32, #tpu.memory_space<vmem>>
      %dma_start3A_795 = arith.constant 0 : i32
      %dma_start3A_796 = arith.constant 0 : i32
      %dma_start3A_797 = tpu.memref_slice %arg11[%dma_start3A_795, %dma_start3A_796] : memref<50000x16xf32, #tpu.memory_space<hbm>> -> memref<50000x16xf32, #tpu.memory_space<hbm>>
      %dma_start3A_798 = tpu.memref_slice %arg22[%dma_start3A_787] : memref<8x!tpu.dma_semaphore, #tpu.memory_space<semaphore_mem>> -> memref<1x!tpu.dma_semaphore, #tpu.memory_space<semaphore_mem>>
      %dma_start3A_799 = tpu.memref_squeeze %dma_start3A_798 : memref<1x!tpu.dma_semaphore, #tpu.memory_space<semaphore_mem>> -> memref<!tpu.dma_semaphore, #tpu.memory_space<semaphore_mem>>
      tpu.enqueue_indirect_dma source(%dma_start3A_797 : memref<50000x16xf32, #tpu.memory_space<hbm>>) target(%dma_start3A_791 : memref<128x16xf32, #tpu.memory_space<vmem>>) offsets(%dma_start3A_794 : memref<128xi32, #tpu.memory_space<vmem>>) semaphore(%dma_start3A_799 : memref<!tpu.dma_semaphore, #tpu.memory_space<semaphore_mem>>)
      %dma_start3A_800 = arith.constant 2 : i32
      %dma_start3A_801 = arith.constant 2 : i32
      %dma_start3A_802 = arith.constant 2 : i32
      %dma_start3A_803 = arith.constant 0 : i32
      %dma_start3A_804 = arith.constant 0 : i32
      %dma_start3A_805 = tpu.memref_slice %arg21[%dma_start3A_801, %dma_start3A_803, %dma_start3A_804] : memref<8x128x16xf32, #tpu.memory_space<vmem>> -> memref<1x128x16xf32, #tpu.memory_space<vmem>>
      %dma_start3A_806 = tpu.memref_squeeze %dma_start3A_805 : memref<1x128x16xf32, #tpu.memory_space<vmem>> -> memref<128x16xf32, #tpu.memory_space<vmem>>
      %dma_start3A_807 = arith.constant 0 : i32
      %dma_start3A_808 = tpu.memref_slice %arg19[%dma_start3A_800, %select_n3A_769, %dma_start3A_807] : memref<8x20x128xi32, #tpu.memory_space<vmem>> -> memref<1x1x128xi32, #tpu.memory_space<vmem>>
      %dma_start3A_809 = tpu.memref_squeeze %dma_start3A_808 : memref<1x1x128xi32, #tpu.memory_space<vmem>> -> memref<128xi32, #tpu.memory_space<vmem>>
      %dma_start3A_810 = arith.constant 0 : i32
      %dma_start3A_811 = arith.constant 0 : i32
      %dma_start3A_812 = tpu.memref_slice %arg12[%dma_start3A_810, %dma_start3A_811] : memref<200000x16xf32, #tpu.memory_space<hbm>> -> memref<200000x16xf32, #tpu.memory_space<hbm>>
      %dma_start3A_813 = tpu.memref_slice %arg22[%dma_start3A_802] : memref<8x!tpu.dma_semaphore, #tpu.memory_space<semaphore_mem>> -> memref<1x!tpu.dma_semaphore, #tpu.memory_space<semaphore_mem>>
      %dma_start3A_814 = tpu.memref_squeeze %dma_start3A_813 : memref<1x!tpu.dma_semaphore, #tpu.memory_space<semaphore_mem>> -> memref<!tpu.dma_semaphore, #tpu.memory_space<semaphore_mem>>
      tpu.enqueue_indirect_dma source(%dma_start3A_812 : memref<200000x16xf32, #tpu.memory_space<hbm>>) target(%dma_start3A_806 : memref<128x16xf32, #tpu.memory_space<vmem>>) offsets(%dma_start3A_809 : memref<128xi32, #tpu.memory_space<vmem>>) semaphore(%dma_start3A_814 : memref<!tpu.dma_semaphore, #tpu.memory_space<semaphore_mem>>)
      %dma_start3A_815 = arith.constant 3 : i32
      %dma_start3A_816 = arith.constant 3 : i32
      %dma_start3A_817 = arith.constant 3 : i32
      %dma_start3A_818 = arith.constant 0 : i32
      %dma_start3A_819 = arith.constant 0 : i32
      %dma_start3A_820 = tpu.memref_slice %arg21[%dma_start3A_816, %dma_start3A_818, %dma_start3A_819] : memref<8x128x16xf32, #tpu.memory_space<vmem>> -> memref<1x128x16xf32, #tpu.memory_space<vmem>>
      %dma_start3A_821 = tpu.memref_squeeze %dma_start3A_820 : memref<1x128x16xf32, #tpu.memory_space<vmem>> -> memref<128x16xf32, #tpu.memory_space<vmem>>
      %dma_start3A_822 = arith.constant 0 : i32
      %dma_start3A_823 = tpu.memref_slice %arg19[%dma_start3A_815, %select_n3A_769, %dma_start3A_822] : memref<8x20x128xi32, #tpu.memory_space<vmem>> -> memref<1x1x128xi32, #tpu.memory_space<vmem>>
      %dma_start3A_824 = tpu.memref_squeeze %dma_start3A_823 : memref<1x1x128xi32, #tpu.memory_space<vmem>> -> memref<128xi32, #tpu.memory_space<vmem>>
      %dma_start3A_825 = arith.constant 0 : i32
      %dma_start3A_826 = arith.constant 0 : i32
      %dma_start3A_827 = tpu.memref_slice %arg13[%dma_start3A_825, %dma_start3A_826] : memref<1000000x16xf32, #tpu.memory_space<hbm>> -> memref<1000000x16xf32, #tpu.memory_space<hbm>>
      %dma_start3A_828 = tpu.memref_slice %arg22[%dma_start3A_817] : memref<8x!tpu.dma_semaphore, #tpu.memory_space<semaphore_mem>> -> memref<1x!tpu.dma_semaphore, #tpu.memory_space<semaphore_mem>>
      %dma_start3A_829 = tpu.memref_squeeze %dma_start3A_828 : memref<1x!tpu.dma_semaphore, #tpu.memory_space<semaphore_mem>> -> memref<!tpu.dma_semaphore, #tpu.memory_space<semaphore_mem>>
      tpu.enqueue_indirect_dma source(%dma_start3A_827 : memref<1000000x16xf32, #tpu.memory_space<hbm>>) target(%dma_start3A_821 : memref<128x16xf32, #tpu.memory_space<vmem>>) offsets(%dma_start3A_824 : memref<128xi32, #tpu.memory_space<vmem>>) semaphore(%dma_start3A_829 : memref<!tpu.dma_semaphore, #tpu.memory_space<semaphore_mem>>)
      %dma_start3A_830 = arith.constant 4 : i32
      %dma_start3A_831 = arith.constant 4 : i32
      %dma_start3A_832 = arith.constant 4 : i32
      %dma_start3A_833 = arith.constant 0 : i32
      %dma_start3A_834 = arith.constant 0 : i32
      %dma_start3A_835 = tpu.memref_slice %arg21[%dma_start3A_831, %dma_start3A_833, %dma_start3A_834] : memref<8x128x16xf32, #tpu.memory_space<vmem>> -> memref<1x128x16xf32, #tpu.memory_space<vmem>>
      %dma_start3A_836 = tpu.memref_squeeze %dma_start3A_835 : memref<1x128x16xf32, #tpu.memory_space<vmem>> -> memref<128x16xf32, #tpu.memory_space<vmem>>
      %dma_start3A_837 = arith.constant 0 : i32
      %dma_start3A_838 = tpu.memref_slice %arg19[%dma_start3A_830, %select_n3A_769, %dma_start3A_837] : memref<8x20x128xi32, #tpu.memory_space<vmem>> -> memref<1x1x128xi32, #tpu.memory_space<vmem>>
      %dma_start3A_839 = tpu.memref_squeeze %dma_start3A_838 : memref<1x1x128xi32, #tpu.memory_space<vmem>> -> memref<128xi32, #tpu.memory_space<vmem>>
      %dma_start3A_840 = arith.constant 0 : i32
      %dma_start3A_841 = arith.constant 0 : i32
      %dma_start3A_842 = tpu.memref_slice %arg14[%dma_start3A_840, %dma_start3A_841] : memref<20000x16xf32, #tpu.memory_space<hbm>> -> memref<20000x16xf32, #tpu.memory_space<hbm>>
      %dma_start3A_843 = tpu.memref_slice %arg22[%dma_start3A_832] : memref<8x!tpu.dma_semaphore, #tpu.memory_space<semaphore_mem>> -> memref<1x!tpu.dma_semaphore, #tpu.memory_space<semaphore_mem>>
      %dma_start3A_844 = tpu.memref_squeeze %dma_start3A_843 : memref<1x!tpu.dma_semaphore, #tpu.memory_space<semaphore_mem>> -> memref<!tpu.dma_semaphore, #tpu.memory_space<semaphore_mem>>
      tpu.enqueue_indirect_dma source(%dma_start3A_842 : memref<20000x16xf32, #tpu.memory_space<hbm>>) target(%dma_start3A_836 : memref<128x16xf32, #tpu.memory_space<vmem>>) offsets(%dma_start3A_839 : memref<128xi32, #tpu.memory_space<vmem>>) semaphore(%dma_start3A_844 : memref<!tpu.dma_semaphore, #tpu.memory_space<semaphore_mem>>)
      %dma_start3A_845 = arith.constant 5 : i32
      %dma_start3A_846 = arith.constant 5 : i32
      %dma_start3A_847 = arith.constant 5 : i32
      %dma_start3A_848 = arith.constant 0 : i32
      %dma_start3A_849 = arith.constant 0 : i32
      %dma_start3A_850 = tpu.memref_slice %arg21[%dma_start3A_846, %dma_start3A_848, %dma_start3A_849] : memref<8x128x16xf32, #tpu.memory_space<vmem>> -> memref<1x128x16xf32, #tpu.memory_space<vmem>>
      %dma_start3A_851 = tpu.memref_squeeze %dma_start3A_850 : memref<1x128x16xf32, #tpu.memory_space<vmem>> -> memref<128x16xf32, #tpu.memory_space<vmem>>
      %dma_start3A_852 = arith.constant 0 : i32
      %dma_start3A_853 = tpu.memref_slice %arg19[%dma_start3A_845, %select_n3A_769, %dma_start3A_852] : memref<8x20x128xi32, #tpu.memory_space<vmem>> -> memref<1x1x128xi32, #tpu.memory_space<vmem>>
      %dma_start3A_854 = tpu.memref_squeeze %dma_start3A_853 : memref<1x1x128xi32, #tpu.memory_space<vmem>> -> memref<128xi32, #tpu.memory_space<vmem>>
      %dma_start3A_855 = arith.constant 0 : i32
      %dma_start3A_856 = arith.constant 0 : i32
      %dma_start3A_857 = tpu.memref_slice %arg15[%dma_start3A_855, %dma_start3A_856] : memref<100000x16xf32, #tpu.memory_space<hbm>> -> memref<100000x16xf32, #tpu.memory_space<hbm>>
      %dma_start3A_858 = tpu.memref_slice %arg22[%dma_start3A_847] : memref<8x!tpu.dma_semaphore, #tpu.memory_space<semaphore_mem>> -> memref<1x!tpu.dma_semaphore, #tpu.memory_space<semaphore_mem>>
      %dma_start3A_859 = tpu.memref_squeeze %dma_start3A_858 : memref<1x!tpu.dma_semaphore, #tpu.memory_space<semaphore_mem>> -> memref<!tpu.dma_semaphore, #tpu.memory_space<semaphore_mem>>
      tpu.enqueue_indirect_dma source(%dma_start3A_857 : memref<100000x16xf32, #tpu.memory_space<hbm>>) target(%dma_start3A_851 : memref<128x16xf32, #tpu.memory_space<vmem>>) offsets(%dma_start3A_854 : memref<128xi32, #tpu.memory_space<vmem>>) semaphore(%dma_start3A_859 : memref<!tpu.dma_semaphore, #tpu.memory_space<semaphore_mem>>)
      %dma_start3A_860 = arith.constant 6 : i32
      %dma_start3A_861 = arith.constant 6 : i32
      %dma_start3A_862 = arith.constant 6 : i32
      %dma_start3A_863 = arith.constant 0 : i32
      %dma_start3A_864 = arith.constant 0 : i32
      %dma_start3A_865 = tpu.memref_slice %arg21[%dma_start3A_861, %dma_start3A_863, %dma_start3A_864] : memref<8x128x16xf32, #tpu.memory_space<vmem>> -> memref<1x128x16xf32, #tpu.memory_space<vmem>>
      %dma_start3A_866 = tpu.memref_squeeze %dma_start3A_865 : memref<1x128x16xf32, #tpu.memory_space<vmem>> -> memref<128x16xf32, #tpu.memory_space<vmem>>
      %dma_start3A_867 = arith.constant 0 : i32
      %dma_start3A_868 = tpu.memref_slice %arg19[%dma_start3A_860, %select_n3A_769, %dma_start3A_867] : memref<8x20x128xi32, #tpu.memory_space<vmem>> -> memref<1x1x128xi32, #tpu.memory_space<vmem>>
      %dma_start3A_869 = tpu.memref_squeeze %dma_start3A_868 : memref<1x1x128xi32, #tpu.memory_space<vmem>> -> memref<128xi32, #tpu.memory_space<vmem>>
      %dma_start3A_870 = arith.constant 0 : i32
      %dma_start3A_871 = arith.constant 0 : i32
      %dma_start3A_872 = tpu.memref_slice %arg16[%dma_start3A_870, %dma_start3A_871] : memref<400000x16xf32, #tpu.memory_space<hbm>> -> memref<400000x16xf32, #tpu.memory_space<hbm>>
      %dma_start3A_873 = tpu.memref_slice %arg22[%dma_start3A_862] : memref<8x!tpu.dma_semaphore, #tpu.memory_space<semaphore_mem>> -> memref<1x!tpu.dma_semaphore, #tpu.memory_space<semaphore_mem>>
      %dma_start3A_874 = tpu.memref_squeeze %dma_start3A_873 : memref<1x!tpu.dma_semaphore, #tpu.memory_space<semaphore_mem>> -> memref<!tpu.dma_semaphore, #tpu.memory_space<semaphore_mem>>
      tpu.enqueue_indirect_dma source(%dma_start3A_872 : memref<400000x16xf32, #tpu.memory_space<hbm>>) target(%dma_start3A_866 : memref<128x16xf32, #tpu.memory_space<vmem>>) offsets(%dma_start3A_869 : memref<128xi32, #tpu.memory_space<vmem>>) semaphore(%dma_start3A_874 : memref<!tpu.dma_semaphore, #tpu.memory_space<semaphore_mem>>)
      %dma_start3A_875 = arith.constant 7 : i32
      %dma_start3A_876 = arith.constant 7 : i32
      %dma_start3A_877 = arith.constant 7 : i32
      %dma_start3A_878 = arith.constant 0 : i32
      %dma_start3A_879 = arith.constant 0 : i32
      %dma_start3A_880 = tpu.memref_slice %arg21[%dma_start3A_876, %dma_start3A_878, %dma_start3A_879] : memref<8x128x16xf32, #tpu.memory_space<vmem>> -> memref<1x128x16xf32, #tpu.memory_space<vmem>>
      %dma_start3A_881 = tpu.memref_squeeze %dma_start3A_880 : memref<1x128x16xf32, #tpu.memory_space<vmem>> -> memref<128x16xf32, #tpu.memory_space<vmem>>
      %dma_start3A_882 = arith.constant 0 : i32
      %dma_start3A_883 = tpu.memref_slice %arg19[%dma_start3A_875, %select_n3A_769, %dma_start3A_882] : memref<8x20x128xi32, #tpu.memory_space<vmem>> -> memref<1x1x128xi32, #tpu.memory_space<vmem>>
      %dma_start3A_884 = tpu.memref_squeeze %dma_start3A_883 : memref<1x1x128xi32, #tpu.memory_space<vmem>> -> memref<128xi32, #tpu.memory_space<vmem>>
      %dma_start3A_885 = arith.constant 0 : i32
      %dma_start3A_886 = arith.constant 0 : i32
      %dma_start3A_887 = tpu.memref_slice %arg17[%dma_start3A_885, %dma_start3A_886] : memref<1000000x16xf32, #tpu.memory_space<hbm>> -> memref<1000000x16xf32, #tpu.memory_space<hbm>>
      %dma_start3A_888 = tpu.memref_slice %arg22[%dma_start3A_877] : memref<8x!tpu.dma_semaphore, #tpu.memory_space<semaphore_mem>> -> memref<1x!tpu.dma_semaphore, #tpu.memory_space<semaphore_mem>>
      %dma_start3A_889 = tpu.memref_squeeze %dma_start3A_888 : memref<1x!tpu.dma_semaphore, #tpu.memory_space<semaphore_mem>> -> memref<!tpu.dma_semaphore, #tpu.memory_space<semaphore_mem>>
      tpu.enqueue_indirect_dma source(%dma_start3A_887 : memref<1000000x16xf32, #tpu.memory_space<hbm>>) target(%dma_start3A_881 : memref<128x16xf32, #tpu.memory_space<vmem>>) offsets(%dma_start3A_884 : memref<128xi32, #tpu.memory_space<vmem>>) semaphore(%dma_start3A_889 : memref<!tpu.dma_semaphore, #tpu.memory_space<semaphore_mem>>)
      %dma_wait3A_890 = arith.constant 0 : i32
      %dma_wait3A_891 = arith.constant 0 : i32
      %dma_wait3A_892 = arith.constant 0 : i32
      %dma_wait3A_893 = arith.constant 0 : i32
      %dma_wait3A_894 = arith.constant 0 : i32
      %dma_wait3A_895 = tpu.memref_slice %arg21[%dma_wait3A_891, %dma_wait3A_893, %dma_wait3A_894] : memref<8x128x16xf32, #tpu.memory_space<vmem>> -> memref<1x128x16xf32, #tpu.memory_space<vmem>>
      %dma_wait3A_896 = tpu.memref_squeeze %dma_wait3A_895 : memref<1x128x16xf32, #tpu.memory_space<vmem>> -> memref<128x16xf32, #tpu.memory_space<vmem>>
      %dma_wait3A_897 = arith.constant 0 : i32
      %dma_wait3A_898 = tpu.memref_slice %arg19[%dma_wait3A_890, %select_n3A_769, %dma_wait3A_897] : memref<8x20x128xi32, #tpu.memory_space<vmem>> -> memref<1x1x128xi32, #tpu.memory_space<vmem>>
      %dma_wait3A_899 = tpu.memref_squeeze %dma_wait3A_898 : memref<1x1x128xi32, #tpu.memory_space<vmem>> -> memref<128xi32, #tpu.memory_space<vmem>>
      %dma_wait3A_900 = arith.constant 0 : i32
      %dma_wait3A_901 = arith.constant 0 : i32
      %dma_wait3A_902 = tpu.memref_slice %arg10[%dma_wait3A_900, %dma_wait3A_901] : memref<10000x16xf32, #tpu.memory_space<hbm>> -> memref<10000x16xf32, #tpu.memory_space<hbm>>
      %dma_wait3A_903 = tpu.memref_slice %arg22[%dma_wait3A_892] : memref<8x!tpu.dma_semaphore, #tpu.memory_space<semaphore_mem>> -> memref<1x!tpu.dma_semaphore, #tpu.memory_space<semaphore_mem>>
      %dma_wait3A_904 = tpu.memref_squeeze %dma_wait3A_903 : memref<1x!tpu.dma_semaphore, #tpu.memory_space<semaphore_mem>> -> memref<!tpu.dma_semaphore, #tpu.memory_space<semaphore_mem>>
      tpu.wait_indirect_dma semaphore(%dma_wait3A_904 : memref<!tpu.dma_semaphore, #tpu.memory_space<semaphore_mem>>) src(%dma_wait3A_902 : memref<10000x16xf32, #tpu.memory_space<hbm>>) dst(%dma_wait3A_896 : memref<128x16xf32, #tpu.memory_space<vmem>>)
      %dma_wait3A_905 = arith.constant 1 : i32
      %dma_wait3A_906 = arith.constant 1 : i32
      %dma_wait3A_907 = arith.constant 1 : i32
      %dma_wait3A_908 = arith.constant 0 : i32
      %dma_wait3A_909 = arith.constant 0 : i32
      %dma_wait3A_910 = tpu.memref_slice %arg21[%dma_wait3A_906, %dma_wait3A_908, %dma_wait3A_909] : memref<8x128x16xf32, #tpu.memory_space<vmem>> -> memref<1x128x16xf32, #tpu.memory_space<vmem>>
      %dma_wait3A_911 = tpu.memref_squeeze %dma_wait3A_910 : memref<1x128x16xf32, #tpu.memory_space<vmem>> -> memref<128x16xf32, #tpu.memory_space<vmem>>
      %dma_wait3A_912 = arith.constant 0 : i32
      %dma_wait3A_913 = tpu.memref_slice %arg19[%dma_wait3A_905, %select_n3A_769, %dma_wait3A_912] : memref<8x20x128xi32, #tpu.memory_space<vmem>> -> memref<1x1x128xi32, #tpu.memory_space<vmem>>
      %dma_wait3A_914 = tpu.memref_squeeze %dma_wait3A_913 : memref<1x1x128xi32, #tpu.memory_space<vmem>> -> memref<128xi32, #tpu.memory_space<vmem>>
      %dma_wait3A_915 = arith.constant 0 : i32
      %dma_wait3A_916 = arith.constant 0 : i32
      %dma_wait3A_917 = tpu.memref_slice %arg11[%dma_wait3A_915, %dma_wait3A_916] : memref<50000x16xf32, #tpu.memory_space<hbm>> -> memref<50000x16xf32, #tpu.memory_space<hbm>>
      %dma_wait3A_918 = tpu.memref_slice %arg22[%dma_wait3A_907] : memref<8x!tpu.dma_semaphore, #tpu.memory_space<semaphore_mem>> -> memref<1x!tpu.dma_semaphore, #tpu.memory_space<semaphore_mem>>
      %dma_wait3A_919 = tpu.memref_squeeze %dma_wait3A_918 : memref<1x!tpu.dma_semaphore, #tpu.memory_space<semaphore_mem>> -> memref<!tpu.dma_semaphore, #tpu.memory_space<semaphore_mem>>
      tpu.wait_indirect_dma semaphore(%dma_wait3A_919 : memref<!tpu.dma_semaphore, #tpu.memory_space<semaphore_mem>>) src(%dma_wait3A_917 : memref<50000x16xf32, #tpu.memory_space<hbm>>) dst(%dma_wait3A_911 : memref<128x16xf32, #tpu.memory_space<vmem>>)
      %dma_wait3A_920 = arith.constant 2 : i32
      %dma_wait3A_921 = arith.constant 2 : i32
      %dma_wait3A_922 = arith.constant 2 : i32
      %dma_wait3A_923 = arith.constant 0 : i32
      %dma_wait3A_924 = arith.constant 0 : i32
      %dma_wait3A_925 = tpu.memref_slice %arg21[%dma_wait3A_921, %dma_wait3A_923, %dma_wait3A_924] : memref<8x128x16xf32, #tpu.memory_space<vmem>> -> memref<1x128x16xf32, #tpu.memory_space<vmem>>
      %dma_wait3A_926 = tpu.memref_squeeze %dma_wait3A_925 : memref<1x128x16xf32, #tpu.memory_space<vmem>> -> memref<128x16xf32, #tpu.memory_space<vmem>>
      %dma_wait3A_927 = arith.constant 0 : i32
      %dma_wait3A_928 = tpu.memref_slice %arg19[%dma_wait3A_920, %select_n3A_769, %dma_wait3A_927] : memref<8x20x128xi32, #tpu.memory_space<vmem>> -> memref<1x1x128xi32, #tpu.memory_space<vmem>>
      %dma_wait3A_929 = tpu.memref_squeeze %dma_wait3A_928 : memref<1x1x128xi32, #tpu.memory_space<vmem>> -> memref<128xi32, #tpu.memory_space<vmem>>
      %dma_wait3A_930 = arith.constant 0 : i32
      %dma_wait3A_931 = arith.constant 0 : i32
      %dma_wait3A_932 = tpu.memref_slice %arg12[%dma_wait3A_930, %dma_wait3A_931] : memref<200000x16xf32, #tpu.memory_space<hbm>> -> memref<200000x16xf32, #tpu.memory_space<hbm>>
      %dma_wait3A_933 = tpu.memref_slice %arg22[%dma_wait3A_922] : memref<8x!tpu.dma_semaphore, #tpu.memory_space<semaphore_mem>> -> memref<1x!tpu.dma_semaphore, #tpu.memory_space<semaphore_mem>>
      %dma_wait3A_934 = tpu.memref_squeeze %dma_wait3A_933 : memref<1x!tpu.dma_semaphore, #tpu.memory_space<semaphore_mem>> -> memref<!tpu.dma_semaphore, #tpu.memory_space<semaphore_mem>>
      tpu.wait_indirect_dma semaphore(%dma_wait3A_934 : memref<!tpu.dma_semaphore, #tpu.memory_space<semaphore_mem>>) src(%dma_wait3A_932 : memref<200000x16xf32, #tpu.memory_space<hbm>>) dst(%dma_wait3A_926 : memref<128x16xf32, #tpu.memory_space<vmem>>)
      %dma_wait3A_935 = arith.constant 3 : i32
      %dma_wait3A_936 = arith.constant 3 : i32
      %dma_wait3A_937 = arith.constant 3 : i32
      %dma_wait3A_938 = arith.constant 0 : i32
      %dma_wait3A_939 = arith.constant 0 : i32
      %dma_wait3A_940 = tpu.memref_slice %arg21[%dma_wait3A_936, %dma_wait3A_938, %dma_wait3A_939] : memref<8x128x16xf32, #tpu.memory_space<vmem>> -> memref<1x128x16xf32, #tpu.memory_space<vmem>>
      %dma_wait3A_941 = tpu.memref_squeeze %dma_wait3A_940 : memref<1x128x16xf32, #tpu.memory_space<vmem>> -> memref<128x16xf32, #tpu.memory_space<vmem>>
      %dma_wait3A_942 = arith.constant 0 : i32
      %dma_wait3A_943 = tpu.memref_slice %arg19[%dma_wait3A_935, %select_n3A_769, %dma_wait3A_942] : memref<8x20x128xi32, #tpu.memory_space<vmem>> -> memref<1x1x128xi32, #tpu.memory_space<vmem>>
      %dma_wait3A_944 = tpu.memref_squeeze %dma_wait3A_943 : memref<1x1x128xi32, #tpu.memory_space<vmem>> -> memref<128xi32, #tpu.memory_space<vmem>>
      %dma_wait3A_945 = arith.constant 0 : i32
      %dma_wait3A_946 = arith.constant 0 : i32
      %dma_wait3A_947 = tpu.memref_slice %arg13[%dma_wait3A_945, %dma_wait3A_946] : memref<1000000x16xf32, #tpu.memory_space<hbm>> -> memref<1000000x16xf32, #tpu.memory_space<hbm>>
      %dma_wait3A_948 = tpu.memref_slice %arg22[%dma_wait3A_937] : memref<8x!tpu.dma_semaphore, #tpu.memory_space<semaphore_mem>> -> memref<1x!tpu.dma_semaphore, #tpu.memory_space<semaphore_mem>>
      %dma_wait3A_949 = tpu.memref_squeeze %dma_wait3A_948 : memref<1x!tpu.dma_semaphore, #tpu.memory_space<semaphore_mem>> -> memref<!tpu.dma_semaphore, #tpu.memory_space<semaphore_mem>>
      tpu.wait_indirect_dma semaphore(%dma_wait3A_949 : memref<!tpu.dma_semaphore, #tpu.memory_space<semaphore_mem>>) src(%dma_wait3A_947 : memref<1000000x16xf32, #tpu.memory_space<hbm>>) dst(%dma_wait3A_941 : memref<128x16xf32, #tpu.memory_space<vmem>>)
      %dma_wait3A_950 = arith.constant 4 : i32
      %dma_wait3A_951 = arith.constant 4 : i32
      %dma_wait3A_952 = arith.constant 4 : i32
      %dma_wait3A_953 = arith.constant 0 : i32
      %dma_wait3A_954 = arith.constant 0 : i32
      %dma_wait3A_955 = tpu.memref_slice %arg21[%dma_wait3A_951, %dma_wait3A_953, %dma_wait3A_954] : memref<8x128x16xf32, #tpu.memory_space<vmem>> -> memref<1x128x16xf32, #tpu.memory_space<vmem>>
      %dma_wait3A_956 = tpu.memref_squeeze %dma_wait3A_955 : memref<1x128x16xf32, #tpu.memory_space<vmem>> -> memref<128x16xf32, #tpu.memory_space<vmem>>
      %dma_wait3A_957 = arith.constant 0 : i32
      %dma_wait3A_958 = tpu.memref_slice %arg19[%dma_wait3A_950, %select_n3A_769, %dma_wait3A_957] : memref<8x20x128xi32, #tpu.memory_space<vmem>> -> memref<1x1x128xi32, #tpu.memory_space<vmem>>
      %dma_wait3A_959 = tpu.memref_squeeze %dma_wait3A_958 : memref<1x1x128xi32, #tpu.memory_space<vmem>> -> memref<128xi32, #tpu.memory_space<vmem>>
      %dma_wait3A_960 = arith.constant 0 : i32
      %dma_wait3A_961 = arith.constant 0 : i32
      %dma_wait3A_962 = tpu.memref_slice %arg14[%dma_wait3A_960, %dma_wait3A_961] : memref<20000x16xf32, #tpu.memory_space<hbm>> -> memref<20000x16xf32, #tpu.memory_space<hbm>>
      %dma_wait3A_963 = tpu.memref_slice %arg22[%dma_wait3A_952] : memref<8x!tpu.dma_semaphore, #tpu.memory_space<semaphore_mem>> -> memref<1x!tpu.dma_semaphore, #tpu.memory_space<semaphore_mem>>
      %dma_wait3A_964 = tpu.memref_squeeze %dma_wait3A_963 : memref<1x!tpu.dma_semaphore, #tpu.memory_space<semaphore_mem>> -> memref<!tpu.dma_semaphore, #tpu.memory_space<semaphore_mem>>
      tpu.wait_indirect_dma semaphore(%dma_wait3A_964 : memref<!tpu.dma_semaphore, #tpu.memory_space<semaphore_mem>>) src(%dma_wait3A_962 : memref<20000x16xf32, #tpu.memory_space<hbm>>) dst(%dma_wait3A_956 : memref<128x16xf32, #tpu.memory_space<vmem>>)
      %dma_wait3A_965 = arith.constant 5 : i32
      %dma_wait3A_966 = arith.constant 5 : i32
      %dma_wait3A_967 = arith.constant 5 : i32
      %dma_wait3A_968 = arith.constant 0 : i32
      %dma_wait3A_969 = arith.constant 0 : i32
      %dma_wait3A_970 = tpu.memref_slice %arg21[%dma_wait3A_966, %dma_wait3A_968, %dma_wait3A_969] : memref<8x128x16xf32, #tpu.memory_space<vmem>> -> memref<1x128x16xf32, #tpu.memory_space<vmem>>
      %dma_wait3A_971 = tpu.memref_squeeze %dma_wait3A_970 : memref<1x128x16xf32, #tpu.memory_space<vmem>> -> memref<128x16xf32, #tpu.memory_space<vmem>>
      %dma_wait3A_972 = arith.constant 0 : i32
      %dma_wait3A_973 = tpu.memref_slice %arg19[%dma_wait3A_965, %select_n3A_769, %dma_wait3A_972] : memref<8x20x128xi32, #tpu.memory_space<vmem>> -> memref<1x1x128xi32, #tpu.memory_space<vmem>>
      %dma_wait3A_974 = tpu.memref_squeeze %dma_wait3A_973 : memref<1x1x128xi32, #tpu.memory_space<vmem>> -> memref<128xi32, #tpu.memory_space<vmem>>
      %dma_wait3A_975 = arith.constant 0 : i32
      %dma_wait3A_976 = arith.constant 0 : i32
      %dma_wait3A_977 = tpu.memref_slice %arg15[%dma_wait3A_975, %dma_wait3A_976] : memref<100000x16xf32, #tpu.memory_space<hbm>> -> memref<100000x16xf32, #tpu.memory_space<hbm>>
      %dma_wait3A_978 = tpu.memref_slice %arg22[%dma_wait3A_967] : memref<8x!tpu.dma_semaphore, #tpu.memory_space<semaphore_mem>> -> memref<1x!tpu.dma_semaphore, #tpu.memory_space<semaphore_mem>>
      %dma_wait3A_979 = tpu.memref_squeeze %dma_wait3A_978 : memref<1x!tpu.dma_semaphore, #tpu.memory_space<semaphore_mem>> -> memref<!tpu.dma_semaphore, #tpu.memory_space<semaphore_mem>>
      tpu.wait_indirect_dma semaphore(%dma_wait3A_979 : memref<!tpu.dma_semaphore, #tpu.memory_space<semaphore_mem>>) src(%dma_wait3A_977 : memref<100000x16xf32, #tpu.memory_space<hbm>>) dst(%dma_wait3A_971 : memref<128x16xf32, #tpu.memory_space<vmem>>)
      %dma_wait3A_980 = arith.constant 6 : i32
      %dma_wait3A_981 = arith.constant 6 : i32
      %dma_wait3A_982 = arith.constant 6 : i32
      %dma_wait3A_983 = arith.constant 0 : i32
      %dma_wait3A_984 = arith.constant 0 : i32
      %dma_wait3A_985 = tpu.memref_slice %arg21[%dma_wait3A_981, %dma_wait3A_983, %dma_wait3A_984] : memref<8x128x16xf32, #tpu.memory_space<vmem>> -> memref<1x128x16xf32, #tpu.memory_space<vmem>>
      %dma_wait3A_986 = tpu.memref_squeeze %dma_wait3A_985 : memref<1x128x16xf32, #tpu.memory_space<vmem>> -> memref<128x16xf32, #tpu.memory_space<vmem>>
      %dma_wait3A_987 = arith.constant 0 : i32
      %dma_wait3A_988 = tpu.memref_slice %arg19[%dma_wait3A_980, %select_n3A_769, %dma_wait3A_987] : memref<8x20x128xi32, #tpu.memory_space<vmem>> -> memref<1x1x128xi32, #tpu.memory_space<vmem>>
      %dma_wait3A_989 = tpu.memref_squeeze %dma_wait3A_988 : memref<1x1x128xi32, #tpu.memory_space<vmem>> -> memref<128xi32, #tpu.memory_space<vmem>>
      %dma_wait3A_990 = arith.constant 0 : i32
      %dma_wait3A_991 = arith.constant 0 : i32
      %dma_wait3A_992 = tpu.memref_slice %arg16[%dma_wait3A_990, %dma_wait3A_991] : memref<400000x16xf32, #tpu.memory_space<hbm>> -> memref<400000x16xf32, #tpu.memory_space<hbm>>
      %dma_wait3A_993 = tpu.memref_slice %arg22[%dma_wait3A_982] : memref<8x!tpu.dma_semaphore, #tpu.memory_space<semaphore_mem>> -> memref<1x!tpu.dma_semaphore, #tpu.memory_space<semaphore_mem>>
      %dma_wait3A_994 = tpu.memref_squeeze %dma_wait3A_993 : memref<1x!tpu.dma_semaphore, #tpu.memory_space<semaphore_mem>> -> memref<!tpu.dma_semaphore, #tpu.memory_space<semaphore_mem>>
      tpu.wait_indirect_dma semaphore(%dma_wait3A_994 : memref<!tpu.dma_semaphore, #tpu.memory_space<semaphore_mem>>) src(%dma_wait3A_992 : memref<400000x16xf32, #tpu.memory_space<hbm>>) dst(%dma_wait3A_986 : memref<128x16xf32, #tpu.memory_space<vmem>>)
      %dma_wait3A_995 = arith.constant 7 : i32
      %dma_wait3A_996 = arith.constant 7 : i32
      %dma_wait3A_997 = arith.constant 7 : i32
      %dma_wait3A_998 = arith.constant 0 : i32
      %dma_wait3A_999 = arith.constant 0 : i32
      %dma_wait3A_1000 = tpu.memref_slice %arg21[%dma_wait3A_996, %dma_wait3A_998, %dma_wait3A_999] : memref<8x128x16xf32, #tpu.memory_space<vmem>> -> memref<1x128x16xf32, #tpu.memory_space<vmem>>
      %dma_wait3A_1001 = tpu.memref_squeeze %dma_wait3A_1000 : memref<1x128x16xf32, #tpu.memory_space<vmem>> -> memref<128x16xf32, #tpu.memory_space<vmem>>
      %dma_wait3A_1002 = arith.constant 0 : i32
      %dma_wait3A_1003 = tpu.memref_slice %arg19[%dma_wait3A_995, %select_n3A_769, %dma_wait3A_1002] : memref<8x20x128xi32, #tpu.memory_space<vmem>> -> memref<1x1x128xi32, #tpu.memory_space<vmem>>
      %dma_wait3A_1004 = tpu.memref_squeeze %dma_wait3A_1003 : memref<1x1x128xi32, #tpu.memory_space<vmem>> -> memref<128xi32, #tpu.memory_space<vmem>>
      %dma_wait3A_1005 = arith.constant 0 : i32
      %dma_wait3A_1006 = arith.constant 0 : i32
      %dma_wait3A_1007 = tpu.memref_slice %arg17[%dma_wait3A_1005, %dma_wait3A_1006] : memref<1000000x16xf32, #tpu.memory_space<hbm>> -> memref<1000000x16xf32, #tpu.memory_space<hbm>>
      %dma_wait3A_1008 = tpu.memref_slice %arg22[%dma_wait3A_997] : memref<8x!tpu.dma_semaphore, #tpu.memory_space<semaphore_mem>> -> memref<1x!tpu.dma_semaphore, #tpu.memory_space<semaphore_mem>>
      %dma_wait3A_1009 = tpu.memref_squeeze %dma_wait3A_1008 : memref<1x!tpu.dma_semaphore, #tpu.memory_space<semaphore_mem>> -> memref<!tpu.dma_semaphore, #tpu.memory_space<semaphore_mem>>
      tpu.wait_indirect_dma semaphore(%dma_wait3A_1009 : memref<!tpu.dma_semaphore, #tpu.memory_space<semaphore_mem>>) src(%dma_wait3A_1007 : memref<1000000x16xf32, #tpu.memory_space<hbm>>) dst(%dma_wait3A_1001 : memref<128x16xf32, #tpu.memory_space<vmem>>)
      %mul3A_1010 = arith.constant 128 : i32
      %mul3A_1011 = arith.muli %add3A_729, %mul3A_1010 : i32
      %add3A_1012 = arith.addi %mul3A_4, %mul3A_1011 : i32
      %dma_start3A_1013 = arith.constant 0 : i32
      %dma_start3A_1014 = arith.constant 0 : i32
      %dma_start3A_1015 = arith.constant 0 : i32
      %dma_start3A_1016 = arith.constant 0 : i32
      %dma_start3A_1017 = tpu.memref_slice %arg21[%dma_start3A_1013, %dma_start3A_1015, %dma_start3A_1016] : memref<8x128x16xf32, #tpu.memory_space<vmem>> -> memref<1x128x16xf32, #tpu.memory_space<vmem>>
      %dma_start3A_1018 = tpu.memref_squeeze %dma_start3A_1017 : memref<1x128x16xf32, #tpu.memory_space<vmem>> -> memref<128x16xf32, #tpu.memory_space<vmem>>
      %dma_start3A_1019 = arith.constant 0 : i32
      %dma_start3A_1020 = tpu.memref_slice %arg18[%add3A_1012, %dma_start3A_1019] : memref<819200x128xf32, #tpu.memory_space<hbm>> -> memref<128x16xf32, #tpu.memory_space<hbm>>
      %dma_start3A_1021 = tpu.memref_slice %arg24[%dma_start3A_1014] : memref<8x!tpu.dma_semaphore, #tpu.memory_space<semaphore_mem>> -> memref<1x!tpu.dma_semaphore, #tpu.memory_space<semaphore_mem>>
      %dma_start3A_1022 = tpu.memref_squeeze %dma_start3A_1021 : memref<1x!tpu.dma_semaphore, #tpu.memory_space<semaphore_mem>> -> memref<!tpu.dma_semaphore, #tpu.memory_space<semaphore_mem>>
      %dma_start3A_1023 = arith.constant 0 : i32
      %dma_start3A_1024 = tpu.memref_slice %arg18[%add3A_1012, %dma_start3A_1023] : memref<819200x128xf32, #tpu.memory_space<hbm>> -> memref<128x16xf32, #tpu.memory_space<hbm>>
      %dma_start3A_1025 = arith.constant 0 : i32
      %dma_start3A_1026 = arith.constant 0 : i32
      %dma_start3A_1027 = tpu.memref_slice %arg21[%dma_start3A_1013, %dma_start3A_1025, %dma_start3A_1026] : memref<8x128x16xf32, #tpu.memory_space<vmem>> -> memref<1x128x16xf32, #tpu.memory_space<vmem>>
      %dma_start3A_1028 = tpu.memref_squeeze %dma_start3A_1027 : memref<1x128x16xf32, #tpu.memory_space<vmem>> -> memref<128x16xf32, #tpu.memory_space<vmem>>
      tpu.enqueue_dma source(%dma_start3A_1028 : memref<128x16xf32, #tpu.memory_space<vmem>>) target(%dma_start3A_1024 : memref<128x16xf32, #tpu.memory_space<hbm>>) target_semaphore(%dma_start3A_1022 : memref<!tpu.dma_semaphore, #tpu.memory_space<semaphore_mem>>)
      %dma_start3A_1029 = arith.constant 1 : i32
      %dma_start3A_1030 = arith.constant 1 : i32
      %dma_start3A_1031 = arith.constant 0 : i32
      %dma_start3A_1032 = arith.constant 0 : i32
      %dma_start3A_1033 = tpu.memref_slice %arg21[%dma_start3A_1029, %dma_start3A_1031, %dma_start3A_1032] : memref<8x128x16xf32, #tpu.memory_space<vmem>> -> memref<1x128x16xf32, #tpu.memory_space<vmem>>
      %dma_start3A_1034 = tpu.memref_squeeze %dma_start3A_1033 : memref<1x128x16xf32, #tpu.memory_space<vmem>> -> memref<128x16xf32, #tpu.memory_space<vmem>>
      %dma_start3A_1035 = arith.constant 16 : i32
      %dma_start3A_1036 = tpu.memref_slice %arg18[%add3A_1012, %dma_start3A_1035] : memref<819200x128xf32, #tpu.memory_space<hbm>> -> memref<128x16xf32, #tpu.memory_space<hbm>>
      %dma_start3A_1037 = tpu.memref_slice %arg24[%dma_start3A_1030] : memref<8x!tpu.dma_semaphore, #tpu.memory_space<semaphore_mem>> -> memref<1x!tpu.dma_semaphore, #tpu.memory_space<semaphore_mem>>
      %dma_start3A_1038 = tpu.memref_squeeze %dma_start3A_1037 : memref<1x!tpu.dma_semaphore, #tpu.memory_space<semaphore_mem>> -> memref<!tpu.dma_semaphore, #tpu.memory_space<semaphore_mem>>
      %dma_start3A_1039 = arith.constant 16 : i32
      %dma_start3A_1040 = tpu.memref_slice %arg18[%add3A_1012, %dma_start3A_1039] : memref<819200x128xf32, #tpu.memory_space<hbm>> -> memref<128x16xf32, #tpu.memory_space<hbm>>
      %dma_start3A_1041 = arith.constant 0 : i32
      %dma_start3A_1042 = arith.constant 0 : i32
      %dma_start3A_1043 = tpu.memref_slice %arg21[%dma_start3A_1029, %dma_start3A_1041, %dma_start3A_1042] : memref<8x128x16xf32, #tpu.memory_space<vmem>> -> memref<1x128x16xf32, #tpu.memory_space<vmem>>
      %dma_start3A_1044 = tpu.memref_squeeze %dma_start3A_1043 : memref<1x128x16xf32, #tpu.memory_space<vmem>> -> memref<128x16xf32, #tpu.memory_space<vmem>>
      tpu.enqueue_dma source(%dma_start3A_1044 : memref<128x16xf32, #tpu.memory_space<vmem>>) target(%dma_start3A_1040 : memref<128x16xf32, #tpu.memory_space<hbm>>) target_semaphore(%dma_start3A_1038 : memref<!tpu.dma_semaphore, #tpu.memory_space<semaphore_mem>>)
      %dma_start3A_1045 = arith.constant 2 : i32
      %dma_start3A_1046 = arith.constant 2 : i32
      %dma_start3A_1047 = arith.constant 0 : i32
      %dma_start3A_1048 = arith.constant 0 : i32
      %dma_start3A_1049 = tpu.memref_slice %arg21[%dma_start3A_1045, %dma_start3A_1047, %dma_start3A_1048] : memref<8x128x16xf32, #tpu.memory_space<vmem>> -> memref<1x128x16xf32, #tpu.memory_space<vmem>>
      %dma_start3A_1050 = tpu.memref_squeeze %dma_start3A_1049 : memref<1x128x16xf32, #tpu.memory_space<vmem>> -> memref<128x16xf32, #tpu.memory_space<vmem>>
      %dma_start3A_1051 = arith.constant 32 : i32
      %dma_start3A_1052 = tpu.memref_slice %arg18[%add3A_1012, %dma_start3A_1051] : memref<819200x128xf32, #tpu.memory_space<hbm>> -> memref<128x16xf32, #tpu.memory_space<hbm>>
      %dma_start3A_1053 = tpu.memref_slice %arg24[%dma_start3A_1046] : memref<8x!tpu.dma_semaphore, #tpu.memory_space<semaphore_mem>> -> memref<1x!tpu.dma_semaphore, #tpu.memory_space<semaphore_mem>>
      %dma_start3A_1054 = tpu.memref_squeeze %dma_start3A_1053 : memref<1x!tpu.dma_semaphore, #tpu.memory_space<semaphore_mem>> -> memref<!tpu.dma_semaphore, #tpu.memory_space<semaphore_mem>>
      %dma_start3A_1055 = arith.constant 32 : i32
      %dma_start3A_1056 = tpu.memref_slice %arg18[%add3A_1012, %dma_start3A_1055] : memref<819200x128xf32, #tpu.memory_space<hbm>> -> memref<128x16xf32, #tpu.memory_space<hbm>>
      %dma_start3A_1057 = arith.constant 0 : i32
      %dma_start3A_1058 = arith.constant 0 : i32
      %dma_start3A_1059 = tpu.memref_slice %arg21[%dma_start3A_1045, %dma_start3A_1057, %dma_start3A_1058] : memref<8x128x16xf32, #tpu.memory_space<vmem>> -> memref<1x128x16xf32, #tpu.memory_space<vmem>>
      %dma_start3A_1060 = tpu.memref_squeeze %dma_start3A_1059 : memref<1x128x16xf32, #tpu.memory_space<vmem>> -> memref<128x16xf32, #tpu.memory_space<vmem>>
      tpu.enqueue_dma source(%dma_start3A_1060 : memref<128x16xf32, #tpu.memory_space<vmem>>) target(%dma_start3A_1056 : memref<128x16xf32, #tpu.memory_space<hbm>>) target_semaphore(%dma_start3A_1054 : memref<!tpu.dma_semaphore, #tpu.memory_space<semaphore_mem>>)
      %dma_start3A_1061 = arith.constant 3 : i32
      %dma_start3A_1062 = arith.constant 3 : i32
      %dma_start3A_1063 = arith.constant 0 : i32
      %dma_start3A_1064 = arith.constant 0 : i32
      %dma_start3A_1065 = tpu.memref_slice %arg21[%dma_start3A_1061, %dma_start3A_1063, %dma_start3A_1064] : memref<8x128x16xf32, #tpu.memory_space<vmem>> -> memref<1x128x16xf32, #tpu.memory_space<vmem>>
      %dma_start3A_1066 = tpu.memref_squeeze %dma_start3A_1065 : memref<1x128x16xf32, #tpu.memory_space<vmem>> -> memref<128x16xf32, #tpu.memory_space<vmem>>
      %dma_start3A_1067 = arith.constant 48 : i32
      %dma_start3A_1068 = tpu.memref_slice %arg18[%add3A_1012, %dma_start3A_1067] : memref<819200x128xf32, #tpu.memory_space<hbm>> -> memref<128x16xf32, #tpu.memory_space<hbm>>
      %dma_start3A_1069 = tpu.memref_slice %arg24[%dma_start3A_1062] : memref<8x!tpu.dma_semaphore, #tpu.memory_space<semaphore_mem>> -> memref<1x!tpu.dma_semaphore, #tpu.memory_space<semaphore_mem>>
      %dma_start3A_1070 = tpu.memref_squeeze %dma_start3A_1069 : memref<1x!tpu.dma_semaphore, #tpu.memory_space<semaphore_mem>> -> memref<!tpu.dma_semaphore, #tpu.memory_space<semaphore_mem>>
      %dma_start3A_1071 = arith.constant 48 : i32
      %dma_start3A_1072 = tpu.memref_slice %arg18[%add3A_1012, %dma_start3A_1071] : memref<819200x128xf32, #tpu.memory_space<hbm>> -> memref<128x16xf32, #tpu.memory_space<hbm>>
      %dma_start3A_1073 = arith.constant 0 : i32
      %dma_start3A_1074 = arith.constant 0 : i32
      %dma_start3A_1075 = tpu.memref_slice %arg21[%dma_start3A_1061, %dma_start3A_1073, %dma_start3A_1074] : memref<8x128x16xf32, #tpu.memory_space<vmem>> -> memref<1x128x16xf32, #tpu.memory_space<vmem>>
      %dma_start3A_1076 = tpu.memref_squeeze %dma_start3A_1075 : memref<1x128x16xf32, #tpu.memory_space<vmem>> -> memref<128x16xf32, #tpu.memory_space<vmem>>
      tpu.enqueue_dma source(%dma_start3A_1076 : memref<128x16xf32, #tpu.memory_space<vmem>>) target(%dma_start3A_1072 : memref<128x16xf32, #tpu.memory_space<hbm>>) target_semaphore(%dma_start3A_1070 : memref<!tpu.dma_semaphore, #tpu.memory_space<semaphore_mem>>)
      %dma_start3A_1077 = arith.constant 4 : i32
      %dma_start3A_1078 = arith.constant 4 : i32
      %dma_start3A_1079 = arith.constant 0 : i32
      %dma_start3A_1080 = arith.constant 0 : i32
      %dma_start3A_1081 = tpu.memref_slice %arg21[%dma_start3A_1077, %dma_start3A_1079, %dma_start3A_1080] : memref<8x128x16xf32, #tpu.memory_space<vmem>> -> memref<1x128x16xf32, #tpu.memory_space<vmem>>
      %dma_start3A_1082 = tpu.memref_squeeze %dma_start3A_1081 : memref<1x128x16xf32, #tpu.memory_space<vmem>> -> memref<128x16xf32, #tpu.memory_space<vmem>>
      %dma_start3A_1083 = arith.constant 64 : i32
      %dma_start3A_1084 = tpu.memref_slice %arg18[%add3A_1012, %dma_start3A_1083] : memref<819200x128xf32, #tpu.memory_space<hbm>> -> memref<128x16xf32, #tpu.memory_space<hbm>>
      %dma_start3A_1085 = tpu.memref_slice %arg24[%dma_start3A_1078] : memref<8x!tpu.dma_semaphore, #tpu.memory_space<semaphore_mem>> -> memref<1x!tpu.dma_semaphore, #tpu.memory_space<semaphore_mem>>
      %dma_start3A_1086 = tpu.memref_squeeze %dma_start3A_1085 : memref<1x!tpu.dma_semaphore, #tpu.memory_space<semaphore_mem>> -> memref<!tpu.dma_semaphore, #tpu.memory_space<semaphore_mem>>
      %dma_start3A_1087 = arith.constant 64 : i32
      %dma_start3A_1088 = tpu.memref_slice %arg18[%add3A_1012, %dma_start3A_1087] : memref<819200x128xf32, #tpu.memory_space<hbm>> -> memref<128x16xf32, #tpu.memory_space<hbm>>
      %dma_start3A_1089 = arith.constant 0 : i32
      %dma_start3A_1090 = arith.constant 0 : i32
      %dma_start3A_1091 = tpu.memref_slice %arg21[%dma_start3A_1077, %dma_start3A_1089, %dma_start3A_1090] : memref<8x128x16xf32, #tpu.memory_space<vmem>> -> memref<1x128x16xf32, #tpu.memory_space<vmem>>
      %dma_start3A_1092 = tpu.memref_squeeze %dma_start3A_1091 : memref<1x128x16xf32, #tpu.memory_space<vmem>> -> memref<128x16xf32, #tpu.memory_space<vmem>>
      tpu.enqueue_dma source(%dma_start3A_1092 : memref<128x16xf32, #tpu.memory_space<vmem>>) target(%dma_start3A_1088 : memref<128x16xf32, #tpu.memory_space<hbm>>) target_semaphore(%dma_start3A_1086 : memref<!tpu.dma_semaphore, #tpu.memory_space<semaphore_mem>>)
      %dma_start3A_1093 = arith.constant 5 : i32
      %dma_start3A_1094 = arith.constant 5 : i32
      %dma_start3A_1095 = arith.constant 0 : i32
      %dma_start3A_1096 = arith.constant 0 : i32
      %dma_start3A_1097 = tpu.memref_slice %arg21[%dma_start3A_1093, %dma_start3A_1095, %dma_start3A_1096] : memref<8x128x16xf32, #tpu.memory_space<vmem>> -> memref<1x128x16xf32, #tpu.memory_space<vmem>>
      %dma_start3A_1098 = tpu.memref_squeeze %dma_start3A_1097 : memref<1x128x16xf32, #tpu.memory_space<vmem>> -> memref<128x16xf32, #tpu.memory_space<vmem>>
      %dma_start3A_1099 = arith.constant 80 : i32
      %dma_start3A_1100 = tpu.memref_slice %arg18[%add3A_1012, %dma_start3A_1099] : memref<819200x128xf32, #tpu.memory_space<hbm>> -> memref<128x16xf32, #tpu.memory_space<hbm>>
      %dma_start3A_1101 = tpu.memref_slice %arg24[%dma_start3A_1094] : memref<8x!tpu.dma_semaphore, #tpu.memory_space<semaphore_mem>> -> memref<1x!tpu.dma_semaphore, #tpu.memory_space<semaphore_mem>>
      %dma_start3A_1102 = tpu.memref_squeeze %dma_start3A_1101 : memref<1x!tpu.dma_semaphore, #tpu.memory_space<semaphore_mem>> -> memref<!tpu.dma_semaphore, #tpu.memory_space<semaphore_mem>>
      %dma_start3A_1103 = arith.constant 80 : i32
      %dma_start3A_1104 = tpu.memref_slice %arg18[%add3A_1012, %dma_start3A_1103] : memref<819200x128xf32, #tpu.memory_space<hbm>> -> memref<128x16xf32, #tpu.memory_space<hbm>>
      %dma_start3A_1105 = arith.constant 0 : i32
      %dma_start3A_1106 = arith.constant 0 : i32
      %dma_start3A_1107 = tpu.memref_slice %arg21[%dma_start3A_1093, %dma_start3A_1105, %dma_start3A_1106] : memref<8x128x16xf32, #tpu.memory_space<vmem>> -> memref<1x128x16xf32, #tpu.memory_space<vmem>>
      %dma_start3A_1108 = tpu.memref_squeeze %dma_start3A_1107 : memref<1x128x16xf32, #tpu.memory_space<vmem>> -> memref<128x16xf32, #tpu.memory_space<vmem>>
      tpu.enqueue_dma source(%dma_start3A_1108 : memref<128x16xf32, #tpu.memory_space<vmem>>) target(%dma_start3A_1104 : memref<128x16xf32, #tpu.memory_space<hbm>>) target_semaphore(%dma_start3A_1102 : memref<!tpu.dma_semaphore, #tpu.memory_space<semaphore_mem>>)
      %dma_start3A_1109 = arith.constant 6 : i32
      %dma_start3A_1110 = arith.constant 6 : i32
      %dma_start3A_1111 = arith.constant 0 : i32
      %dma_start3A_1112 = arith.constant 0 : i32
      %dma_start3A_1113 = tpu.memref_slice %arg21[%dma_start3A_1109, %dma_start3A_1111, %dma_start3A_1112] : memref<8x128x16xf32, #tpu.memory_space<vmem>> -> memref<1x128x16xf32, #tpu.memory_space<vmem>>
      %dma_start3A_1114 = tpu.memref_squeeze %dma_start3A_1113 : memref<1x128x16xf32, #tpu.memory_space<vmem>> -> memref<128x16xf32, #tpu.memory_space<vmem>>
      %dma_start3A_1115 = arith.constant 96 : i32
      %dma_start3A_1116 = tpu.memref_slice %arg18[%add3A_1012, %dma_start3A_1115] : memref<819200x128xf32, #tpu.memory_space<hbm>> -> memref<128x16xf32, #tpu.memory_space<hbm>>
      %dma_start3A_1117 = tpu.memref_slice %arg24[%dma_start3A_1110] : memref<8x!tpu.dma_semaphore, #tpu.memory_space<semaphore_mem>> -> memref<1x!tpu.dma_semaphore, #tpu.memory_space<semaphore_mem>>
      %dma_start3A_1118 = tpu.memref_squeeze %dma_start3A_1117 : memref<1x!tpu.dma_semaphore, #tpu.memory_space<semaphore_mem>> -> memref<!tpu.dma_semaphore, #tpu.memory_space<semaphore_mem>>
      %dma_start3A_1119 = arith.constant 96 : i32
      %dma_start3A_1120 = tpu.memref_slice %arg18[%add3A_1012, %dma_start3A_1119] : memref<819200x128xf32, #tpu.memory_space<hbm>> -> memref<128x16xf32, #tpu.memory_space<hbm>>
      %dma_start3A_1121 = arith.constant 0 : i32
      %dma_start3A_1122 = arith.constant 0 : i32
      %dma_start3A_1123 = tpu.memref_slice %arg21[%dma_start3A_1109, %dma_start3A_1121, %dma_start3A_1122] : memref<8x128x16xf32, #tpu.memory_space<vmem>> -> memref<1x128x16xf32, #tpu.memory_space<vmem>>
      %dma_start3A_1124 = tpu.memref_squeeze %dma_start3A_1123 : memref<1x128x16xf32, #tpu.memory_space<vmem>> -> memref<128x16xf32, #tpu.memory_space<vmem>>
      tpu.enqueue_dma source(%dma_start3A_1124 : memref<128x16xf32, #tpu.memory_space<vmem>>) target(%dma_start3A_1120 : memref<128x16xf32, #tpu.memory_space<hbm>>) target_semaphore(%dma_start3A_1118 : memref<!tpu.dma_semaphore, #tpu.memory_space<semaphore_mem>>)
      %dma_start3A_1125 = arith.constant 7 : i32
      %dma_start3A_1126 = arith.constant 7 : i32
      %dma_start3A_1127 = arith.constant 0 : i32
      %dma_start3A_1128 = arith.constant 0 : i32
      %dma_start3A_1129 = tpu.memref_slice %arg21[%dma_start3A_1125, %dma_start3A_1127, %dma_start3A_1128] : memref<8x128x16xf32, #tpu.memory_space<vmem>> -> memref<1x128x16xf32, #tpu.memory_space<vmem>>
      %dma_start3A_1130 = tpu.memref_squeeze %dma_start3A_1129 : memref<1x128x16xf32, #tpu.memory_space<vmem>> -> memref<128x16xf32, #tpu.memory_space<vmem>>
      %dma_start3A_1131 = arith.constant 112 : i32
      %dma_start3A_1132 = tpu.memref_slice %arg18[%add3A_1012, %dma_start3A_1131] : memref<819200x128xf32, #tpu.memory_space<hbm>> -> memref<128x16xf32, #tpu.memory_space<hbm>>
      %dma_start3A_1133 = tpu.memref_slice %arg24[%dma_start3A_1126] : memref<8x!tpu.dma_semaphore, #tpu.memory_space<semaphore_mem>> -> memref<1x!tpu.dma_semaphore, #tpu.memory_space<semaphore_mem>>
      %dma_start3A_1134 = tpu.memref_squeeze %dma_start3A_1133 : memref<1x!tpu.dma_semaphore, #tpu.memory_space<semaphore_mem>> -> memref<!tpu.dma_semaphore, #tpu.memory_space<semaphore_mem>>
      %dma_start3A_1135 = arith.constant 112 : i32
      %dma_start3A_1136 = tpu.memref_slice %arg18[%add3A_1012, %dma_start3A_1135] : memref<819200x128xf32, #tpu.memory_space<hbm>> -> memref<128x16xf32, #tpu.memory_space<hbm>>
      %dma_start3A_1137 = arith.constant 0 : i32
      %dma_start3A_1138 = arith.constant 0 : i32
      %dma_start3A_1139 = tpu.memref_slice %arg21[%dma_start3A_1125, %dma_start3A_1137, %dma_start3A_1138] : memref<8x128x16xf32, #tpu.memory_space<vmem>> -> memref<1x128x16xf32, #tpu.memory_space<vmem>>
      %dma_start3A_1140 = tpu.memref_squeeze %dma_start3A_1139 : memref<1x128x16xf32, #tpu.memory_space<vmem>> -> memref<128x16xf32, #tpu.memory_space<vmem>>
      tpu.enqueue_dma source(%dma_start3A_1140 : memref<128x16xf32, #tpu.memory_space<vmem>>) target(%dma_start3A_1136 : memref<128x16xf32, #tpu.memory_space<hbm>>) target_semaphore(%dma_start3A_1134 : memref<!tpu.dma_semaphore, #tpu.memory_space<semaphore_mem>>)
    }
    %scan3A_9 = arith.constant 100 : i32
    %dma_wait3A = arith.constant 0 : i32
    %dma_wait3A_10 = arith.constant 0 : i32
    %dma_wait3A_11 = arith.constant 0 : i32
    %dma_wait3A_12 = arith.constant 0 : i32
    %dma_wait3A_13 = tpu.memref_slice %arg20[%dma_wait3A, %dma_wait3A_11, %dma_wait3A_12] : memref<8x128x16xf32, #tpu.memory_space<vmem>> -> memref<1x128x16xf32, #tpu.memory_space<vmem>>
    %dma_wait3A_14 = tpu.memref_squeeze %dma_wait3A_13 : memref<1x128x16xf32, #tpu.memory_space<vmem>> -> memref<128x16xf32, #tpu.memory_space<vmem>>
    %dma_wait3A_15 = arith.constant 0 : i32
    %dma_wait3A_16 = arith.constant 0 : i32
    %dma_wait3A_17 = tpu.memref_slice %arg18[%dma_wait3A_15, %dma_wait3A_16] : memref<819200x128xf32, #tpu.memory_space<hbm>> -> memref<128x16xf32, #tpu.memory_space<hbm>>
    %dma_wait3A_18 = tpu.memref_slice %arg23[%dma_wait3A_10] : memref<8x!tpu.dma_semaphore, #tpu.memory_space<semaphore_mem>> -> memref<1x!tpu.dma_semaphore, #tpu.memory_space<semaphore_mem>>
    %dma_wait3A_19 = tpu.memref_squeeze %dma_wait3A_18 : memref<1x!tpu.dma_semaphore, #tpu.memory_space<semaphore_mem>> -> memref<!tpu.dma_semaphore, #tpu.memory_space<semaphore_mem>>
    %dma_wait3A_20 = arith.constant 0 : i32
    %dma_wait3A_21 = arith.constant 0 : i32
    %dma_wait3A_22 = tpu.memref_slice %arg18[%dma_wait3A_20, %dma_wait3A_21] : memref<819200x128xf32, #tpu.memory_space<hbm>> -> memref<128x16xf32, #tpu.memory_space<hbm>>
    %dma_wait3A_23 = arith.constant 0 : i32
    %dma_wait3A_24 = arith.constant 0 : i32
    %dma_wait3A_25 = tpu.memref_slice %arg20[%dma_wait3A, %dma_wait3A_23, %dma_wait3A_24] : memref<8x128x16xf32, #tpu.memory_space<vmem>> -> memref<1x128x16xf32, #tpu.memory_space<vmem>>
    %dma_wait3A_26 = tpu.memref_squeeze %dma_wait3A_25 : memref<1x128x16xf32, #tpu.memory_space<vmem>> -> memref<128x16xf32, #tpu.memory_space<vmem>>
    tpu.wait_dma2 semaphore(%dma_wait3A_19 : memref<!tpu.dma_semaphore, #tpu.memory_space<semaphore_mem>>) src(%dma_wait3A_26 : memref<128x16xf32, #tpu.memory_space<vmem>>) dst(%dma_wait3A_22 : memref<128x16xf32, #tpu.memory_space<hbm>>)
    %dma_wait3A_27 = arith.constant 1 : i32
    %dma_wait3A_28 = arith.constant 1 : i32
    %dma_wait3A_29 = arith.constant 0 : i32
    %dma_wait3A_30 = arith.constant 0 : i32
    %dma_wait3A_31 = tpu.memref_slice %arg20[%dma_wait3A_27, %dma_wait3A_29, %dma_wait3A_30] : memref<8x128x16xf32, #tpu.memory_space<vmem>> -> memref<1x128x16xf32, #tpu.memory_space<vmem>>
    %dma_wait3A_32 = tpu.memref_squeeze %dma_wait3A_31 : memref<1x128x16xf32, #tpu.memory_space<vmem>> -> memref<128x16xf32, #tpu.memory_space<vmem>>
    %dma_wait3A_33 = arith.constant 0 : i32
    %dma_wait3A_34 = arith.constant 16 : i32
    %dma_wait3A_35 = tpu.memref_slice %arg18[%dma_wait3A_33, %dma_wait3A_34] : memref<819200x128xf32, #tpu.memory_space<hbm>> -> memref<128x16xf32, #tpu.memory_space<hbm>>
    %dma_wait3A_36 = tpu.memref_slice %arg23[%dma_wait3A_28] : memref<8x!tpu.dma_semaphore, #tpu.memory_space<semaphore_mem>> -> memref<1x!tpu.dma_semaphore, #tpu.memory_space<semaphore_mem>>
    %dma_wait3A_37 = tpu.memref_squeeze %dma_wait3A_36 : memref<1x!tpu.dma_semaphore, #tpu.memory_space<semaphore_mem>> -> memref<!tpu.dma_semaphore, #tpu.memory_space<semaphore_mem>>
    %dma_wait3A_38 = arith.constant 0 : i32
    %dma_wait3A_39 = arith.constant 16 : i32
    %dma_wait3A_40 = tpu.memref_slice %arg18[%dma_wait3A_38, %dma_wait3A_39] : memref<819200x128xf32, #tpu.memory_space<hbm>> -> memref<128x16xf32, #tpu.memory_space<hbm>>
    %dma_wait3A_41 = arith.constant 0 : i32
    %dma_wait3A_42 = arith.constant 0 : i32
    %dma_wait3A_43 = tpu.memref_slice %arg20[%dma_wait3A_27, %dma_wait3A_41, %dma_wait3A_42] : memref<8x128x16xf32, #tpu.memory_space<vmem>> -> memref<1x128x16xf32, #tpu.memory_space<vmem>>
    %dma_wait3A_44 = tpu.memref_squeeze %dma_wait3A_43 : memref<1x128x16xf32, #tpu.memory_space<vmem>> -> memref<128x16xf32, #tpu.memory_space<vmem>>
    tpu.wait_dma2 semaphore(%dma_wait3A_37 : memref<!tpu.dma_semaphore, #tpu.memory_space<semaphore_mem>>) src(%dma_wait3A_44 : memref<128x16xf32, #tpu.memory_space<vmem>>) dst(%dma_wait3A_40 : memref<128x16xf32, #tpu.memory_space<hbm>>)
    %dma_wait3A_45 = arith.constant 2 : i32
    %dma_wait3A_46 = arith.constant 2 : i32
    %dma_wait3A_47 = arith.constant 0 : i32
    %dma_wait3A_48 = arith.constant 0 : i32
    %dma_wait3A_49 = tpu.memref_slice %arg20[%dma_wait3A_45, %dma_wait3A_47, %dma_wait3A_48] : memref<8x128x16xf32, #tpu.memory_space<vmem>> -> memref<1x128x16xf32, #tpu.memory_space<vmem>>
    %dma_wait3A_50 = tpu.memref_squeeze %dma_wait3A_49 : memref<1x128x16xf32, #tpu.memory_space<vmem>> -> memref<128x16xf32, #tpu.memory_space<vmem>>
    %dma_wait3A_51 = arith.constant 0 : i32
    %dma_wait3A_52 = arith.constant 32 : i32
    %dma_wait3A_53 = tpu.memref_slice %arg18[%dma_wait3A_51, %dma_wait3A_52] : memref<819200x128xf32, #tpu.memory_space<hbm>> -> memref<128x16xf32, #tpu.memory_space<hbm>>
    %dma_wait3A_54 = tpu.memref_slice %arg23[%dma_wait3A_46] : memref<8x!tpu.dma_semaphore, #tpu.memory_space<semaphore_mem>> -> memref<1x!tpu.dma_semaphore, #tpu.memory_space<semaphore_mem>>
    %dma_wait3A_55 = tpu.memref_squeeze %dma_wait3A_54 : memref<1x!tpu.dma_semaphore, #tpu.memory_space<semaphore_mem>> -> memref<!tpu.dma_semaphore, #tpu.memory_space<semaphore_mem>>
    %dma_wait3A_56 = arith.constant 0 : i32
    %dma_wait3A_57 = arith.constant 32 : i32
    %dma_wait3A_58 = tpu.memref_slice %arg18[%dma_wait3A_56, %dma_wait3A_57] : memref<819200x128xf32, #tpu.memory_space<hbm>> -> memref<128x16xf32, #tpu.memory_space<hbm>>
    %dma_wait3A_59 = arith.constant 0 : i32
    %dma_wait3A_60 = arith.constant 0 : i32
    %dma_wait3A_61 = tpu.memref_slice %arg20[%dma_wait3A_45, %dma_wait3A_59, %dma_wait3A_60] : memref<8x128x16xf32, #tpu.memory_space<vmem>> -> memref<1x128x16xf32, #tpu.memory_space<vmem>>
    %dma_wait3A_62 = tpu.memref_squeeze %dma_wait3A_61 : memref<1x128x16xf32, #tpu.memory_space<vmem>> -> memref<128x16xf32, #tpu.memory_space<vmem>>
    tpu.wait_dma2 semaphore(%dma_wait3A_55 : memref<!tpu.dma_semaphore, #tpu.memory_space<semaphore_mem>>) src(%dma_wait3A_62 : memref<128x16xf32, #tpu.memory_space<vmem>>) dst(%dma_wait3A_58 : memref<128x16xf32, #tpu.memory_space<hbm>>)
    %dma_wait3A_63 = arith.constant 3 : i32
    %dma_wait3A_64 = arith.constant 3 : i32
    %dma_wait3A_65 = arith.constant 0 : i32
    %dma_wait3A_66 = arith.constant 0 : i32
    %dma_wait3A_67 = tpu.memref_slice %arg20[%dma_wait3A_63, %dma_wait3A_65, %dma_wait3A_66] : memref<8x128x16xf32, #tpu.memory_space<vmem>> -> memref<1x128x16xf32, #tpu.memory_space<vmem>>
    %dma_wait3A_68 = tpu.memref_squeeze %dma_wait3A_67 : memref<1x128x16xf32, #tpu.memory_space<vmem>> -> memref<128x16xf32, #tpu.memory_space<vmem>>
    %dma_wait3A_69 = arith.constant 0 : i32
    %dma_wait3A_70 = arith.constant 48 : i32
    %dma_wait3A_71 = tpu.memref_slice %arg18[%dma_wait3A_69, %dma_wait3A_70] : memref<819200x128xf32, #tpu.memory_space<hbm>> -> memref<128x16xf32, #tpu.memory_space<hbm>>
    %dma_wait3A_72 = tpu.memref_slice %arg23[%dma_wait3A_64] : memref<8x!tpu.dma_semaphore, #tpu.memory_space<semaphore_mem>> -> memref<1x!tpu.dma_semaphore, #tpu.memory_space<semaphore_mem>>
    %dma_wait3A_73 = tpu.memref_squeeze %dma_wait3A_72 : memref<1x!tpu.dma_semaphore, #tpu.memory_space<semaphore_mem>> -> memref<!tpu.dma_semaphore, #tpu.memory_space<semaphore_mem>>
    %dma_wait3A_74 = arith.constant 0 : i32
    %dma_wait3A_75 = arith.constant 48 : i32
    %dma_wait3A_76 = tpu.memref_slice %arg18[%dma_wait3A_74, %dma_wait3A_75] : memref<819200x128xf32, #tpu.memory_space<hbm>> -> memref<128x16xf32, #tpu.memory_space<hbm>>
    %dma_wait3A_77 = arith.constant 0 : i32
    %dma_wait3A_78 = arith.constant 0 : i32
    %dma_wait3A_79 = tpu.memref_slice %arg20[%dma_wait3A_63, %dma_wait3A_77, %dma_wait3A_78] : memref<8x128x16xf32, #tpu.memory_space<vmem>> -> memref<1x128x16xf32, #tpu.memory_space<vmem>>
    %dma_wait3A_80 = tpu.memref_squeeze %dma_wait3A_79 : memref<1x128x16xf32, #tpu.memory_space<vmem>> -> memref<128x16xf32, #tpu.memory_space<vmem>>
    tpu.wait_dma2 semaphore(%dma_wait3A_73 : memref<!tpu.dma_semaphore, #tpu.memory_space<semaphore_mem>>) src(%dma_wait3A_80 : memref<128x16xf32, #tpu.memory_space<vmem>>) dst(%dma_wait3A_76 : memref<128x16xf32, #tpu.memory_space<hbm>>)
    %dma_wait3A_81 = arith.constant 4 : i32
    %dma_wait3A_82 = arith.constant 4 : i32
    %dma_wait3A_83 = arith.constant 0 : i32
    %dma_wait3A_84 = arith.constant 0 : i32
    %dma_wait3A_85 = tpu.memref_slice %arg20[%dma_wait3A_81, %dma_wait3A_83, %dma_wait3A_84] : memref<8x128x16xf32, #tpu.memory_space<vmem>> -> memref<1x128x16xf32, #tpu.memory_space<vmem>>
    %dma_wait3A_86 = tpu.memref_squeeze %dma_wait3A_85 : memref<1x128x16xf32, #tpu.memory_space<vmem>> -> memref<128x16xf32, #tpu.memory_space<vmem>>
    %dma_wait3A_87 = arith.constant 0 : i32
    %dma_wait3A_88 = arith.constant 64 : i32
    %dma_wait3A_89 = tpu.memref_slice %arg18[%dma_wait3A_87, %dma_wait3A_88] : memref<819200x128xf32, #tpu.memory_space<hbm>> -> memref<128x16xf32, #tpu.memory_space<hbm>>
    %dma_wait3A_90 = tpu.memref_slice %arg23[%dma_wait3A_82] : memref<8x!tpu.dma_semaphore, #tpu.memory_space<semaphore_mem>> -> memref<1x!tpu.dma_semaphore, #tpu.memory_space<semaphore_mem>>
    %dma_wait3A_91 = tpu.memref_squeeze %dma_wait3A_90 : memref<1x!tpu.dma_semaphore, #tpu.memory_space<semaphore_mem>> -> memref<!tpu.dma_semaphore, #tpu.memory_space<semaphore_mem>>
    %dma_wait3A_92 = arith.constant 0 : i32
    %dma_wait3A_93 = arith.constant 64 : i32
    %dma_wait3A_94 = tpu.memref_slice %arg18[%dma_wait3A_92, %dma_wait3A_93] : memref<819200x128xf32, #tpu.memory_space<hbm>> -> memref<128x16xf32, #tpu.memory_space<hbm>>
    %dma_wait3A_95 = arith.constant 0 : i32
    %dma_wait3A_96 = arith.constant 0 : i32
    %dma_wait3A_97 = tpu.memref_slice %arg20[%dma_wait3A_81, %dma_wait3A_95, %dma_wait3A_96] : memref<8x128x16xf32, #tpu.memory_space<vmem>> -> memref<1x128x16xf32, #tpu.memory_space<vmem>>
    %dma_wait3A_98 = tpu.memref_squeeze %dma_wait3A_97 : memref<1x128x16xf32, #tpu.memory_space<vmem>> -> memref<128x16xf32, #tpu.memory_space<vmem>>
    tpu.wait_dma2 semaphore(%dma_wait3A_91 : memref<!tpu.dma_semaphore, #tpu.memory_space<semaphore_mem>>) src(%dma_wait3A_98 : memref<128x16xf32, #tpu.memory_space<vmem>>) dst(%dma_wait3A_94 : memref<128x16xf32, #tpu.memory_space<hbm>>)
    %dma_wait3A_99 = arith.constant 5 : i32
    %dma_wait3A_100 = arith.constant 5 : i32
    %dma_wait3A_101 = arith.constant 0 : i32
    %dma_wait3A_102 = arith.constant 0 : i32
    %dma_wait3A_103 = tpu.memref_slice %arg20[%dma_wait3A_99, %dma_wait3A_101, %dma_wait3A_102] : memref<8x128x16xf32, #tpu.memory_space<vmem>> -> memref<1x128x16xf32, #tpu.memory_space<vmem>>
    %dma_wait3A_104 = tpu.memref_squeeze %dma_wait3A_103 : memref<1x128x16xf32, #tpu.memory_space<vmem>> -> memref<128x16xf32, #tpu.memory_space<vmem>>
    %dma_wait3A_105 = arith.constant 0 : i32
    %dma_wait3A_106 = arith.constant 80 : i32
    %dma_wait3A_107 = tpu.memref_slice %arg18[%dma_wait3A_105, %dma_wait3A_106] : memref<819200x128xf32, #tpu.memory_space<hbm>> -> memref<128x16xf32, #tpu.memory_space<hbm>>
    %dma_wait3A_108 = tpu.memref_slice %arg23[%dma_wait3A_100] : memref<8x!tpu.dma_semaphore, #tpu.memory_space<semaphore_mem>> -> memref<1x!tpu.dma_semaphore, #tpu.memory_space<semaphore_mem>>
    %dma_wait3A_109 = tpu.memref_squeeze %dma_wait3A_108 : memref<1x!tpu.dma_semaphore, #tpu.memory_space<semaphore_mem>> -> memref<!tpu.dma_semaphore, #tpu.memory_space<semaphore_mem>>
    %dma_wait3A_110 = arith.constant 0 : i32
    %dma_wait3A_111 = arith.constant 80 : i32
    %dma_wait3A_112 = tpu.memref_slice %arg18[%dma_wait3A_110, %dma_wait3A_111] : memref<819200x128xf32, #tpu.memory_space<hbm>> -> memref<128x16xf32, #tpu.memory_space<hbm>>
    %dma_wait3A_113 = arith.constant 0 : i32
    %dma_wait3A_114 = arith.constant 0 : i32
    %dma_wait3A_115 = tpu.memref_slice %arg20[%dma_wait3A_99, %dma_wait3A_113, %dma_wait3A_114] : memref<8x128x16xf32, #tpu.memory_space<vmem>> -> memref<1x128x16xf32, #tpu.memory_space<vmem>>
    %dma_wait3A_116 = tpu.memref_squeeze %dma_wait3A_115 : memref<1x128x16xf32, #tpu.memory_space<vmem>> -> memref<128x16xf32, #tpu.memory_space<vmem>>
    tpu.wait_dma2 semaphore(%dma_wait3A_109 : memref<!tpu.dma_semaphore, #tpu.memory_space<semaphore_mem>>) src(%dma_wait3A_116 : memref<128x16xf32, #tpu.memory_space<vmem>>) dst(%dma_wait3A_112 : memref<128x16xf32, #tpu.memory_space<hbm>>)
    %dma_wait3A_117 = arith.constant 6 : i32
    %dma_wait3A_118 = arith.constant 6 : i32
    %dma_wait3A_119 = arith.constant 0 : i32
    %dma_wait3A_120 = arith.constant 0 : i32
    %dma_wait3A_121 = tpu.memref_slice %arg20[%dma_wait3A_117, %dma_wait3A_119, %dma_wait3A_120] : memref<8x128x16xf32, #tpu.memory_space<vmem>> -> memref<1x128x16xf32, #tpu.memory_space<vmem>>
    %dma_wait3A_122 = tpu.memref_squeeze %dma_wait3A_121 : memref<1x128x16xf32, #tpu.memory_space<vmem>> -> memref<128x16xf32, #tpu.memory_space<vmem>>
    %dma_wait3A_123 = arith.constant 0 : i32
    %dma_wait3A_124 = arith.constant 96 : i32
    %dma_wait3A_125 = tpu.memref_slice %arg18[%dma_wait3A_123, %dma_wait3A_124] : memref<819200x128xf32, #tpu.memory_space<hbm>> -> memref<128x16xf32, #tpu.memory_space<hbm>>
    %dma_wait3A_126 = tpu.memref_slice %arg23[%dma_wait3A_118] : memref<8x!tpu.dma_semaphore, #tpu.memory_space<semaphore_mem>> -> memref<1x!tpu.dma_semaphore, #tpu.memory_space<semaphore_mem>>
    %dma_wait3A_127 = tpu.memref_squeeze %dma_wait3A_126 : memref<1x!tpu.dma_semaphore, #tpu.memory_space<semaphore_mem>> -> memref<!tpu.dma_semaphore, #tpu.memory_space<semaphore_mem>>
    %dma_wait3A_128 = arith.constant 0 : i32
    %dma_wait3A_129 = arith.constant 96 : i32
    %dma_wait3A_130 = tpu.memref_slice %arg18[%dma_wait3A_128, %dma_wait3A_129] : memref<819200x128xf32, #tpu.memory_space<hbm>> -> memref<128x16xf32, #tpu.memory_space<hbm>>
    %dma_wait3A_131 = arith.constant 0 : i32
    %dma_wait3A_132 = arith.constant 0 : i32
    %dma_wait3A_133 = tpu.memref_slice %arg20[%dma_wait3A_117, %dma_wait3A_131, %dma_wait3A_132] : memref<8x128x16xf32, #tpu.memory_space<vmem>> -> memref<1x128x16xf32, #tpu.memory_space<vmem>>
    %dma_wait3A_134 = tpu.memref_squeeze %dma_wait3A_133 : memref<1x128x16xf32, #tpu.memory_space<vmem>> -> memref<128x16xf32, #tpu.memory_space<vmem>>
    tpu.wait_dma2 semaphore(%dma_wait3A_127 : memref<!tpu.dma_semaphore, #tpu.memory_space<semaphore_mem>>) src(%dma_wait3A_134 : memref<128x16xf32, #tpu.memory_space<vmem>>) dst(%dma_wait3A_130 : memref<128x16xf32, #tpu.memory_space<hbm>>)
    %dma_wait3A_135 = arith.constant 7 : i32
    %dma_wait3A_136 = arith.constant 7 : i32
    %dma_wait3A_137 = arith.constant 0 : i32
    %dma_wait3A_138 = arith.constant 0 : i32
    %dma_wait3A_139 = tpu.memref_slice %arg20[%dma_wait3A_135, %dma_wait3A_137, %dma_wait3A_138] : memref<8x128x16xf32, #tpu.memory_space<vmem>> -> memref<1x128x16xf32, #tpu.memory_space<vmem>>
    %dma_wait3A_140 = tpu.memref_squeeze %dma_wait3A_139 : memref<1x128x16xf32, #tpu.memory_space<vmem>> -> memref<128x16xf32, #tpu.memory_space<vmem>>
    %dma_wait3A_141 = arith.constant 0 : i32
    %dma_wait3A_142 = arith.constant 112 : i32
    %dma_wait3A_143 = tpu.memref_slice %arg18[%dma_wait3A_141, %dma_wait3A_142] : memref<819200x128xf32, #tpu.memory_space<hbm>> -> memref<128x16xf32, #tpu.memory_space<hbm>>
    %dma_wait3A_144 = tpu.memref_slice %arg23[%dma_wait3A_136] : memref<8x!tpu.dma_semaphore, #tpu.memory_space<semaphore_mem>> -> memref<1x!tpu.dma_semaphore, #tpu.memory_space<semaphore_mem>>
    %dma_wait3A_145 = tpu.memref_squeeze %dma_wait3A_144 : memref<1x!tpu.dma_semaphore, #tpu.memory_space<semaphore_mem>> -> memref<!tpu.dma_semaphore, #tpu.memory_space<semaphore_mem>>
    %dma_wait3A_146 = arith.constant 0 : i32
    %dma_wait3A_147 = arith.constant 112 : i32
    %dma_wait3A_148 = tpu.memref_slice %arg18[%dma_wait3A_146, %dma_wait3A_147] : memref<819200x128xf32, #tpu.memory_space<hbm>> -> memref<128x16xf32, #tpu.memory_space<hbm>>
    %dma_wait3A_149 = arith.constant 0 : i32
    %dma_wait3A_150 = arith.constant 0 : i32
    %dma_wait3A_151 = tpu.memref_slice %arg20[%dma_wait3A_135, %dma_wait3A_149, %dma_wait3A_150] : memref<8x128x16xf32, #tpu.memory_space<vmem>> -> memref<1x128x16xf32, #tpu.memory_space<vmem>>
    %dma_wait3A_152 = tpu.memref_squeeze %dma_wait3A_151 : memref<1x128x16xf32, #tpu.memory_space<vmem>> -> memref<128x16xf32, #tpu.memory_space<vmem>>
    tpu.wait_dma2 semaphore(%dma_wait3A_145 : memref<!tpu.dma_semaphore, #tpu.memory_space<semaphore_mem>>) src(%dma_wait3A_152 : memref<128x16xf32, #tpu.memory_space<vmem>>) dst(%dma_wait3A_148 : memref<128x16xf32, #tpu.memory_space<hbm>>)
    %dma_wait3A_153 = arith.constant 0 : i32
    %dma_wait3A_154 = arith.constant 0 : i32
    %dma_wait3A_155 = arith.constant 0 : i32
    %dma_wait3A_156 = arith.constant 0 : i32
    %dma_wait3A_157 = tpu.memref_slice %arg21[%dma_wait3A_153, %dma_wait3A_155, %dma_wait3A_156] : memref<8x128x16xf32, #tpu.memory_space<vmem>> -> memref<1x128x16xf32, #tpu.memory_space<vmem>>
    %dma_wait3A_158 = tpu.memref_squeeze %dma_wait3A_157 : memref<1x128x16xf32, #tpu.memory_space<vmem>> -> memref<128x16xf32, #tpu.memory_space<vmem>>
    %dma_wait3A_159 = arith.constant 0 : i32
    %dma_wait3A_160 = arith.constant 0 : i32
    %dma_wait3A_161 = tpu.memref_slice %arg18[%dma_wait3A_159, %dma_wait3A_160] : memref<819200x128xf32, #tpu.memory_space<hbm>> -> memref<128x16xf32, #tpu.memory_space<hbm>>
    %dma_wait3A_162 = tpu.memref_slice %arg24[%dma_wait3A_154] : memref<8x!tpu.dma_semaphore, #tpu.memory_space<semaphore_mem>> -> memref<1x!tpu.dma_semaphore, #tpu.memory_space<semaphore_mem>>
    %dma_wait3A_163 = tpu.memref_squeeze %dma_wait3A_162 : memref<1x!tpu.dma_semaphore, #tpu.memory_space<semaphore_mem>> -> memref<!tpu.dma_semaphore, #tpu.memory_space<semaphore_mem>>
    %dma_wait3A_164 = arith.constant 0 : i32
    %dma_wait3A_165 = arith.constant 0 : i32
    %dma_wait3A_166 = tpu.memref_slice %arg18[%dma_wait3A_164, %dma_wait3A_165] : memref<819200x128xf32, #tpu.memory_space<hbm>> -> memref<128x16xf32, #tpu.memory_space<hbm>>
    %dma_wait3A_167 = arith.constant 0 : i32
    %dma_wait3A_168 = arith.constant 0 : i32
    %dma_wait3A_169 = tpu.memref_slice %arg21[%dma_wait3A_153, %dma_wait3A_167, %dma_wait3A_168] : memref<8x128x16xf32, #tpu.memory_space<vmem>> -> memref<1x128x16xf32, #tpu.memory_space<vmem>>
    %dma_wait3A_170 = tpu.memref_squeeze %dma_wait3A_169 : memref<1x128x16xf32, #tpu.memory_space<vmem>> -> memref<128x16xf32, #tpu.memory_space<vmem>>
    tpu.wait_dma2 semaphore(%dma_wait3A_163 : memref<!tpu.dma_semaphore, #tpu.memory_space<semaphore_mem>>) src(%dma_wait3A_170 : memref<128x16xf32, #tpu.memory_space<vmem>>) dst(%dma_wait3A_166 : memref<128x16xf32, #tpu.memory_space<hbm>>)
    %dma_wait3A_171 = arith.constant 1 : i32
    %dma_wait3A_172 = arith.constant 1 : i32
    %dma_wait3A_173 = arith.constant 0 : i32
    %dma_wait3A_174 = arith.constant 0 : i32
    %dma_wait3A_175 = tpu.memref_slice %arg21[%dma_wait3A_171, %dma_wait3A_173, %dma_wait3A_174] : memref<8x128x16xf32, #tpu.memory_space<vmem>> -> memref<1x128x16xf32, #tpu.memory_space<vmem>>
    %dma_wait3A_176 = tpu.memref_squeeze %dma_wait3A_175 : memref<1x128x16xf32, #tpu.memory_space<vmem>> -> memref<128x16xf32, #tpu.memory_space<vmem>>
    %dma_wait3A_177 = arith.constant 0 : i32
    %dma_wait3A_178 = arith.constant 16 : i32
    %dma_wait3A_179 = tpu.memref_slice %arg18[%dma_wait3A_177, %dma_wait3A_178] : memref<819200x128xf32, #tpu.memory_space<hbm>> -> memref<128x16xf32, #tpu.memory_space<hbm>>
    %dma_wait3A_180 = tpu.memref_slice %arg24[%dma_wait3A_172] : memref<8x!tpu.dma_semaphore, #tpu.memory_space<semaphore_mem>> -> memref<1x!tpu.dma_semaphore, #tpu.memory_space<semaphore_mem>>
    %dma_wait3A_181 = tpu.memref_squeeze %dma_wait3A_180 : memref<1x!tpu.dma_semaphore, #tpu.memory_space<semaphore_mem>> -> memref<!tpu.dma_semaphore, #tpu.memory_space<semaphore_mem>>
    %dma_wait3A_182 = arith.constant 0 : i32
    %dma_wait3A_183 = arith.constant 16 : i32
    %dma_wait3A_184 = tpu.memref_slice %arg18[%dma_wait3A_182, %dma_wait3A_183] : memref<819200x128xf32, #tpu.memory_space<hbm>> -> memref<128x16xf32, #tpu.memory_space<hbm>>
    %dma_wait3A_185 = arith.constant 0 : i32
    %dma_wait3A_186 = arith.constant 0 : i32
    %dma_wait3A_187 = tpu.memref_slice %arg21[%dma_wait3A_171, %dma_wait3A_185, %dma_wait3A_186] : memref<8x128x16xf32, #tpu.memory_space<vmem>> -> memref<1x128x16xf32, #tpu.memory_space<vmem>>
    %dma_wait3A_188 = tpu.memref_squeeze %dma_wait3A_187 : memref<1x128x16xf32, #tpu.memory_space<vmem>> -> memref<128x16xf32, #tpu.memory_space<vmem>>
    tpu.wait_dma2 semaphore(%dma_wait3A_181 : memref<!tpu.dma_semaphore, #tpu.memory_space<semaphore_mem>>) src(%dma_wait3A_188 : memref<128x16xf32, #tpu.memory_space<vmem>>) dst(%dma_wait3A_184 : memref<128x16xf32, #tpu.memory_space<hbm>>)
    %dma_wait3A_189 = arith.constant 2 : i32
    %dma_wait3A_190 = arith.constant 2 : i32
    %dma_wait3A_191 = arith.constant 0 : i32
    %dma_wait3A_192 = arith.constant 0 : i32
    %dma_wait3A_193 = tpu.memref_slice %arg21[%dma_wait3A_189, %dma_wait3A_191, %dma_wait3A_192] : memref<8x128x16xf32, #tpu.memory_space<vmem>> -> memref<1x128x16xf32, #tpu.memory_space<vmem>>
    %dma_wait3A_194 = tpu.memref_squeeze %dma_wait3A_193 : memref<1x128x16xf32, #tpu.memory_space<vmem>> -> memref<128x16xf32, #tpu.memory_space<vmem>>
    %dma_wait3A_195 = arith.constant 0 : i32
    %dma_wait3A_196 = arith.constant 32 : i32
    %dma_wait3A_197 = tpu.memref_slice %arg18[%dma_wait3A_195, %dma_wait3A_196] : memref<819200x128xf32, #tpu.memory_space<hbm>> -> memref<128x16xf32, #tpu.memory_space<hbm>>
    %dma_wait3A_198 = tpu.memref_slice %arg24[%dma_wait3A_190] : memref<8x!tpu.dma_semaphore, #tpu.memory_space<semaphore_mem>> -> memref<1x!tpu.dma_semaphore, #tpu.memory_space<semaphore_mem>>
    %dma_wait3A_199 = tpu.memref_squeeze %dma_wait3A_198 : memref<1x!tpu.dma_semaphore, #tpu.memory_space<semaphore_mem>> -> memref<!tpu.dma_semaphore, #tpu.memory_space<semaphore_mem>>
    %dma_wait3A_200 = arith.constant 0 : i32
    %dma_wait3A_201 = arith.constant 32 : i32
    %dma_wait3A_202 = tpu.memref_slice %arg18[%dma_wait3A_200, %dma_wait3A_201] : memref<819200x128xf32, #tpu.memory_space<hbm>> -> memref<128x16xf32, #tpu.memory_space<hbm>>
    %dma_wait3A_203 = arith.constant 0 : i32
    %dma_wait3A_204 = arith.constant 0 : i32
    %dma_wait3A_205 = tpu.memref_slice %arg21[%dma_wait3A_189, %dma_wait3A_203, %dma_wait3A_204] : memref<8x128x16xf32, #tpu.memory_space<vmem>> -> memref<1x128x16xf32, #tpu.memory_space<vmem>>
    %dma_wait3A_206 = tpu.memref_squeeze %dma_wait3A_205 : memref<1x128x16xf32, #tpu.memory_space<vmem>> -> memref<128x16xf32, #tpu.memory_space<vmem>>
    tpu.wait_dma2 semaphore(%dma_wait3A_199 : memref<!tpu.dma_semaphore, #tpu.memory_space<semaphore_mem>>) src(%dma_wait3A_206 : memref<128x16xf32, #tpu.memory_space<vmem>>) dst(%dma_wait3A_202 : memref<128x16xf32, #tpu.memory_space<hbm>>)
    %dma_wait3A_207 = arith.constant 3 : i32
    %dma_wait3A_208 = arith.constant 3 : i32
    %dma_wait3A_209 = arith.constant 0 : i32
    %dma_wait3A_210 = arith.constant 0 : i32
    %dma_wait3A_211 = tpu.memref_slice %arg21[%dma_wait3A_207, %dma_wait3A_209, %dma_wait3A_210] : memref<8x128x16xf32, #tpu.memory_space<vmem>> -> memref<1x128x16xf32, #tpu.memory_space<vmem>>
    %dma_wait3A_212 = tpu.memref_squeeze %dma_wait3A_211 : memref<1x128x16xf32, #tpu.memory_space<vmem>> -> memref<128x16xf32, #tpu.memory_space<vmem>>
    %dma_wait3A_213 = arith.constant 0 : i32
    %dma_wait3A_214 = arith.constant 48 : i32
    %dma_wait3A_215 = tpu.memref_slice %arg18[%dma_wait3A_213, %dma_wait3A_214] : memref<819200x128xf32, #tpu.memory_space<hbm>> -> memref<128x16xf32, #tpu.memory_space<hbm>>
    %dma_wait3A_216 = tpu.memref_slice %arg24[%dma_wait3A_208] : memref<8x!tpu.dma_semaphore, #tpu.memory_space<semaphore_mem>> -> memref<1x!tpu.dma_semaphore, #tpu.memory_space<semaphore_mem>>
    %dma_wait3A_217 = tpu.memref_squeeze %dma_wait3A_216 : memref<1x!tpu.dma_semaphore, #tpu.memory_space<semaphore_mem>> -> memref<!tpu.dma_semaphore, #tpu.memory_space<semaphore_mem>>
    %dma_wait3A_218 = arith.constant 0 : i32
    %dma_wait3A_219 = arith.constant 48 : i32
    %dma_wait3A_220 = tpu.memref_slice %arg18[%dma_wait3A_218, %dma_wait3A_219] : memref<819200x128xf32, #tpu.memory_space<hbm>> -> memref<128x16xf32, #tpu.memory_space<hbm>>
    %dma_wait3A_221 = arith.constant 0 : i32
    %dma_wait3A_222 = arith.constant 0 : i32
    %dma_wait3A_223 = tpu.memref_slice %arg21[%dma_wait3A_207, %dma_wait3A_221, %dma_wait3A_222] : memref<8x128x16xf32, #tpu.memory_space<vmem>> -> memref<1x128x16xf32, #tpu.memory_space<vmem>>
    %dma_wait3A_224 = tpu.memref_squeeze %dma_wait3A_223 : memref<1x128x16xf32, #tpu.memory_space<vmem>> -> memref<128x16xf32, #tpu.memory_space<vmem>>
    tpu.wait_dma2 semaphore(%dma_wait3A_217 : memref<!tpu.dma_semaphore, #tpu.memory_space<semaphore_mem>>) src(%dma_wait3A_224 : memref<128x16xf32, #tpu.memory_space<vmem>>) dst(%dma_wait3A_220 : memref<128x16xf32, #tpu.memory_space<hbm>>)
    %dma_wait3A_225 = arith.constant 4 : i32
    %dma_wait3A_226 = arith.constant 4 : i32
    %dma_wait3A_227 = arith.constant 0 : i32
    %dma_wait3A_228 = arith.constant 0 : i32
    %dma_wait3A_229 = tpu.memref_slice %arg21[%dma_wait3A_225, %dma_wait3A_227, %dma_wait3A_228] : memref<8x128x16xf32, #tpu.memory_space<vmem>> -> memref<1x128x16xf32, #tpu.memory_space<vmem>>
    %dma_wait3A_230 = tpu.memref_squeeze %dma_wait3A_229 : memref<1x128x16xf32, #tpu.memory_space<vmem>> -> memref<128x16xf32, #tpu.memory_space<vmem>>
    %dma_wait3A_231 = arith.constant 0 : i32
    %dma_wait3A_232 = arith.constant 64 : i32
    %dma_wait3A_233 = tpu.memref_slice %arg18[%dma_wait3A_231, %dma_wait3A_232] : memref<819200x128xf32, #tpu.memory_space<hbm>> -> memref<128x16xf32, #tpu.memory_space<hbm>>
    %dma_wait3A_234 = tpu.memref_slice %arg24[%dma_wait3A_226] : memref<8x!tpu.dma_semaphore, #tpu.memory_space<semaphore_mem>> -> memref<1x!tpu.dma_semaphore, #tpu.memory_space<semaphore_mem>>
    %dma_wait3A_235 = tpu.memref_squeeze %dma_wait3A_234 : memref<1x!tpu.dma_semaphore, #tpu.memory_space<semaphore_mem>> -> memref<!tpu.dma_semaphore, #tpu.memory_space<semaphore_mem>>
    %dma_wait3A_236 = arith.constant 0 : i32
    %dma_wait3A_237 = arith.constant 64 : i32
    %dma_wait3A_238 = tpu.memref_slice %arg18[%dma_wait3A_236, %dma_wait3A_237] : memref<819200x128xf32, #tpu.memory_space<hbm>> -> memref<128x16xf32, #tpu.memory_space<hbm>>
    %dma_wait3A_239 = arith.constant 0 : i32
    %dma_wait3A_240 = arith.constant 0 : i32
    %dma_wait3A_241 = tpu.memref_slice %arg21[%dma_wait3A_225, %dma_wait3A_239, %dma_wait3A_240] : memref<8x128x16xf32, #tpu.memory_space<vmem>> -> memref<1x128x16xf32, #tpu.memory_space<vmem>>
    %dma_wait3A_242 = tpu.memref_squeeze %dma_wait3A_241 : memref<1x128x16xf32, #tpu.memory_space<vmem>> -> memref<128x16xf32, #tpu.memory_space<vmem>>
    tpu.wait_dma2 semaphore(%dma_wait3A_235 : memref<!tpu.dma_semaphore, #tpu.memory_space<semaphore_mem>>) src(%dma_wait3A_242 : memref<128x16xf32, #tpu.memory_space<vmem>>) dst(%dma_wait3A_238 : memref<128x16xf32, #tpu.memory_space<hbm>>)
    %dma_wait3A_243 = arith.constant 5 : i32
    %dma_wait3A_244 = arith.constant 5 : i32
    %dma_wait3A_245 = arith.constant 0 : i32
    %dma_wait3A_246 = arith.constant 0 : i32
    %dma_wait3A_247 = tpu.memref_slice %arg21[%dma_wait3A_243, %dma_wait3A_245, %dma_wait3A_246] : memref<8x128x16xf32, #tpu.memory_space<vmem>> -> memref<1x128x16xf32, #tpu.memory_space<vmem>>
    %dma_wait3A_248 = tpu.memref_squeeze %dma_wait3A_247 : memref<1x128x16xf32, #tpu.memory_space<vmem>> -> memref<128x16xf32, #tpu.memory_space<vmem>>
    %dma_wait3A_249 = arith.constant 0 : i32
    %dma_wait3A_250 = arith.constant 80 : i32
    %dma_wait3A_251 = tpu.memref_slice %arg18[%dma_wait3A_249, %dma_wait3A_250] : memref<819200x128xf32, #tpu.memory_space<hbm>> -> memref<128x16xf32, #tpu.memory_space<hbm>>
    %dma_wait3A_252 = tpu.memref_slice %arg24[%dma_wait3A_244] : memref<8x!tpu.dma_semaphore, #tpu.memory_space<semaphore_mem>> -> memref<1x!tpu.dma_semaphore, #tpu.memory_space<semaphore_mem>>
    %dma_wait3A_253 = tpu.memref_squeeze %dma_wait3A_252 : memref<1x!tpu.dma_semaphore, #tpu.memory_space<semaphore_mem>> -> memref<!tpu.dma_semaphore, #tpu.memory_space<semaphore_mem>>
    %dma_wait3A_254 = arith.constant 0 : i32
    %dma_wait3A_255 = arith.constant 80 : i32
    %dma_wait3A_256 = tpu.memref_slice %arg18[%dma_wait3A_254, %dma_wait3A_255] : memref<819200x128xf32, #tpu.memory_space<hbm>> -> memref<128x16xf32, #tpu.memory_space<hbm>>
    %dma_wait3A_257 = arith.constant 0 : i32
    %dma_wait3A_258 = arith.constant 0 : i32
    %dma_wait3A_259 = tpu.memref_slice %arg21[%dma_wait3A_243, %dma_wait3A_257, %dma_wait3A_258] : memref<8x128x16xf32, #tpu.memory_space<vmem>> -> memref<1x128x16xf32, #tpu.memory_space<vmem>>
    %dma_wait3A_260 = tpu.memref_squeeze %dma_wait3A_259 : memref<1x128x16xf32, #tpu.memory_space<vmem>> -> memref<128x16xf32, #tpu.memory_space<vmem>>
    tpu.wait_dma2 semaphore(%dma_wait3A_253 : memref<!tpu.dma_semaphore, #tpu.memory_space<semaphore_mem>>) src(%dma_wait3A_260 : memref<128x16xf32, #tpu.memory_space<vmem>>) dst(%dma_wait3A_256 : memref<128x16xf32, #tpu.memory_space<hbm>>)
    %dma_wait3A_261 = arith.constant 6 : i32
    %dma_wait3A_262 = arith.constant 6 : i32
    %dma_wait3A_263 = arith.constant 0 : i32
    %dma_wait3A_264 = arith.constant 0 : i32
    %dma_wait3A_265 = tpu.memref_slice %arg21[%dma_wait3A_261, %dma_wait3A_263, %dma_wait3A_264] : memref<8x128x16xf32, #tpu.memory_space<vmem>> -> memref<1x128x16xf32, #tpu.memory_space<vmem>>
    %dma_wait3A_266 = tpu.memref_squeeze %dma_wait3A_265 : memref<1x128x16xf32, #tpu.memory_space<vmem>> -> memref<128x16xf32, #tpu.memory_space<vmem>>
    %dma_wait3A_267 = arith.constant 0 : i32
    %dma_wait3A_268 = arith.constant 96 : i32
    %dma_wait3A_269 = tpu.memref_slice %arg18[%dma_wait3A_267, %dma_wait3A_268] : memref<819200x128xf32, #tpu.memory_space<hbm>> -> memref<128x16xf32, #tpu.memory_space<hbm>>
    %dma_wait3A_270 = tpu.memref_slice %arg24[%dma_wait3A_262] : memref<8x!tpu.dma_semaphore, #tpu.memory_space<semaphore_mem>> -> memref<1x!tpu.dma_semaphore, #tpu.memory_space<semaphore_mem>>
    %dma_wait3A_271 = tpu.memref_squeeze %dma_wait3A_270 : memref<1x!tpu.dma_semaphore, #tpu.memory_space<semaphore_mem>> -> memref<!tpu.dma_semaphore, #tpu.memory_space<semaphore_mem>>
    %dma_wait3A_272 = arith.constant 0 : i32
    %dma_wait3A_273 = arith.constant 96 : i32
    %dma_wait3A_274 = tpu.memref_slice %arg18[%dma_wait3A_272, %dma_wait3A_273] : memref<819200x128xf32, #tpu.memory_space<hbm>> -> memref<128x16xf32, #tpu.memory_space<hbm>>
    %dma_wait3A_275 = arith.constant 0 : i32
    %dma_wait3A_276 = arith.constant 0 : i32
    %dma_wait3A_277 = tpu.memref_slice %arg21[%dma_wait3A_261, %dma_wait3A_275, %dma_wait3A_276] : memref<8x128x16xf32, #tpu.memory_space<vmem>> -> memref<1x128x16xf32, #tpu.memory_space<vmem>>
    %dma_wait3A_278 = tpu.memref_squeeze %dma_wait3A_277 : memref<1x128x16xf32, #tpu.memory_space<vmem>> -> memref<128x16xf32, #tpu.memory_space<vmem>>
    tpu.wait_dma2 semaphore(%dma_wait3A_271 : memref<!tpu.dma_semaphore, #tpu.memory_space<semaphore_mem>>) src(%dma_wait3A_278 : memref<128x16xf32, #tpu.memory_space<vmem>>) dst(%dma_wait3A_274 : memref<128x16xf32, #tpu.memory_space<hbm>>)
    %dma_wait3A_279 = arith.constant 7 : i32
    %dma_wait3A_280 = arith.constant 7 : i32
    %dma_wait3A_281 = arith.constant 0 : i32
    %dma_wait3A_282 = arith.constant 0 : i32
    %dma_wait3A_283 = tpu.memref_slice %arg21[%dma_wait3A_279, %dma_wait3A_281, %dma_wait3A_282] : memref<8x128x16xf32, #tpu.memory_space<vmem>> -> memref<1x128x16xf32, #tpu.memory_space<vmem>>
    %dma_wait3A_284 = tpu.memref_squeeze %dma_wait3A_283 : memref<1x128x16xf32, #tpu.memory_space<vmem>> -> memref<128x16xf32, #tpu.memory_space<vmem>>
    %dma_wait3A_285 = arith.constant 0 : i32
    %dma_wait3A_286 = arith.constant 112 : i32
    %dma_wait3A_287 = tpu.memref_slice %arg18[%dma_wait3A_285, %dma_wait3A_286] : memref<819200x128xf32, #tpu.memory_space<hbm>> -> memref<128x16xf32, #tpu.memory_space<hbm>>
    %dma_wait3A_288 = tpu.memref_slice %arg24[%dma_wait3A_280] : memref<8x!tpu.dma_semaphore, #tpu.memory_space<semaphore_mem>> -> memref<1x!tpu.dma_semaphore, #tpu.memory_space<semaphore_mem>>
    %dma_wait3A_289 = tpu.memref_squeeze %dma_wait3A_288 : memref<1x!tpu.dma_semaphore, #tpu.memory_space<semaphore_mem>> -> memref<!tpu.dma_semaphore, #tpu.memory_space<semaphore_mem>>
    %dma_wait3A_290 = arith.constant 0 : i32
    %dma_wait3A_291 = arith.constant 112 : i32
    %dma_wait3A_292 = tpu.memref_slice %arg18[%dma_wait3A_290, %dma_wait3A_291] : memref<819200x128xf32, #tpu.memory_space<hbm>> -> memref<128x16xf32, #tpu.memory_space<hbm>>
    %dma_wait3A_293 = arith.constant 0 : i32
    %dma_wait3A_294 = arith.constant 0 : i32
    %dma_wait3A_295 = tpu.memref_slice %arg21[%dma_wait3A_279, %dma_wait3A_293, %dma_wait3A_294] : memref<8x128x16xf32, #tpu.memory_space<vmem>> -> memref<1x128x16xf32, #tpu.memory_space<vmem>>
    %dma_wait3A_296 = tpu.memref_squeeze %dma_wait3A_295 : memref<1x128x16xf32, #tpu.memory_space<vmem>> -> memref<128x16xf32, #tpu.memory_space<vmem>>
    tpu.wait_dma2 semaphore(%dma_wait3A_289 : memref<!tpu.dma_semaphore, #tpu.memory_space<semaphore_mem>>) src(%dma_wait3A_296 : memref<128x16xf32, #tpu.memory_space<vmem>>) dst(%dma_wait3A_292 : memref<128x16xf32, #tpu.memory_space<hbm>>)
    return
  }
}

module attributes {stable_mosaic.version = 14 : i64} {
  func.func @body(%arg0: i32, %arg1: memref<800x128xi32, #tpu.memory_space<vmem>>, %arg2: memref<800x128xi32, #tpu.memory_space<vmem>>, %arg3: memref<800x128xi32, #tpu.memory_space<vmem>>, %arg4: memref<800x128xi32, #tpu.memory_space<vmem>>, %arg5: memref<800x128xi32, #tpu.memory_space<vmem>>, %arg6: memref<800x128xi32, #tpu.memory_space<vmem>>, %arg7: memref<800x128xi32, #tpu.memory_space<vmem>>, %arg8: memref<800x128xi32, #tpu.memory_space<vmem>>, %arg9: memref<800x128xi32, #tpu.memory_space<vmem>>, %arg10: memref<800x128xi32, #tpu.memory_space<vmem>>, %arg11: memref<800x128xi32, #tpu.memory_space<vmem>>, %arg12: memref<800x128xi32, #tpu.memory_space<vmem>>, %arg13: memref<800x128xi32, #tpu.memory_space<vmem>>, %arg14: memref<800x128xi32, #tpu.memory_space<vmem>>, %arg15: memref<800x128xi32, #tpu.memory_space<vmem>>, %arg16: memref<800x128xi32, #tpu.memory_space<vmem>>) attributes {dimension_semantics = [#tpu.dimension_semantics<arbitrary>], iteration_bounds = array<i64: 8>, scalar_prefetch = 0 : i64, scratch_operands = 0 : i64, tpu.core_type = #tpu.core_type<tc>, window_params = [{transform_indices = @transform_0, window_bounds = array<i64: 800, 128>}, {transform_indices = @transform_1, window_bounds = array<i64: 800, 128>}, {transform_indices = @transform_2, window_bounds = array<i64: 800, 128>}, {transform_indices = @transform_3, window_bounds = array<i64: 800, 128>}, {transform_indices = @transform_4, window_bounds = array<i64: 800, 128>}, {transform_indices = @transform_5, window_bounds = array<i64: 800, 128>}, {transform_indices = @transform_6, window_bounds = array<i64: 800, 128>}, {transform_indices = @transform_7, window_bounds = array<i64: 800, 128>}, {transform_indices = @transform_8, window_bounds = array<i64: 800, 128>}, {transform_indices = @transform_9, window_bounds = array<i64: 800, 128>}, {transform_indices = @transform_10, window_bounds = array<i64: 800, 128>}, {transform_indices = @transform_11, window_bounds = array<i64: 800, 128>}, {transform_indices = @transform_12, window_bounds = array<i64: 800, 128>}, {transform_indices = @transform_13, window_bounds = array<i64: 800, 128>}, {transform_indices = @transform_14, window_bounds = array<i64: 800, 128>}, {transform_indices = @transform_15, window_bounds = array<i64: 800, 128>}]} {
    %get3A = arith.constant 0 : index
    %get3A_0 = arith.constant 0 : index
    %get3A_1 = vector.load %arg1[%get3A, %get3A_0] : memref<800x128xi32, #tpu.memory_space<vmem>>, vector<800x128xi32>
    %swap3A = arith.constant 0 : index
    %swap3A_2 = arith.constant 0 : index
    %swap3A_3 = vector.load %arg9[%swap3A, %swap3A_2] : memref<800x128xi32, #tpu.memory_space<vmem>>, vector<800x128xi32>
    tpu.vector_store %arg9[%swap3A, %swap3A_2], %get3A_1 {strides = array<i32>} : memref<800x128xi32, #tpu.memory_space<vmem>>, vector<800x128xi32>,
    %get3A_4 = arith.constant 0 : index
    %get3A_5 = arith.constant 0 : index
    %get3A_6 = vector.load %arg2[%get3A_4, %get3A_5] : memref<800x128xi32, #tpu.memory_space<vmem>>, vector<800x128xi32>
    %swap3A_7 = arith.constant 0 : index
    %swap3A_8 = arith.constant 0 : index
    %swap3A_9 = vector.load %arg10[%swap3A_7, %swap3A_8] : memref<800x128xi32, #tpu.memory_space<vmem>>, vector<800x128xi32>
    tpu.vector_store %arg10[%swap3A_7, %swap3A_8], %get3A_6 {strides = array<i32>} : memref<800x128xi32, #tpu.memory_space<vmem>>, vector<800x128xi32>,
    %get3A_10 = arith.constant 0 : index
    %get3A_11 = arith.constant 0 : index
    %get3A_12 = vector.load %arg3[%get3A_10, %get3A_11] : memref<800x128xi32, #tpu.memory_space<vmem>>, vector<800x128xi32>
    %swap3A_13 = arith.constant 0 : index
    %swap3A_14 = arith.constant 0 : index
    %swap3A_15 = vector.load %arg11[%swap3A_13, %swap3A_14] : memref<800x128xi32, #tpu.memory_space<vmem>>, vector<800x128xi32>
    tpu.vector_store %arg11[%swap3A_13, %swap3A_14], %get3A_12 {strides = array<i32>} : memref<800x128xi32, #tpu.memory_space<vmem>>, vector<800x128xi32>,
    %get3A_16 = arith.constant 0 : index
    %get3A_17 = arith.constant 0 : index
    %get3A_18 = vector.load %arg4[%get3A_16, %get3A_17] : memref<800x128xi32, #tpu.memory_space<vmem>>, vector<800x128xi32>
    %swap3A_19 = arith.constant 0 : index
    %swap3A_20 = arith.constant 0 : index
    %swap3A_21 = vector.load %arg12[%swap3A_19, %swap3A_20] : memref<800x128xi32, #tpu.memory_space<vmem>>, vector<800x128xi32>
    tpu.vector_store %arg12[%swap3A_19, %swap3A_20], %get3A_18 {strides = array<i32>} : memref<800x128xi32, #tpu.memory_space<vmem>>, vector<800x128xi32>,
    %get3A_22 = arith.constant 0 : index
    %get3A_23 = arith.constant 0 : index
    %get3A_24 = vector.load %arg5[%get3A_22, %get3A_23] : memref<800x128xi32, #tpu.memory_space<vmem>>, vector<800x128xi32>
    %swap3A_25 = arith.constant 0 : index
    %swap3A_26 = arith.constant 0 : index
    %swap3A_27 = vector.load %arg13[%swap3A_25, %swap3A_26] : memref<800x128xi32, #tpu.memory_space<vmem>>, vector<800x128xi32>
    tpu.vector_store %arg13[%swap3A_25, %swap3A_26], %get3A_24 {strides = array<i32>} : memref<800x128xi32, #tpu.memory_space<vmem>>, vector<800x128xi32>,
    %get3A_28 = arith.constant 0 : index
    %get3A_29 = arith.constant 0 : index
    %get3A_30 = vector.load %arg6[%get3A_28, %get3A_29] : memref<800x128xi32, #tpu.memory_space<vmem>>, vector<800x128xi32>
    %swap3A_31 = arith.constant 0 : index
    %swap3A_32 = arith.constant 0 : index
    %swap3A_33 = vector.load %arg14[%swap3A_31, %swap3A_32] : memref<800x128xi32, #tpu.memory_space<vmem>>, vector<800x128xi32>
    tpu.vector_store %arg14[%swap3A_31, %swap3A_32], %get3A_30 {strides = array<i32>} : memref<800x128xi32, #tpu.memory_space<vmem>>, vector<800x128xi32>,
    %get3A_34 = arith.constant 0 : index
    %get3A_35 = arith.constant 0 : index
    %get3A_36 = vector.load %arg7[%get3A_34, %get3A_35] : memref<800x128xi32, #tpu.memory_space<vmem>>, vector<800x128xi32>
    %swap3A_37 = arith.constant 0 : index
    %swap3A_38 = arith.constant 0 : index
    %swap3A_39 = vector.load %arg15[%swap3A_37, %swap3A_38] : memref<800x128xi32, #tpu.memory_space<vmem>>, vector<800x128xi32>
    tpu.vector_store %arg15[%swap3A_37, %swap3A_38], %get3A_36 {strides = array<i32>} : memref<800x128xi32, #tpu.memory_space<vmem>>, vector<800x128xi32>,
    %get3A_40 = arith.constant 0 : index
    %get3A_41 = arith.constant 0 : index
    %get3A_42 = vector.load %arg8[%get3A_40, %get3A_41] : memref<800x128xi32, #tpu.memory_space<vmem>>, vector<800x128xi32>
    %swap3A_43 = arith.constant 0 : index
    %swap3A_44 = arith.constant 0 : index
    %swap3A_45 = vector.load %arg16[%swap3A_43, %swap3A_44] : memref<800x128xi32, #tpu.memory_space<vmem>>, vector<800x128xi32>
    tpu.vector_store %arg16[%swap3A_43, %swap3A_44], %get3A_42 {strides = array<i32>} : memref<800x128xi32, #tpu.memory_space<vmem>>, vector<800x128xi32>,
    return
  }
  func.func @transform_0(%arg0: i32) -> (i32, i32) {
    %c0_i32 = arith.constant 0 : i32
    %c0_i32_0 = arith.constant 0 : i32
    return %arg0, %c0_i32 : i32, i32
  }
  func.func @transform_1(%arg0: i32) -> (i32, i32) {
    %c0_i32 = arith.constant 0 : i32
    %c0_i32_0 = arith.constant 0 : i32
    return %arg0, %c0_i32 : i32, i32
  }
  func.func @transform_2(%arg0: i32) -> (i32, i32) {
    %c0_i32 = arith.constant 0 : i32
    %c0_i32_0 = arith.constant 0 : i32
    return %arg0, %c0_i32 : i32, i32
  }
  func.func @transform_3(%arg0: i32) -> (i32, i32) {
    %c0_i32 = arith.constant 0 : i32
    %c0_i32_0 = arith.constant 0 : i32
    return %arg0, %c0_i32 : i32, i32
  }
  func.func @transform_4(%arg0: i32) -> (i32, i32) {
    %c0_i32 = arith.constant 0 : i32
    %c0_i32_0 = arith.constant 0 : i32
    return %arg0, %c0_i32 : i32, i32
  }
  func.func @transform_5(%arg0: i32) -> (i32, i32) {
    %c0_i32 = arith.constant 0 : i32
    %c0_i32_0 = arith.constant 0 : i32
    return %arg0, %c0_i32 : i32, i32
  }
  func.func @transform_6(%arg0: i32) -> (i32, i32) {
    %c0_i32 = arith.constant 0 : i32
    %c0_i32_0 = arith.constant 0 : i32
    return %arg0, %c0_i32 : i32, i32
  }
  func.func @transform_7(%arg0: i32) -> (i32, i32) {
    %c0_i32 = arith.constant 0 : i32
    %c0_i32_0 = arith.constant 0 : i32
    return %arg0, %c0_i32 : i32, i32
  }
  func.func @transform_8(%arg0: i32) -> (i32, i32) {
    %c0_i32 = arith.constant 0 : i32
    %c0_i32_0 = arith.constant 0 : i32
    return %arg0, %c0_i32 : i32, i32
  }
  func.func @transform_9(%arg0: i32) -> (i32, i32) {
    %c0_i32 = arith.constant 0 : i32
    %c0_i32_0 = arith.constant 0 : i32
    return %arg0, %c0_i32 : i32, i32
  }
  func.func @transform_10(%arg0: i32) -> (i32, i32) {
    %c0_i32 = arith.constant 0 : i32
    %c0_i32_0 = arith.constant 0 : i32
    return %arg0, %c0_i32 : i32, i32
  }
  func.func @transform_11(%arg0: i32) -> (i32, i32) {
    %c0_i32 = arith.constant 0 : i32
    %c0_i32_0 = arith.constant 0 : i32
    return %arg0, %c0_i32 : i32, i32
  }
  func.func @transform_12(%arg0: i32) -> (i32, i32) {
    %c0_i32 = arith.constant 0 : i32
    %c0_i32_0 = arith.constant 0 : i32
    return %arg0, %c0_i32 : i32, i32
  }
  func.func @transform_13(%arg0: i32) -> (i32, i32) {
    %c0_i32 = arith.constant 0 : i32
    %c0_i32_0 = arith.constant 0 : i32
    return %arg0, %c0_i32 : i32, i32
  }
  func.func @transform_14(%arg0: i32) -> (i32, i32) {
    %c0_i32 = arith.constant 0 : i32
    %c0_i32_0 = arith.constant 0 : i32
    return %arg0, %c0_i32 : i32, i32
  }
  func.func @transform_15(%arg0: i32) -> (i32, i32) {
    %c0_i32 = arith.constant 0 : i32
    %c0_i32_0 = arith.constant 0 : i32
    return %arg0, %c0_i32 : i32, i32
  }
}

module attributes {stable_mosaic.version = 14 : i64} {
  func.func @body(%arg0: i32, %arg1: memref<256x8x128xf32, #tpu.memory_space<vmem>>, %arg2: memref<128x128xf32, #tpu.memory_space<vmem>>, %arg3: memref<1x128xf32, #tpu.memory_space<vmem>>, %arg4: memref<1x128xf32, #tpu.memory_space<vmem>>, %arg5: memref<1x128xf32, #tpu.memory_space<vmem>>, %arg6: memref<2048x128xf32, #tpu.memory_space<vmem>>) attributes {dimension_semantics = [#tpu.dimension_semantics<arbitrary>], iteration_bounds = array<i64: 400>, scalar_prefetch = 0 : i64, scratch_operands = 0 : i64, tpu.core_type = #tpu.core_type<tc>, window_params = [{transform_indices = @transform_0, window_bounds = array<i64: 256, 8, 128>}, {pipeline_mode = #tpu.pipeline_mode<synchronous>, transform_indices = @transform_1, window_bounds = array<i64: 128, 128>}, {pipeline_mode = #tpu.pipeline_mode<synchronous>, transform_indices = @transform_2, window_bounds = array<i64: 1, 128>}, {pipeline_mode = #tpu.pipeline_mode<synchronous>, transform_indices = @transform_3, window_bounds = array<i64: 1, 128>}, {pipeline_mode = #tpu.pipeline_mode<synchronous>, transform_indices = @transform_4, window_bounds = array<i64: 1, 128>}, {transform_indices = @transform_5, window_bounds = array<i64: 2048, 128>}]} {
    %get3A = arith.constant 0 : index
    %get3A_0 = arith.constant 0 : index
    %get3A_1 = arith.constant 0 : index
    %get3A_2 = vector.load %arg1[%get3A, %get3A_0, %get3A_1] : memref<256x8x128xf32, #tpu.memory_space<vmem>>, vector<256x8x128xf32>
    %reshape3A = vector.shape_cast %get3A_2 : vector<256x8x128xf32> to vector<2048x128xf32>
    %get3A_3 = arith.constant 0 : index
    %get3A_4 = arith.constant 0 : index
    %get3A_5 = vector.load %arg2[%get3A_3, %get3A_4] : memref<128x128xf32, #tpu.memory_space<vmem>>, vector<128x128xf32>
    %dot_general3A = arith.constant dense<0.000000e+00> : vector<2048x128xf32>
    %dot_general3A_6 = tpu.matmul %reshape3A, %get3A_5, %dot_general3A {dimension_numbers = #tpu.dot_dimension_numbers<[1], [1], [0], [0], [0, 0, 1, 0], [], []>, transpose_lhs_hint = false} : vector<2048x128xf32>, vector<128x128xf32>, vector<2048x128xf32> -> vector<2048x128xf32>
    %get3A_7 = arith.constant 0 : index
    %get3A_8 = arith.constant 0 : index
    %get3A_9 = vector.load %arg3[%get3A_7, %get3A_8] : memref<1x128xf32, #tpu.memory_space<vmem>>, vector<1x128xf32>
    %add3A = vector.broadcast %get3A_9 : vector<1x128xf32> to vector<2048x128xf32>
    %add3A_10 = arith.addf %dot_general3A_6, %add3A : vector<2048x128xf32>
    %reduce_sum3A = arith.constant dense<0.000000e+00> : vector<2048xf32>
    %reduce_sum3A_11 = vector.multi_reduction <add>, %add3A_10, %reduce_sum3A [1] : vector<2048x128xf32> to vector<2048xf32>
    %broadcast_in_dim3A = vector.shape_cast %reduce_sum3A_11 : vector<2048xf32> to vector<2048x1xf32>
    %div3A = arith.constant 1.280000e+02 : f32
    %div3A_12 = vector.broadcast %div3A : f32 to vector<2048x1xf32>
    %div3A_13 = arith.divf %broadcast_in_dim3A, %div3A_12 : vector<2048x1xf32>
    %sub3A = vector.broadcast %div3A_13 : vector<2048x1xf32> to vector<2048x128xf32>
    %sub3A_14 = arith.subf %add3A_10, %sub3A : vector<2048x128xf32>
    %mul3A = arith.mulf %sub3A_14, %sub3A_14 : vector<2048x128xf32>
    %reduce_sum3A_15 = arith.constant dense<0.000000e+00> : vector<2048xf32>
    %reduce_sum3A_16 = vector.multi_reduction <add>, %mul3A, %reduce_sum3A_15 [1] : vector<2048x128xf32> to vector<2048xf32>
    %broadcast_in_dim3A_17 = vector.shape_cast %reduce_sum3A_16 : vector<2048xf32> to vector<2048x1xf32>
    %div3A_18 = arith.constant 1.280000e+02 : f32
    %div3A_19 = vector.broadcast %div3A_18 : f32 to vector<2048x1xf32>
    %div3A_20 = arith.divf %broadcast_in_dim3A_17, %div3A_19 : vector<2048x1xf32>
    %add3A_21 = arith.constant 9.99999974E-6 : f32
    %add3A_22 = vector.broadcast %add3A_21 : f32 to vector<2048x1xf32>
    %add3A_23 = arith.addf %div3A_20, %add3A_22 : vector<2048x1xf32>
    %rsqrt3A = math.rsqrt %add3A_23 : vector<2048x1xf32>
    %mul3A_24 = vector.broadcast %rsqrt3A : vector<2048x1xf32> to vector<2048x128xf32>
    %mul3A_25 = arith.mulf %sub3A_14, %mul3A_24 : vector<2048x128xf32>
    %get3A_26 = arith.constant 0 : index
    %get3A_27 = arith.constant 0 : index
    %get3A_28 = vector.load %arg4[%get3A_26, %get3A_27] : memref<1x128xf32, #tpu.memory_space<vmem>>, vector<1x128xf32>
    %mul3A_29 = vector.broadcast %get3A_28 : vector<1x128xf32> to vector<2048x128xf32>
    %mul3A_30 = arith.mulf %mul3A_25, %mul3A_29 : vector<2048x128xf32>
    %get3A_31 = arith.constant 0 : index
    %get3A_32 = arith.constant 0 : index
    %get3A_33 = vector.load %arg5[%get3A_31, %get3A_32] : memref<1x128xf32, #tpu.memory_space<vmem>>, vector<1x128xf32>
    %add3A_34 = vector.broadcast %get3A_33 : vector<1x128xf32> to vector<2048x128xf32>
    %add3A_35 = arith.addf %mul3A_30, %add3A_34 : vector<2048x128xf32>
    %swap3A = arith.constant 0 : index
    %swap3A_36 = arith.constant 0 : index
    %swap3A_37 = vector.load %arg6[%swap3A, %swap3A_36] : memref<2048x128xf32, #tpu.memory_space<vmem>>, vector<2048x128xf32>
    tpu.vector_store %arg6[%swap3A, %swap3A_36], %add3A_35 {strides = array<i32>} : memref<2048x128xf32, #tpu.memory_space<vmem>>, vector<2048x128xf32>,
    return
  }
  func.func @transform_0(%arg0: i32) -> (i32, i32, i32) {
    %c0_i32 = arith.constant 0 : i32
    %c0_i32_0 = arith.constant 0 : i32
    %c0_i32_1 = arith.constant 0 : i32
    return %arg0, %c0_i32, %c0_i32_0 : i32, i32, i32
  }
  func.func @transform_1(%arg0: i32) -> (i32, i32) {
    %c0_i32 = arith.constant 0 : i32
    %c0_i32_0 = arith.constant 0 : i32
    %c0_i32_1 = arith.constant 0 : i32
    return %c0_i32, %c0_i32_0 : i32, i32
  }
  func.func @transform_2(%arg0: i32) -> (i32, i32) {
    %c0_i32 = arith.constant 0 : i32
    %c0_i32_0 = arith.constant 0 : i32
    %c0_i32_1 = arith.constant 0 : i32
    return %c0_i32, %c0_i32_0 : i32, i32
  }
  func.func @transform_3(%arg0: i32) -> (i32, i32) {
    %c0_i32 = arith.constant 0 : i32
    %c0_i32_0 = arith.constant 0 : i32
    %c0_i32_1 = arith.constant 0 : i32
    return %c0_i32, %c0_i32_0 : i32, i32
  }
  func.func @transform_4(%arg0: i32) -> (i32, i32) {
    %c0_i32 = arith.constant 0 : i32
    %c0_i32_0 = arith.constant 0 : i32
    %c0_i32_1 = arith.constant 0 : i32
    return %c0_i32, %c0_i32_0 : i32, i32
  }
  func.func @transform_5(%arg0: i32) -> (i32, i32) {
    %c0_i32 = arith.constant 0 : i32
    %c0_i32_0 = arith.constant 0 : i32
    return %arg0, %c0_i32 : i32, i32
  }
}

</mosaic_0001>

<sc_bundles>
// kernel: kernel.5.cloned.1.call-start
scs
__scs_entry_jumppad:
0x0: {  	(pc) =	sbr.rel $0x88, $3  }
0x1: {  	(tag) =	ssettag $0x0;
	lr =	simm.s32 $0x1  }
0x2: {  	[smem:$0x3F8D] =	sst lr;
	_ =	strace $0xD0000000  }
0x3: {  	_ = 	snop  }
0x4: {  	_ = 	snop  }
0x5: {  	_ = 	snop  }
0x6: {  	_ = 	snop  }
0x7: {  	_ = 	snop  }
__scs_overlays_trampoline_lowered:
0x8: {  	[smem:$0x3F9C] =	sst s0  }
0x9: {  	[smem:$0x3F9D] =	sst s1  }
0xa: {  	[smem:$0x3F9E] =	sst s2  }
0xb: {  	[smem:$0x3F9F] =	sst s3  }
0xc: {  	[smem:$0x3FA0] =	sst s4  }
0xd: {  	[smem:$0x3FA1] =	sst s5  }
0xe: {  	[smem:$0x3FA2] =	sst s6  }
0xf: {  	[smem:$0x3FA3] =	sst s7  }
0x10: {  	[smem:$0x3FA4] =	sst s8  }
0x11: {  	[smem:$0x3FA5] =	sst s9;
	s0 =	simm.s32 @!p0 $0x0  }
0x12: {  	s1 =	sld [smem:$0x3F8B];
	s0 =	simm.s32 @p0 $0x1  }
0x13: {  	[smem:$0x3FA6] =	sst s0;
	s0 =	simm.s32 @!p1 $0x0  }
0x14: {  	s2 =	sld [smem:$0x3F8A];
	s0 =	simm.s32 @p1 $0x1  }
0x15: {  	[smem:$0x3FA7] =	sst s0;
	s0 =	simm.s32 @!p2 $0x0  }
0x16: {  	s3 =	sld [smem:$0x3FDB];
	s0 =	simm.s32 @p2 $0x1  }
0x17: {  	s4 =	simm.s32 $0x1BF5;
	[smem:$0x3FA9] =	sst s0  }
0x18: {  	s0 =	sld [smem:$0x3F8C];
	_ =	swait.ge [sflag:s4], $0x0  }
0x19: {  	s7 =	sld [smem:$0x3F8D]  }
0x1a: {  	s8 =	sadd.s32 $0xFFFFE003, lr  }
0x1b: {  	s9 =	sadd.s32 $0xFFFFFEF7, lr;
	s5 =	simm.s32 $0xFFFFFFFF;
	p2 =	slt.u32 s8, $0xFFFFF086  }
0x1c: {  	p1 =	slt.u32 s9, $0xF7A;
	s5 =	simm.s32 @!p2 $0x0  }
0x1d: {  	s5 =	simm.s32 @p1 $0x1;
	p0 =	seq.s32 s7, s2  }
0x1e: {  	s7 =	smul.u32 @!p0 $0xF7A, s2;
	p2 =	seq.s32 @!p0 s5, $0x0  }
0x1f: {  	s9 =	smul.u32 $0xF7A, s1;
	s8 =	simm.s32 @!p0 $0x1BF5;
	p2 =	por !p2, p0  }
0x20: {  	[sflag:s8] =	ssyncset.s32 @!p0 $0xFFFFF086;
	s6 =	sadd.s32 @!p0 s3, s7;
	s7 =	simm.s32 @!p0 $0x108  }
0x21: {  	s3 =	sadd.s32 s3, s9;
	s6 =	sadd.s32 @!p0 $0x88, s6;
	s7 =	simm.s32 @p2 $0x1082  }
0x22: {  	[simem:s7], [sflag:s8] =	dma.local @!p0 [hbm:s6], $0xF7A  }
0x23: {  	s9 =	sor.u32 $0xD0000000, s2;
	s6 =	simm.s32 $0x108;
	_ =	swait.ge @!p0 [sflag:s8], $0x0  }
0x24: {  	s3 =	sadd.s32 $0x88, s3;
	s6 =	simm.s32 @!p1 $0x1082;
	[sflag:s4] =	ssyncset.s32 $0xFFFFF086  }
0x25: {  	[simem:s6], [sflag:s4] =	dma.local [hbm:s3], $0xF7A  }
0x26: {  	[smem:$0x3F8D] =	sst s1;
	(tag) =	ssettag s2;
	_ =	strace s9  }
0x27: {  	s1 =	sld [smem:$0x3F9D]  }
0x28: {  	s2 =	sld [smem:$0x3F9E]  }
0x29: {  	s4 =	sld [smem:$0x3FA0]  }
0x2a: {  	p0 =	seq.s32 s5, $0x0;
	s5 =	sld [smem:$0x3FA1]  }
0x2b: {  	s6 =	sld [smem:$0x3FA2]  }
0x2c: {  	s7 =	sld [smem:$0x3FA3]  }
0x2d: {  	s3 =	simm.s32 $0x108;
	s8 =	sld [smem:$0x3FA4]  }
0x2e: {  	s3 =	simm.s32 @!p0 $0x1082;
	s9 =	sld [smem:$0x3FA5]  }
0x2f: {  	lr =	sadd.s32 s0, s3;
	s0 =	sld [smem:$0x3F9C]  }
0x30: {  	s3 =	sld [smem:$0x3F9F]  }
0x31: {  	[smem:$0x3FA8] =	sst s10  }
0x32: {  	s10 =	sld [smem:$0x3FA6];
	_ =	sdelay $0x3  }
0x33: {  	p0 =	seq.s32 s10, $0x1;
	s10 =	sld [smem:$0x3FA8];
	_ =	sdelay $0x3  }
0x34: {  	[smem:$0x3FA8] =	sst s10  }
0x35: {  	s10 =	sld [smem:$0x3FA7];
	_ =	sdelay $0x3  }
0x36: {  	p1 =	seq.s32 s10, $0x1;
	s10 =	sld [smem:$0x3FA8];
	_ =	sdelay $0x3  }
0x37: {  	[smem:$0x3FA8] =	sst s10  }
0x38: {  	s10 =	sld [smem:$0x3FA9]  }
0x39: {  	_ = 	snop;
	(pc) =	sbr.ind lr, $3  }
0x3a: {  	_ = 	snop  }
0x3b: {  	_ = 	snop  }
0x3c: {  	p2 =	seq.s32 s10, $0x1;
	s10 =	sld [smem:$0x3FA8]  }
0x3d: {  	_ =	shalt  }
0x3e: {  	_ =	shalt  }
0x3f: {  	_ =	shalt  }
0x40: {  	_ =	shalt  }
0x41: {  	_ =	shalt  }
0x42: {  	_ =	shalt  }
0x43: {  	_ =	shalt  }
0x44: {  	_ =	shalt  }
0x45: {  	_ =	shalt  }
0x46: {  	_ =	shalt  }
0x47: {  	_ =	shalt  }
0x48: {  	_ =	shalt  }
0x49: {  	_ =	shalt  }
0x4a: {  	_ =	shalt  }
0x4b: {  	_ =	shalt  }
0x4c: {  	_ =	shalt  }
0x4d: {  	_ =	shalt  }
0x4e: {  	_ =	shalt  }
0x4f: {  	_ =	shalt  }
0x50: {  	_ =	shalt  }
0x51: {  	_ =	shalt  }
0x52: {  	_ =	shalt  }
0x53: {  	_ =	shalt  }
0x54: {  	_ =	shalt  }
0x55: {  	_ =	shalt  }
0x56: {  	_ =	shalt  }
0x57: {  	_ =	shalt  }
0x58: {  	_ =	shalt  }
0x59: {  	_ =	shalt  }
0x5a: {  	_ =	shalt  }
0x5b: {  	_ =	shalt  }
0x5c: {  	_ =	shalt  }
0x5d: {  	_ =	shalt  }
0x5e: {  	_ =	shalt  }
0x5f: {  	_ =	shalt  }
0x60: {  	_ =	shalt  }
0x61: {  	_ =	shalt  }
0x62: {  	_ =	shalt  }
0x63: {  	_ =	shalt  }
0x64: {  	_ =	shalt  }
0x65: {  	_ =	shalt  }
0x66: {  	_ =	shalt  }
0x67: {  	_ =	shalt  }
0x68: {  	_ =	shalt  }
0x69: {  	_ =	shalt  }
0x6a: {  	_ =	shalt  }
0x6b: {  	_ =	shalt  }
0x6c: {  	_ =	shalt  }
0x6d: {  	_ =	shalt  }
0x6e: {  	_ =	shalt  }
0x6f: {  	_ =	shalt  }
0x70: {  	_ =	shalt  }
0x71: {  	_ =	shalt  }
0x72: {  	_ =	shalt  }
0x73: {  	_ =	shalt  }
0x74: {  	_ =	shalt  }
0x75: {  	_ =	shalt  }
0x76: {  	_ =	shalt  }
0x77: {  	_ =	shalt  }
0x78: {  	_ =	shalt  }
0x79: {  	_ =	shalt  }
0x7a: {  	_ =	shalt  }
0x7b: {  	_ =	shalt  }
0x7c: {  	_ =	shalt  }
0x7d: {  	_ =	shalt  }
0x7e: {  	_ =	shalt  }
0x7f: {  	_ =	shalt  }
0x80: {  	_ =	shalt  }
0x81: {  	_ =	shalt  }
0x82: {  	_ =	shalt  }
0x83: {  	_ =	shalt  }
0x84: {  	_ =	shalt  }
0x85: {  	_ =	shalt  }
0x86: {  	_ =	shalt  }
0x87: {  	_ =	shalt  }
.Lfunc_end0:
.L_simem_size_0:
called_computation.1_lowered:
.L_overlay_start_0:
0x88: {  	s2 =	sld [smem:$0x3FD9]  }
0x89: {  	s3 =	sld [smem:$0x3FFE];
	_ =	sdelay $0x1  }
0x8a: {  	s1 =	srdreg.scid  }
0x8b: {  	s0 =	sand.u32 $0x1, s1  }
0x8c: {  	s17 =	sshll.u32 s0, $0xA;
	s2 =	sadd.s32 s3, s2  }
0x8d: {  	s2 =	sadd.s32 s2, s17  }
0x8e: {  	[smem:$0x3FB4] =	sst s2  }
0x8f: {  	_ = 	snop  }
0x90: {  	s2 =	sld [smem:$0x3FD0];
	(tm) =	ssettm $0x1  }
0x91: {  	s18 =	sld [smem:$0x3FFB];
	_ =	sdelay $0x3  }
0x92: {  	_ =	strace s18  }
0x93: {  	s3 =	sld [smem:$0x3FFC];
	_ =	sdelay $0x3  }
0x94: {  	_ =	strace s3  }
0x95: {  	s3 =	sld [smem:$0x3FFD];
	_ =	sdelay $0x3  }
0x96: {  	_ =	strace s3  }
0x97: {  	_ =	strace $0x8FFFFFFF  }
0x98: {  	s19 =	sld [smem:$0x3FDB];
	_ =	sdelay $0x1  }
0x99: {  	s4 =	simm.s32 $_scs_section_size  }
0x9a: {  	s5 =	simm.s32 $_size__tile_overlayer_lowered;
	s6 =	simm.s32 $_tile_overlayer_lowered  }
0x9b: {  	s22 =	simm.s32 $0x1BFF;
	s21 =	sshll.u32 s6, $0x1;
	s3 =	sadd.s32 s4, s19  }
0x9c: {  	s7 =	simm.s32 $0x0;
	s20 =	sshll.u32 s5, $0x1;
	s5 =	sadd.s32 s21, s3  }
0x9d: {  	[timem:s7], [sflag:s22] =	dma.local [hbm:s5], s20  }
0x9e: {  	_ =	swait.ge [sflag:s22], s20  }
0x9f: {  	s4 =	ssub.s32 $0x0, s20;
	[sflag:s22] =	ssyncset.done $0x0  }
0xa0: {  	[sflag:s22] =	ssyncadd.s32 s4;
	_ =	sdelay $0x1  }
0xa1: {  	s23 =	simm.s32 $0x1B8B  }
0xa2: {  	_ =	swait.ge [sflag:s23], $0x1  }
0xa3: {  	[sflag:s23] =	ssyncset.done $0x0  }
0xa4: {  	s25 =	simm.s32 $0x1B8E;
	s24 =	sld [smem:$0x3FFE];
	[sflag:s23] =	ssyncadd.s32 $0xFFFFFFFF  }
0xa5: {  	s26 =	simm.s32 $execute0_lowered;
	[smem:$0x3FD2] =	sst s25  }
0xa6: {  	s5 =	sshll.u32 s26, $0x1;
	_ =	strace $0x80000046;
	[dreg:$0x1] =	wrdreg $0xFFFFFFFF  }
0xa7: {  	s28 =	simm.s32 $_size_execute0_lowered;
	s3 =	sadd.s32 s3, s5;
	[dreg:$0x0] =	wrdreg $0x0  }
0xa8: {  	s5 =	sshll.u32 s28, $0x1;
	[dreg:$0x2] =	wrdreg s3  }
0xa9: {  	[dreg:$0x3] =	wrdreg s5  }
0xaa: {  	[dreg:$0x4] =	wrdreg $0xC0  }
0xab: {  	_ =	task [dreg:s7], $0x5FFFF  }
0xac: {  	[dreg:$0x1] =	wrdreg $0xFFFFFFFF  }
0xad: {  	[dreg:$0x0] =	wrdreg $0x60  }
0xae: {  	[dreg:$0x2] =	wrdreg s24  }
0xaf: {  	[dreg:$0x3] =	wrdreg s2  }
0xb0: {  	[dreg:$0x4] =	wrdreg $0x9  }
0xb1: {  	_ =	task.clear_ibuf [dreg:s7], $0x5FFFF;
	_ =	strace $0x90000046  }
0xb2: {  	s29 =	simm.s32 $0x9;
	_ =	strace $0x80000048  }
0xb3: {  	_ =	swait.ge [sflag:s29], $0x1  }
0xb4: {  	[sflag:s29] =	ssyncadd.s32 $0xFFFFFFFF  }
0xb5: {  	_ =	strace $0x90000048  }
0xb6: {  	_ =	sfence  }
0xb7: {  	s30 =	sld [smem:$0x0];
	_ =	sdelay $0x2  }
0xb8: {  	s31 =	sshll.u32 s1, $0xD;
	s1 =	sshrl.u32 s1, $0x2  }
0xb9: {  	s3 =	sand.u32 $0x4000, s31;
	s1 =	sadd.s32 s1, s30  }
0xba: {  	s0 =	sor.u32 s3, s0;
	s1 =	sshll.u32 s1, $0x11  }
0xbb: {  	s0 =	sor.u32 s1, s0  }
0xbc: {  	s0 =	sadd.s32 $0x8F2B, s0  }
0xbd: {  	[sflag:s0] =	ssyncadd.remote.s32 $0x1  }
0xbe: {  	_ =	sfence.sel $0xFFFF  }
0xbf: {  	[dreg:$0x0] =	wrdreg $0xFFFFFFFF;
	(pc) =	sbr.abs _section_cstart, $3  }
0xc0: {  	[dreg:$0x1] =	wrdreg $0xFFFFFFFF  }
0xc1: {  	_ =	task.clear_ibuf [dreg:s7], $0x2FFFF;
	_ =	strace $0x9FFFFFFF  }
0xc2: {  	(tm) =	ssettm $0x7FFFFFFF  }
0xc3: {  	_ =	shalt  }
tec
execute0_lowered:
.L_overlay_start_1:
0x0: {  	(tag) =	ssettag $0x1  }
0x1: {  	s0 =	rddreg [dreg:$0x0];
	s1 =	simm.s32 $0x0  }
0x2: {  	[smem:$0x7FF] =	sst s1;
	s12 =	sadd.s32 $0xA1000, s0  }
0x3: {  	s13 =	sadd.s32 $0xB000, s0;
	_ =	strace $0x80000047;
	[dreg:$0x3] =	wrdreg s12  }
0x4: {  	s14 =	sadd.s32 $0x24000, s0;
	[dreg:$0x4] =	wrdreg s13  }
0x5: {  	s15 =	sadd.s32 $0x3D000, s0;
	[dreg:$0x5] =	wrdreg s14  }
0x6: {  	s16 =	sadd.s32 $0x56000, s0;
	[dreg:$0x6] =	wrdreg s15  }
0x7: {  	s23 =	srdreg.scid;
	s17 =	sadd.s32 $0x6F000, s0;
	[dreg:$0x7] =	wrdreg s16  }
0x8: {  	s3 =	stileid.u32;
	s18 =	sadd.s32 $0x88000, s0;
	[dreg:$0x8] =	wrdreg s17  }
0x9: {  	s31 =	simm.s32 $0xC000;
	s19 =	sadd.s32 $0x24B600, s0;
	[dreg:$0x9] =	wrdreg s18  }
0xa: {  	s20 =	sadd.s32 $0x6000, s0;
	s21 =	sadd.s32 $0xDCE00, s0;
	[dreg:$0xa] =	wrdreg s19  }
0xb: {  	s22 =	sadd.s32 $0x126400, s0;
	s2 =	sadd.s32 $0xD3000, s0;
	[dreg:$0xe] =	wrdreg s20  }
0xc: {  	s1 =	sand.u32 $0x1, s23;
	s24 =	smul.u32 $0x640000, s3;
	[dreg:$0xf] =	wrdreg s21  }
0xd: {  	s4 =	sadd.s32 $0xF5600, s0;
	s3 =	sshll.u32 s3, $0x1;
	[dreg:$0x10] =	wrdreg s22  }
0xe: {  	s25 =	sadd.s32 $0x188000, s0;
	s11 =	sadd.s32 $0x264600, s0;
	[dreg:$0x11] =	wrdreg s2  }
0xf: {  	s0 =	sadd.s32 $0x118DA00, s0;
	[dreg:$0x12] =	wrdreg s4;
	s10 =	smul.u32 $0x320000, s1  }
0x10: {  	[dreg:$0x13] =	wrdreg s25;
	s3 =	sor.u32 s1, s3;
	s1 =	ssub.s32 $0x2, s1  }
0x11: {  	s3 =	smul.u32 $0xC8, s3;
	s26 =	sshrl.u32 s1, $0x1;
	s2 =	sadd.s32 s10, s24  }
0x12: {  	[dreg:$0x14] =	wrdreg s0;
	s1 =	ssub.s32 s1, s26;
	s12 =	sshrl.u32 s2, $0x3  }
0x13: {  	s2 =	sor.u32 $0x4000, s2;
	[dreg:$0xb] =	wrdreg s3;
	s29 =	smax.u32 s1, $0x1  }
0x14: {  	s28 =	sadd.s32 s12, s11;
	s2 =	sshrl.u32 s2, $0x3;
	[dreg:$0x17] =	wrdreg s29  }
0x15: {  	s30 =	simm.s32 $0xC800;
	[dreg:$0xc] =	wrdreg s28;
	s2 =	sadd.s32 s2, s11  }
0x16: {  	s12 =	simm.s32 $0x80;
	[dreg:$0xd] =	wrdreg s2;
	s2 =	simm.s32 $0x0  }
.LBB2_1:
0x17: {  	[dreg:$0x18] =	wrdreg s2;
	s2 =	simm.s32 $0x0  }
0x18: {  	s0 =	smul.u32 $0xCD, s2;
	_ =	sdelay $0x1  }
0x19: {  	s0 =	sshrl.u32 s0, $0xC  }
0x1a: {  	s0 =	sand.u32 $0xF, s0  }
0x1b: {  	s0 =	smul.u32 $0x14, s0;
	_ =	sdelay $0x1  }
0x1c: {  	s0 =	ssub.s32 $0x0, s0  }
0x1d: {  	s15 =	sand.u32 $0xFF, s0  }
0x1e: {  	p1 =	sne.s32 s15, $0x0  }
0x1f: {  	s0 =	smul.u32 @!p1 $0xCD, s2;
	_ =	sdelay $0x1  }
0x20: {  	s0 =	sshrl.u32 @!p1 s0, $0xB  }
0x21: {  	s0 =	sand.u32 @!p1 $0x1F, s0  }
0x22: {  	s0 =	smul.u32 @!p1 $0x14, s0  }
0x23: {  	s3 =	rddreg [dreg:$0xb]  }
0x24: {  	s0 =	sadd.s32 @!p1 s3, s0  }
0x25: {  	s0 =	sshll.u32 @!p1 s0, $0x4  }
0x26: {  	s3 =	rddreg [dreg:$0x3];
	s0 =	sand.u32 @!p1 $0x3FFC0, s0  }
0x27: {  	s16 =	simm.s32 @!p1 $0x0;
	s17 =	simm.s32 @!p1 $0x19;
	s3 =	sadd.s32 @!p1 s3, s0  }
0x28: {  	[tilespmem:s16], [sflag:$0x19] =	stream.linear.gather @!p1 [hbm4b:s3+s16], $0xA00, $0x38;
	[tilespmem:$0xD000] =	vst v63  }
0x29: {  	_ =	swait.ge @!p1 [sflag:s17], $0xA00  }
0x2a: {  	s3 =	rddreg [dreg:$0x4];
	[sflag:s17] =	ssyncset.done @!p1 $0x0  }
0x2b: {  	s18 =	simm.s32 @!p1 $0xA00;
	[sflag:s17] =	ssyncadd.s32 @!p1 $0xFFFFF600;
	s3 =	sadd.s32 @!p1 s3, s0  }
0x2c: {  	[tilespmem:s18], [sflag:$0x19] =	stream.linear.gather @!p1 [hbm4b:s3+s16], $0xA00, $0x38;
	[tilespmem:$0xD000] =	vst v63  }
0x2d: {  	_ =	swait.ge @!p1 [sflag:s17], $0xA00  }
0x2e: {  	s3 =	rddreg [dreg:$0x5];
	[sflag:s17] =	ssyncset.done @!p1 $0x0  }
0x2f: {  	s18 =	simm.s32 @!p1 $0x1400;
	[sflag:s17] =	ssyncadd.s32 @!p1 $0xFFFFF600;
	s3 =	sadd.s32 @!p1 s3, s0  }
0x30: {  	[tilespmem:s18], [sflag:$0x19] =	stream.linear.gather @!p1 [hbm4b:s3+s16], $0xA00, $0x38;
	[tilespmem:$0xD000] =	vst v63  }
0x31: {  	_ =	swait.ge @!p1 [sflag:s17], $0xA00  }
0x32: {  	s3 =	rddreg [dreg:$0x6];
	[sflag:s17] =	ssyncset.done @!p1 $0x0  }
0x33: {  	s18 =	simm.s32 @!p1 $0x1E00;
	[sflag:s17] =	ssyncadd.s32 @!p1 $0xFFFFF600;
	s3 =	sadd.s32 @!p1 s3, s0  }
0x34: {  	[tilespmem:s18], [sflag:$0x19] =	stream.linear.gather @!p1 [hbm4b:s3+s16], $0xA00, $0x38;
	[tilespmem:$0xD000] =	vst v63  }
0x35: {  	_ =	swait.ge @!p1 [sflag:s17], $0xA00  }
0x36: {  	s3 =	rddreg [dreg:$0x7];
	[sflag:s17] =	ssyncset.done @!p1 $0x0  }
0x37: {  	s18 =	simm.s32 @!p1 $0x2800;
	[sflag:s17] =	ssyncadd.s32 @!p1 $0xFFFFF600;
	s3 =	sadd.s32 @!p1 s3, s0  }
0x38: {  	[tilespmem:s18], [sflag:$0x19] =	stream.linear.gather @!p1 [hbm4b:s3+s16], $0xA00, $0x38;
	[tilespmem:$0xD000] =	vst v63  }
0x39: {  	_ =	swait.ge @!p1 [sflag:s17], $0xA00  }
0x3a: {  	s3 =	rddreg [dreg:$0x8];
	[sflag:s17] =	ssyncset.done @!p1 $0x0  }
0x3b: {  	s18 =	simm.s32 @!p1 $0x3200;
	[sflag:s17] =	ssyncadd.s32 @!p1 $0xFFFFF600;
	s3 =	sadd.s32 @!p1 s3, s0  }
0x3c: {  	[tilespmem:s18], [sflag:$0x19] =	stream.linear.gather @!p1 [hbm4b:s3+s16], $0xA00, $0x38;
	[tilespmem:$0xD000] =	vst v63  }
0x3d: {  	_ =	swait.ge @!p1 [sflag:s17], $0xA00  }
0x3e: {  	s3 =	rddreg [dreg:$0x9];
	[sflag:s17] =	ssyncset.done @!p1 $0x0  }
0x3f: {  	s18 =	simm.s32 @!p1 $0x3C00;
	[sflag:s17] =	ssyncadd.s32 @!p1 $0xFFFFF600;
	s3 =	sadd.s32 @!p1 s3, s0  }
0x40: {  	[tilespmem:s18], [sflag:$0x19] =	stream.linear.gather @!p1 [hbm4b:s3+s16], $0xA00, $0x38;
	[tilespmem:$0xD000] =	vst v63  }
0x41: {  	_ =	swait.ge @!p1 [sflag:s17], $0xA00  }
0x42: {  	s3 =	rddreg [dreg:$0xa];
	[sflag:s17] =	ssyncset.done @!p1 $0x0  }
0x43: {  	[sflag:s17] =	ssyncadd.s32 @!p1 $0xFFFFF600;
	s0 =	sadd.s32 @!p1 s3, s0;
	s3 =	simm.s32 @!p1 $0x4600  }
0x44: {  	[tilespmem:s3], [sflag:$0x19] =	stream.linear.gather @!p1 [hbm4b:s0+s16], $0xA00, $0x38;
	[tilespmem:$0xD000] =	vst v63  }
0x45: {  	_ =	swait.ge @!p1 [sflag:s17], $0xA00  }
0x46: {  	p0 =	por $0x1, $0x1;
	[sflag:s17] =	ssyncset.done @!p1 $0x0  }
0x47: {  	s0 =	simm.s32 @!p0 $0x9;
	[sflag:s17] =	ssyncadd.s32 @!p1 $0xFFFFF600  }
0x48: {  	_ =	swait.ge @!p0 [sflag:s0], $0x800  }
0x49: {  	[sflag:s0] =	ssyncset.done @!p0 $0x0  }
0x4a: {  	[sflag:s0] =	ssyncadd.s32 @!p0 $0xFFFFF800;
	s0 =	simm.s32 @!p0 $0xA  }
0x4b: {  	_ =	swait.ge @!p0 [sflag:s0], $0x800  }
0x4c: {  	[sflag:s0] =	ssyncset.done @!p0 $0x0  }
0x4d: {  	[sflag:s0] =	ssyncadd.s32 @!p0 $0xFFFFF800;
	s0 =	simm.s32 @!p0 $0xB  }
0x4e: {  	_ =	swait.ge @!p0 [sflag:s0], $0x800  }
0x4f: {  	[sflag:s0] =	ssyncset.done @!p0 $0x0  }
0x50: {  	[sflag:s0] =	ssyncadd.s32 @!p0 $0xFFFFF800;
	s0 =	simm.s32 @!p0 $0xC  }
0x51: {  	_ =	swait.ge @!p0 [sflag:s0], $0x800  }
0x52: {  	[sflag:s0] =	ssyncset.done @!p0 $0x0  }
0x53: {  	[sflag:s0] =	ssyncadd.s32 @!p0 $0xFFFFF800;
	s0 =	simm.s32 @!p0 $0xD  }
0x54: {  	_ =	swait.ge @!p0 [sflag:s0], $0x800  }
0x55: {  	[sflag:s0] =	ssyncset.done @!p0 $0x0  }
0x56: {  	[sflag:s0] =	ssyncadd.s32 @!p0 $0xFFFFF800;
	s0 =	simm.s32 @!p0 $0xE  }
0x57: {  	_ =	swait.ge @!p0 [sflag:s0], $0x800  }
0x58: {  	[sflag:s0] =	ssyncset.done @!p0 $0x0  }
0x59: {  	[sflag:s0] =	ssyncadd.s32 @!p0 $0xFFFFF800;
	s0 =	simm.s32 @!p0 $0xF  }
0x5a: {  	_ =	swait.ge @!p0 [sflag:s0], $0x800  }
0x5b: {  	[sflag:s0] =	ssyncset.done @!p0 $0x0  }
0x5c: {  	[sflag:s0] =	ssyncadd.s32 @!p0 $0xFFFFF800;
	s0 =	simm.s32 @!p0 $0x10  }
0x5d: {  	_ =	swait.ge @!p0 [sflag:s0], $0x800  }
0x5e: {  	s11 =	simm.s32 $0x5000;
	s19 =	simm.s32 $0x6000;
	[sflag:s0] =	ssyncset.done @!p0 $0x0  }
0x5f: {  	s24 =	sshll.u32 s15, $0x7;
	s5 =	rddreg [dreg:$0xe];
	[sflag:s0] =	ssyncadd.s32 @!p0 $0xFFFFF800  }
0x60: {  	[tilespmem:s11], [sflag:$0x1] =	stream.indirect.gather [hbm4b:s5+s12], $0x10, s24, s12, $0xb8;
	[tilespmem:$0xD000] =	vst v63  }
0x61: {  	s15 =	sadd.s32 $0xA00, s24;
	s16 =	simm.s32 $0x5800;
	s6 =	rddreg [dreg:$0xf]  }
0x62: {  	[tilespmem:s16], [sflag:$0x2] =	stream.indirect.gather [hbm4b:s6+s12], $0x10, s15, s12, $0xb8;
	[tilespmem:$0xD000] =	vst v63  }
0x63: {  	s1 =	simm.s32 $0x6800;
	s18 =	sadd.s32 $0x1400, s24;
	s7 =	rddreg [dreg:$0x10]  }
0x64: {  	[tilespmem:s19], [sflag:$0x3] =	stream.indirect.gather [hbm4b:s7+s12], $0x10, s18, s12, $0xb8;
	[tilespmem:$0xD000] =	vst v63  }
0x65: {  	s13 =	simm.s32 $0x7000;
	s25 =	sadd.s32 $0x1E00, s24;
	s2 =	rddreg [dreg:$0x1]  }
0x66: {  	[tilespmem:s1], [sflag:$0x4] =	stream.indirect.gather [hbm4b:s2+s12], $0x10, s25, s12, $0xb8;
	[tilespmem:$0xD000] =	vst v63  }
0x67: {  	s14 =	simm.s32 $0x7800;
	s26 =	sadd.s32 $0x2800, s24;
	s8 =	rddreg [dreg:$0x11]  }
0x68: {  	[tilespmem:s13], [sflag:$0x5] =	stream.indirect.gather [hbm4b:s8+s12], $0x10, s26, s12, $0xb8;
	[tilespmem:$0xD000] =	vst v63  }
0x69: {  	s4 =	simm.s32 $0x8000;
	s28 =	sadd.s32 $0x3200, s24;
	s9 =	rddreg [dreg:$0x12]  }
0x6a: {  	[tilespmem:s14], [sflag:$0x6] =	stream.indirect.gather [hbm4b:s9+s12], $0x10, s28, s12, $0xb8;
	[tilespmem:$0xD000] =	vst v63  }
0x6b: {  	s29 =	sadd.s32 $0x3C00, s24;
	s17 =	simm.s32 $0x8800;
	s10 =	rddreg [dreg:$0x13]  }
0x6c: {  	[tilespmem:s4], [sflag:$0x7] =	stream.indirect.gather [hbm4b:s10+s12], $0x10, s29, s12, $0xb8;
	[tilespmem:$0xD000] =	vst v63  }
0x6d: {  	s0 =	sadd.s32 $0x4600, s24;
	s18 =	rddreg [dreg:$0x14];
	s29 =	simm.s32 $0x1  }
0x6e: {  	[tilespmem:s17], [sflag:$0x8] =	stream.indirect.gather [hbm4b:s18+s12], $0x10, s0, s12, $0xb8;
	[tilespmem:$0xD000] =	vst v63  }
0x6f: {  	_ =	swait.ge [sflag:s29], $0x800  }
0x70: {  	[sflag:s29] =	ssyncset.done $0x0  }
0x71: {  	s20 =	simm.s32 $0x2;
	[sflag:s29] =	ssyncadd.s32 $0xFFFFF800  }
0x72: {  	_ =	swait.ge [sflag:s20], $0x800  }
0x73: {  	[sflag:s20] =	ssyncset.done $0x0  }
0x74: {  	s21 =	simm.s32 $0x3;
	[sflag:s20] =	ssyncadd.s32 $0xFFFFF800  }
0x75: {  	_ =	swait.ge [sflag:s21], $0x800  }
0x76: {  	[sflag:s21] =	ssyncset.done $0x0  }
0x77: {  	s22 =	simm.s32 $0x4;
	[sflag:s21] =	ssyncadd.s32 $0xFFFFF800  }
0x78: {  	_ =	swait.ge [sflag:s22], $0x800  }
0x79: {  	[sflag:s22] =	ssyncset.done $0x0  }
0x7a: {  	s23 =	simm.s32 $0x5;
	[sflag:s22] =	ssyncadd.s32 $0xFFFFF800  }
0x7b: {  	_ =	swait.ge [sflag:s23], $0x800  }
0x7c: {  	[sflag:s23] =	ssyncset.done $0x0  }
0x7d: {  	s24 =	simm.s32 $0x6;
	[sflag:s23] =	ssyncadd.s32 $0xFFFFF800  }
0x7e: {  	_ =	swait.ge [sflag:s24], $0x800  }
0x7f: {  	[sflag:s24] =	ssyncset.done $0x0  }
0x80: {  	s25 =	simm.s32 $0x7;
	[sflag:s24] =	ssyncadd.s32 $0xFFFFF800  }
0x81: {  	_ =	swait.ge [sflag:s25], $0x800  }
0x82: {  	[sflag:s25] =	ssyncset.done $0x0  }
0x83: {  	s26 =	simm.s32 $0x8;
	[sflag:s25] =	ssyncadd.s32 $0xFFFFF800  }
0x84: {  	_ =	swait.ge [sflag:s26], $0x800  }
0x85: {  	s3 =	rddreg [dreg:$0xc];
	[sflag:s26] =	ssyncset.done $0x0  }
0x86: {  	s28 =	simm.s32 $0x10;
	[sflag:s26] =	ssyncadd.s32 $0xFFFFF800;
	s0 =	sadd.s32 $0x0, s3  }
0x87: {  	[hbm4b:s0+s28] =	stream.strided.scatter [tilespmem:s11], [sflag:$0x9], $0x800, s12, s28, $0x38;
	[tilespmem:$0xD000] =	vst v63  }
0x88: {  	s11 =	sadd.s32 $0x2, s0  }
0x89: {  	[hbm4b:s11+s28] =	stream.strided.scatter [tilespmem:s16], [sflag:$0xA], $0x800, s12, s28, $0x38;
	[tilespmem:$0xD000] =	vst v63  }
0x8a: {  	s15 =	sadd.s32 $0x4, s0  }
0x8b: {  	[hbm4b:s15+s28] =	stream.strided.scatter [tilespmem:s19], [sflag:$0xB], $0x800, s12, s28, $0x38;
	[tilespmem:$0xD000] =	vst v63  }
0x8c: {  	s19 =	sadd.s32 $0x6, s0  }
0x8d: {  	[hbm4b:s19+s28] =	stream.strided.scatter [tilespmem:s1], [sflag:$0xC], $0x800, s12, s28, $0x38;
	[tilespmem:$0xD000] =	vst v63  }
0x8e: {  	s11 =	sadd.s32 $0x8, s0  }
0x8f: {  	[hbm4b:s11+s28] =	stream.strided.scatter [tilespmem:s13], [sflag:$0xD], $0x800, s12, s28, $0x38;
	[tilespmem:$0xD000] =	vst v63  }
0x90: {  	s15 =	sadd.s32 $0xA, s0  }
0x91: {  	[hbm4b:s15+s28] =	stream.strided.scatter [tilespmem:s14], [sflag:$0xE], $0x800, s12, s28, $0x38;
	[tilespmem:$0xD000] =	vst v63  }
0x92: {  	s16 =	sadd.s32 $0xC, s0  }
0x93: {  	[hbm4b:s16+s28] =	stream.strided.scatter [tilespmem:s4], [sflag:$0xF], $0x800, s12, s28, $0x38;
	[tilespmem:$0xD000] =	vst v63  }
0x94: {  	s3 =	simm.s32 @!p0 $0x11;
	s0 =	sadd.s32 $0xE, s0  }
0x95: {  	[hbm4b:s0+s28] =	stream.strided.scatter [tilespmem:s17], [sflag:$0x10], $0x800, s12, s28, $0x38;
	[tilespmem:$0xD000] =	vst v63  }
0x96: {  	_ =	swait.ge @!p0 [sflag:s3], $0x800  }
0x97: {  	[sflag:s3] =	ssyncset.done @!p0 $0x0  }
0x98: {  	s0 =	simm.s32 @!p0 $0x12;
	[sflag:s3] =	ssyncadd.s32 @!p0 $0xFFFFF800  }
0x99: {  	_ =	swait.ge @!p0 [sflag:s0], $0x800  }
0x9a: {  	[sflag:s0] =	ssyncset.done @!p0 $0x0  }
0x9b: {  	[sflag:s0] =	ssyncadd.s32 @!p0 $0xFFFFF800;
	s0 =	simm.s32 @!p0 $0x13  }
0x9c: {  	_ =	swait.ge @!p0 [sflag:s0], $0x800  }
0x9d: {  	[sflag:s0] =	ssyncset.done @!p0 $0x0  }
0x9e: {  	[sflag:s0] =	ssyncadd.s32 @!p0 $0xFFFFF800;
	s0 =	simm.s32 @!p0 $0x14  }
0x9f: {  	_ =	swait.ge @!p0 [sflag:s0], $0x800  }
0xa0: {  	[sflag:s0] =	ssyncset.done @!p0 $0x0  }
0xa1: {  	[sflag:s0] =	ssyncadd.s32 @!p0 $0xFFFFF800;
	s0 =	simm.s32 @!p0 $0x15  }
0xa2: {  	_ =	swait.ge @!p0 [sflag:s0], $0x800  }
0xa3: {  	[sflag:s0] =	ssyncset.done @!p0 $0x0  }
0xa4: {  	s11 =	simm.s32 $0x1;
	[sflag:s0] =	ssyncadd.s32 @!p0 $0xFFFFF800;
	s0 =	simm.s32 @!p0 $0x16  }
0xa5: {  	s17 =	smul.u32 $0xCD, s11;
	_ =	swait.ge @!p0 [sflag:s0], $0x800  }
0xa6: {  	[sflag:s0] =	ssyncset.done @!p0 $0x0  }
0xa7: {  	s3 =	sshrl.u32 s17, $0xC;
	[sflag:s0] =	ssyncadd.s32 @!p0 $0xFFFFF800;
	s0 =	simm.s32 @!p0 $0x17  }
0xa8: {  	s3 =	sand.u32 $0xF, s3;
	_ =	swait.ge @!p0 [sflag:s0], $0x800  }
0xa9: {  	s3 =	smul.u32 $0x14, s3;
	[sflag:s0] =	ssyncset.done @!p0 $0x0  }
0xaa: {  	[sflag:s0] =	ssyncadd.s32 @!p0 $0xFFFFF800;
	s0 =	simm.s32 @!p0 $0x18  }
0xab: {  	s3 =	ssub.s32 $0x1, s3;
	_ =	swait.ge @!p0 [sflag:s0], $0x800  }
0xac: {  	s3 =	sand.u32 $0xFF, s3;
	[sflag:s0] =	ssyncset.done @!p0 $0x0  }
0xad: {  	s1 =	simm.s32 $0x9000;
	[sflag:s0] =	ssyncadd.s32 @!p0 $0xFFFFF800;
	s0 =	sshll.u32 s3, $0x7  }
0xae: {  	[tilespmem:s1], [sflag:$0x1] =	stream.indirect.gather [hbm4b:s5+s12], $0x10, s0, s12, $0xb8;
	[tilespmem:$0xD000] =	vst v63  }
0xaf: {  	s19 =	simm.s32 $0x9800;
	s3 =	sadd.s32 $0xA00, s0  }
0xb0: {  	[tilespmem:s19], [sflag:$0x2] =	stream.indirect.gather [hbm4b:s6+s12], $0x10, s3, s12, $0xb8;
	[tilespmem:$0xD000] =	vst v63  }
0xb1: {  	s5 =	sadd.s32 $0x1400, s0;
	s6 =	simm.s32 $0xA000  }
0xb2: {  	[tilespmem:s6], [sflag:$0x3] =	stream.indirect.gather [hbm4b:s7+s12], $0x10, s5, s12, $0xb8;
	[tilespmem:$0xD000] =	vst v63  }
0xb3: {  	s13 =	simm.s32 $0xA800;
	s7 =	sadd.s32 $0x1E00, s0  }
0xb4: {  	[tilespmem:s13], [sflag:$0x4] =	stream.indirect.gather [hbm4b:s2+s12], $0x10, s7, s12, $0xb8;
	[tilespmem:$0xD000] =	vst v63  }
0xb5: {  	s15 =	simm.s32 $0xB000;
	s14 =	sadd.s32 $0x2800, s0  }
0xb6: {  	[tilespmem:s15], [sflag:$0x5] =	stream.indirect.gather [hbm4b:s8+s12], $0x10, s14, s12, $0xb8;
	[tilespmem:$0xD000] =	vst v63  }
0xb7: {  	s17 =	simm.s32 $0xB800;
	s16 =	sadd.s32 $0x3200, s0  }
0xb8: {  	[tilespmem:s17], [sflag:$0x6] =	stream.indirect.gather [hbm4b:s9+s12], $0x10, s16, s12, $0xb8;
	[tilespmem:$0xD000] =	vst v63  }
0xb9: {  	s19 =	sadd.s32 $0x3C00, s0  }
0xba: {  	[tilespmem:s31], [sflag:$0x7] =	stream.indirect.gather [hbm4b:s10+s12], $0x10, s19, s12, $0xb8;
	[tilespmem:$0xD000] =	vst v63  }
0xbb: {  	s0 =	sadd.s32 $0x4600, s0  }
0xbc: {  	[tilespmem:s30], [sflag:$0x8] =	stream.indirect.gather [hbm4b:s18+s12], $0x10, s0, s12, $0xb8;
	[tilespmem:$0xD000] =	vst v63  }
0xbd: {  	_ =	swait.ge [sflag:s29], $0x800  }
0xbe: {  	[sflag:s29] =	ssyncset.done $0x0  }
0xbf: {  	[sflag:s29] =	ssyncadd.s32 $0xFFFFF800  }
0xc0: {  	_ =	swait.ge [sflag:s20], $0x800  }
0xc1: {  	[sflag:s20] =	ssyncset.done $0x0  }
0xc2: {  	[sflag:s20] =	ssyncadd.s32 $0xFFFFF800  }
0xc3: {  	_ =	swait.ge [sflag:s21], $0x800  }
0xc4: {  	[sflag:s21] =	ssyncset.done $0x0  }
0xc5: {  	[sflag:s21] =	ssyncadd.s32 $0xFFFFF800  }
0xc6: {  	_ =	swait.ge [sflag:s22], $0x800  }
0xc7: {  	s16 =	simm.s32 $0x2;
	[sflag:s22] =	ssyncset.done $0x0  }
0xc8: {  	[sflag:s22] =	ssyncadd.s32 $0xFFFFF800;
	s22 =	smul.u32 $0xCD, s16  }
0xc9: {  	_ =	swait.ge [sflag:s23], $0x800  }
0xca: {  	[sflag:s23] =	ssyncset.done $0x0;
	s0 =	sshrl.u32 s22, $0xC  }
0xcb: {  	[sflag:s23] =	ssyncadd.s32 $0xFFFFF800;
	s0 =	sand.u32 $0xF, s0  }
0xcc: {  	_ =	swait.ge [sflag:s24], $0x800;
	s0 =	smul.u32 $0x14, s0  }
0xcd: {  	[sflag:s24] =	ssyncset.done $0x0  }
0xce: {  	[sflag:s24] =	ssyncadd.s32 $0xFFFFF800;
	s0 =	ssub.s32 $0x2, s0  }
0xcf: {  	_ =	swait.ge [sflag:s25], $0x800;
	s20 =	sand.u32 $0xFF, s0  }
0xd0: {  	[sflag:s25] =	ssyncset.done $0x0;
	p1 =	sne.s32 s20, $0x0  }
0xd1: {  	[sflag:s25] =	ssyncadd.s32 $0xFFFFF800;
	s3 =	smul.u32 @!p1 $0xCD, s11  }
0xd2: {  	s30 =	simm.s32 $0x1000;
	_ =	swait.ge [sflag:s26], $0x800  }
0xd3: {  	s29 =	rddreg [dreg:$0xd];
	[sflag:s26] =	ssyncset.done $0x0;
	s3 =	sshrl.u32 @!p1 s3, $0xB  }
0xd4: {  	[sflag:s26] =	ssyncadd.s32 $0xFFFFF800;
	s0 =	sadd.s32 $0x0, s29;
	s3 =	sand.u32 @!p1 $0x1F, s3  }
0xd5: {  	[hbm4b:s0+s28] =	stream.strided.scatter [tilespmem:s1], [sflag:$0x11], $0x800, s12, s28, $0x38;
	[tilespmem:$0xD000] =	vst v63  }
0xd6: {  	s18 =	simm.s32 $0x2000;
	s31 =	rddreg [dreg:$0xb];
	s3 =	smul.u32 @!p1 $0x14, s3  }
.LBB2_2:
0xd7: {  	[dreg:$0x16] =	wrdreg s11  }
0xd8: {  	s2 =	sadd.s32 $0x2, s0;
	s17 =	simm.s32 $0x10;
	s6 =	simm.s32 $0x9800  }
0xd9: {  	[hbm4b:s2+s17] =	stream.strided.scatter [tilespmem:s6], [sflag:$0x12], $0x800, s12, s17, $0x38;
	[tilespmem:$0xD000] =	vst v63  }
0xda: {  	s3 =	sadd.s32 @!p1 s31, s3;
	s31 =	sadd.s32 $0x4, s0;
	s8 =	simm.s32 $0xA000  }
0xdb: {  	[hbm4b:s31+s17] =	stream.strided.scatter [tilespmem:s8], [sflag:$0x13], $0x800, s12, s17, $0x38;
	[tilespmem:$0xD000] =	vst v63  }
0xdc: {  	s4 =	smov.u32 s18;
	s7 =	sadd.s32 $0x6, s0;
	s9 =	simm.s32 $0xA800  }
0xdd: {  	[hbm4b:s7+s17] =	stream.strided.scatter [tilespmem:s9], [sflag:$0x14], $0x800, s12, s17, $0x38;
	[tilespmem:$0xD000] =	vst v63  }
0xde: {  	s10 =	sadd.s32 $0xA, s0;
	s11 =	simm.s32 $0xB000;
	s31 =	sadd.s32 $0x8, s0  }
0xdf: {  	[hbm4b:s31+s17] =	stream.strided.scatter [tilespmem:s11], [sflag:$0x15], $0x800, s12, s17, $0x38;
	[tilespmem:$0xD000] =	vst v63  }
0xe0: {  	s13 =	simm.s32 $0xB800;
	s14 =	sadd.s32 $0xE, s0;
	s15 =	simm.s32 $0xC000  }
0xe1: {  	[hbm4b:s10+s17] =	stream.strided.scatter [tilespmem:s13], [sflag:$0x16], $0x800, s12, s17, $0x38;
	[tilespmem:$0xD000] =	vst v63  }
0xe2: {  	[dreg:$0x15] =	wrdreg s4;
	s2 =	sshll.u32 @!p1 s3, $0x4;
	s31 =	sadd.s32 $0xC, s0  }
0xe3: {  	[hbm4b:s31+s17] =	stream.strided.scatter [tilespmem:s15], [sflag:$0x17], $0x800, s12, s17, $0x38;
	[tilespmem:$0xD000] =	vst v63  }
0xe4: {  	s21 =	simm.s32 $0xC800;
	s3 =	rddreg [dreg:$0x3];
	s0 =	sand.u32 @!p1 $0x3FFC0, s2  }
0xe5: {  	[hbm4b:s14+s17] =	stream.strided.scatter [tilespmem:s21], [sflag:$0x18], $0x800, s12, s17, $0x38;
	[tilespmem:$0xD000] =	vst v63  }
0xe6: {  	s2 =	sadd.s32 @!p1 s3, s0;
	s3 =	simm.s32 @!p1 $0x0;
	s31 =	simm.s32 @!p1 $0x19  }
0xe7: {  	[tilespmem:s3], [sflag:$0x19] =	stream.linear.gather @!p1 [hbm4b:s2+s3], $0xA00, $0x38;
	[tilespmem:$0xD000] =	vst v63  }
0xe8: {  	_ =	swait.ge @!p1 [sflag:s31], $0xA00  }
0xe9: {  	[sflag:s31] =	ssyncset.done @!p1 $0x0;
	s2 =	rddreg [dreg:$0x4]  }
0xea: {  	s11 =	simm.s32 @!p1 $0xA00;
	[sflag:s31] =	ssyncadd.s32 @!p1 $0xFFFFF600;
	s2 =	sadd.s32 @!p1 s2, s0  }
0xeb: {  	[tilespmem:s11], [sflag:$0x19] =	stream.linear.gather @!p1 [hbm4b:s2+s3], $0xA00, $0x38;
	[tilespmem:$0xD000] =	vst v63  }
0xec: {  	_ =	swait.ge @!p1 [sflag:s31], $0xA00  }
0xed: {  	[sflag:s31] =	ssyncset.done @!p1 $0x0;
	s2 =	rddreg [dreg:$0x5]  }
0xee: {  	s11 =	simm.s32 @!p1 $0x1400;
	[sflag:s31] =	ssyncadd.s32 @!p1 $0xFFFFF600;
	s2 =	sadd.s32 @!p1 s2, s0  }
0xef: {  	[tilespmem:s11], [sflag:$0x19] =	stream.linear.gather @!p1 [hbm4b:s2+s3], $0xA00, $0x38;
	[tilespmem:$0xD000] =	vst v63  }
0xf0: {  	_ =	swait.ge @!p1 [sflag:s31], $0xA00  }
0xf1: {  	[sflag:s31] =	ssyncset.done @!p1 $0x0;
	s2 =	rddreg [dreg:$0x6]  }
0xf2: {  	s11 =	simm.s32 @!p1 $0x1E00;
	[sflag:s31] =	ssyncadd.s32 @!p1 $0xFFFFF600;
	s2 =	sadd.s32 @!p1 s2, s0  }
0xf3: {  	[tilespmem:s11], [sflag:$0x19] =	stream.linear.gather @!p1 [hbm4b:s2+s3], $0xA00, $0x38;
	[tilespmem:$0xD000] =	vst v63  }
0xf4: {  	_ =	swait.ge @!p1 [sflag:s31], $0xA00  }
0xf5: {  	[sflag:s31] =	ssyncset.done @!p1 $0x0;
	s2 =	rddreg [dreg:$0x7]  }
0xf6: {  	s11 =	simm.s32 @!p1 $0x2800;
	[sflag:s31] =	ssyncadd.s32 @!p1 $0xFFFFF600;
	s2 =	sadd.s32 @!p1 s2, s0  }
0xf7: {  	[tilespmem:s11], [sflag:$0x19] =	stream.linear.gather @!p1 [hbm4b:s2+s3], $0xA00, $0x38;
	[tilespmem:$0xD000] =	vst v63  }
0xf8: {  	_ =	swait.ge @!p1 [sflag:s31], $0xA00  }
0xf9: {  	[sflag:s31] =	ssyncset.done @!p1 $0x0;
	s2 =	rddreg [dreg:$0x8]  }
0xfa: {  	s11 =	simm.s32 @!p1 $0x3200;
	[sflag:s31] =	ssyncadd.s32 @!p1 $0xFFFFF600;
	s2 =	sadd.s32 @!p1 s2, s0  }
0xfb: {  	[tilespmem:s11], [sflag:$0x19] =	stream.linear.gather @!p1 [hbm4b:s2+s3], $0xA00, $0x38;
	[tilespmem:$0xD000] =	vst v63  }
0xfc: {  	_ =	swait.ge @!p1 [sflag:s31], $0xA00  }
0xfd: {  	[sflag:s31] =	ssyncset.done @!p1 $0x0;
	s2 =	rddreg [dreg:$0x9]  }
0xfe: {  	s11 =	simm.s32 @!p1 $0x3C00;
	[sflag:s31] =	ssyncadd.s32 @!p1 $0xFFFFF600;
	s2 =	sadd.s32 @!p1 s2, s0  }
0xff: {  	[tilespmem:s11], [sflag:$0x19] =	stream.linear.gather @!p1 [hbm4b:s2+s3], $0xA00, $0x38;
	[tilespmem:$0xD000] =	vst v63  }
0x100: {  	_ =	swait.ge @!p1 [sflag:s31], $0xA00  }
0x101: {  	[sflag:s31] =	ssyncset.done @!p1 $0x0;
	s2 =	rddreg [dreg:$0xa]  }
0x102: {  	[sflag:s31] =	ssyncadd.s32 @!p1 $0xFFFFF600;
	s0 =	sadd.s32 @!p1 s2, s0;
	s2 =	simm.s32 @!p1 $0x4600  }
0x103: {  	[tilespmem:s2], [sflag:$0x19] =	stream.linear.gather @!p1 [hbm4b:s0+s3], $0xA00, $0x38;
	[tilespmem:$0xD000] =	vst v63  }
0x104: {  	s19 =	smov.u32 s30;
	_ =	swait.ge @!p1 [sflag:s31], $0xA00  }
0x105: {  	p2 =	seq.s32 s19, $0x0;
	[sflag:s31] =	ssyncset.done @!p1 $0x0  }
0x106: {  	s0 =	simm.s32 @!p2 $0x9;
	[sflag:s31] =	ssyncadd.s32 @!p1 $0xFFFFF600  }
0x107: {  	_ =	swait.ge @!p2 [sflag:s0], $0x800  }
0x108: {  	[sflag:s0] =	ssyncset.done @!p2 $0x0  }
0x109: {  	[sflag:s0] =	ssyncadd.s32 @!p2 $0xFFFFF800;
	s0 =	simm.s32 @!p2 $0xA  }
0x10a: {  	_ =	swait.ge @!p2 [sflag:s0], $0x800  }
0x10b: {  	[sflag:s0] =	ssyncset.done @!p2 $0x0  }
0x10c: {  	[sflag:s0] =	ssyncadd.s32 @!p2 $0xFFFFF800;
	s0 =	simm.s32 @!p2 $0xB  }
0x10d: {  	_ =	swait.ge @!p2 [sflag:s0], $0x800  }
0x10e: {  	[sflag:s0] =	ssyncset.done @!p2 $0x0  }
0x10f: {  	[sflag:s0] =	ssyncadd.s32 @!p2 $0xFFFFF800;
	s0 =	simm.s32 @!p2 $0xC  }
0x110: {  	_ =	swait.ge @!p2 [sflag:s0], $0x800  }
0x111: {  	[sflag:s0] =	ssyncset.done @!p2 $0x0  }
0x112: {  	[sflag:s0] =	ssyncadd.s32 @!p2 $0xFFFFF800;
	s0 =	simm.s32 @!p2 $0xD  }
0x113: {  	_ =	swait.ge @!p2 [sflag:s0], $0x800  }
0x114: {  	[sflag:s0] =	ssyncset.done @!p2 $0x0  }
0x115: {  	[sflag:s0] =	ssyncadd.s32 @!p2 $0xFFFFF800;
	s0 =	simm.s32 @!p2 $0xE  }
0x116: {  	_ =	swait.ge @!p2 [sflag:s0], $0x800  }
0x117: {  	[sflag:s0] =	ssyncset.done @!p2 $0x0  }
0x118: {  	[sflag:s0] =	ssyncadd.s32 @!p2 $0xFFFFF800;
	s0 =	simm.s32 @!p2 $0xF  }
0x119: {  	_ =	swait.ge @!p2 [sflag:s0], $0x800  }
0x11a: {  	[sflag:s0] =	ssyncset.done @!p2 $0x0  }
0x11b: {  	[sflag:s0] =	ssyncadd.s32 @!p2 $0xFFFFF800;
	s0 =	simm.s32 @!p2 $0x10  }
0x11c: {  	_ =	swait.ge @!p2 [sflag:s0], $0x800  }
0x11d: {  	s22 =	sshll.u32 s20, $0x7;
	[sflag:s0] =	ssyncset.done @!p2 $0x0;
	s5 =	rddreg [dreg:$0xe]  }
0x11e: {  	s3 =	simm.s32 $0x5000;
	s6 =	rddreg [dreg:$0xf];
	[sflag:s0] =	ssyncadd.s32 @!p2 $0xFFFFF800  }
0x11f: {  	[tilespmem:s3], [sflag:$0x1] =	stream.indirect.gather [hbm4b:s5+s12], $0x10, s22, s12, $0xb8;
	[tilespmem:$0xD000] =	vst v63  }
0x120: {  	s20 =	simm.s32 $0x5800;
	s23 =	sadd.s32 $0xA00, s22;
	s7 =	rddreg [dreg:$0x10]  }
0x121: {  	[tilespmem:s20], [sflag:$0x2] =	stream.indirect.gather [hbm4b:s6+s12], $0x10, s23, s12, $0xb8;
	[tilespmem:$0xD000] =	vst v63  }
0x122: {  	s24 =	sadd.s32 $0x1400, s22;
	s31 =	simm.s32 $0x6000;
	s8 =	rddreg [dreg:$0x11]  }
0x123: {  	[tilespmem:s31], [sflag:$0x3] =	stream.indirect.gather [hbm4b:s7+s12], $0x10, s24, s12, $0xb8;
	[tilespmem:$0xD000] =	vst v63  }
0x124: {  	s1 =	simm.s32 $0x6800;
	s25 =	sadd.s32 $0x1E00, s22;
	s11 =	rddreg [dreg:$0x1]  }
0x125: {  	[tilespmem:s1], [sflag:$0x4] =	stream.indirect.gather [hbm4b:s11+s12], $0x10, s25, s12, $0xb8;
	[tilespmem:$0xD000] =	vst v63  }
0x126: {  	s26 =	sadd.s32 $0x2800, s22;
	s13 =	simm.s32 $0x7000;
	s9 =	rddreg [dreg:$0x12]  }
0x127: {  	[tilespmem:s13], [sflag:$0x5] =	stream.indirect.gather [hbm4b:s8+s12], $0x10, s26, s12, $0xb8;
	[tilespmem:$0xD000] =	vst v63  }
0x128: {  	s28 =	sadd.s32 $0x3200, s22;
	s14 =	simm.s32 $0x7800;
	s10 =	rddreg [dreg:$0x13]  }
0x129: {  	[tilespmem:s14], [sflag:$0x6] =	stream.indirect.gather [hbm4b:s9+s12], $0x10, s28, s12, $0xb8;
	[tilespmem:$0xD000] =	vst v63  }
0x12a: {  	s29 =	sadd.s32 $0x3C00, s22;
	s4 =	simm.s32 $0x8000;
	s21 =	rddreg [dreg:$0x14]  }
0x12b: {  	[tilespmem:s4], [sflag:$0x7] =	stream.indirect.gather [hbm4b:s10+s12], $0x10, s29, s12, $0xb8;
	[tilespmem:$0xD000] =	vst v63  }
0x12c: {  	s0 =	sadd.s32 $0x4600, s22;
	s22 =	simm.s32 $0x8800;
	s23 =	simm.s32 $0x1  }
0x12d: {  	[tilespmem:s22], [sflag:$0x8] =	stream.indirect.gather [hbm4b:s21+s12], $0x10, s0, s12, $0xb8;
	[tilespmem:$0xD000] =	vst v63  }
0x12e: {  	_ =	swait.ge [sflag:s23], $0x800  }
0x12f: {  	[sflag:s23] =	ssyncset.done $0x0  }
0x130: {  	s24 =	simm.s32 $0x2;
	[sflag:s23] =	ssyncadd.s32 $0xFFFFF800  }
0x131: {  	_ =	swait.ge [sflag:s24], $0x800  }
0x132: {  	[sflag:s24] =	ssyncset.done $0x0  }
0x133: {  	s25 =	simm.s32 $0x3;
	[sflag:s24] =	ssyncadd.s32 $0xFFFFF800  }
0x134: {  	_ =	swait.ge [sflag:s25], $0x800  }
0x135: {  	[sflag:s25] =	ssyncset.done $0x0  }
0x136: {  	s26 =	simm.s32 $0x4;
	[sflag:s25] =	ssyncadd.s32 $0xFFFFF800  }
0x137: {  	_ =	swait.ge [sflag:s26], $0x800  }
0x138: {  	[sflag:s26] =	ssyncset.done $0x0  }
0x139: {  	s28 =	simm.s32 $0x5;
	[sflag:s26] =	ssyncadd.s32 $0xFFFFF800  }
0x13a: {  	_ =	swait.ge [sflag:s28], $0x800  }
0x13b: {  	[sflag:s28] =	ssyncset.done $0x0  }
0x13c: {  	s29 =	simm.s32 $0x6;
	[sflag:s28] =	ssyncadd.s32 $0xFFFFF800  }
0x13d: {  	_ =	swait.ge [sflag:s29], $0x800  }
0x13e: {  	[sflag:s29] =	ssyncset.done $0x0  }
0x13f: {  	s15 =	simm.s32 $0x7;
	[sflag:s29] =	ssyncadd.s32 $0xFFFFF800  }
0x140: {  	_ =	swait.ge [sflag:s15], $0x800  }
0x141: {  	[sflag:s15] =	ssyncset.done $0x0  }
0x142: {  	s30 =	simm.s32 $0x8;
	[sflag:s15] =	ssyncadd.s32 $0xFFFFF800  }
0x143: {  	_ =	swait.ge [sflag:s30], $0x800  }
0x144: {  	s2 =	rddreg [dreg:$0xc];
	[sflag:s30] =	ssyncset.done $0x0  }
0x145: {  	[sflag:s30] =	ssyncadd.s32 $0xFFFFF800;
	s0 =	sadd.s32 s19, s2  }
0x146: {  	[hbm4b:s0+s17] =	stream.strided.scatter [tilespmem:s3], [sflag:$0x9], $0x800, s12, s17, $0x38;
	[tilespmem:$0xD000] =	vst v63  }
0x147: {  	s3 =	sadd.s32 $0x2, s0  }
0x148: {  	[hbm4b:s3+s17] =	stream.strided.scatter [tilespmem:s20], [sflag:$0xA], $0x800, s12, s17, $0x38;
	[tilespmem:$0xD000] =	vst v63  }
0x149: {  	s20 =	sadd.s32 $0x4, s0  }
0x14a: {  	[hbm4b:s20+s17] =	stream.strided.scatter [tilespmem:s31], [sflag:$0xB], $0x800, s12, s17, $0x38;
	[tilespmem:$0xD000] =	vst v63  }
0x14b: {  	s3 =	sadd.s32 $0x6, s0  }
0x14c: {  	[hbm4b:s3+s17] =	stream.strided.scatter [tilespmem:s1], [sflag:$0xC], $0x800, s12, s17, $0x38;
	[tilespmem:$0xD000] =	vst v63  }
0x14d: {  	s20 =	sadd.s32 $0x8, s0  }
0x14e: {  	[hbm4b:s20+s17] =	stream.strided.scatter [tilespmem:s13], [sflag:$0xD], $0x800, s12, s17, $0x38;
	[tilespmem:$0xD000] =	vst v63  }
0x14f: {  	s1 =	sadd.s32 $0xA, s0  }
0x150: {  	[hbm4b:s1+s17] =	stream.strided.scatter [tilespmem:s14], [sflag:$0xE], $0x800, s12, s17, $0x38;
	[tilespmem:$0xD000] =	vst v63  }
0x151: {  	s3 =	sadd.s32 $0xC, s0  }
0x152: {  	[hbm4b:s3+s17] =	stream.strided.scatter [tilespmem:s4], [sflag:$0xF], $0x800, s12, s17, $0x38;
	[tilespmem:$0xD000] =	vst v63  }
0x153: {  	s2 =	simm.s32 @!p2 $0x11;
	s0 =	sadd.s32 $0xE, s0  }
0x154: {  	[hbm4b:s0+s17] =	stream.strided.scatter [tilespmem:s22], [sflag:$0x10], $0x800, s12, s17, $0x38;
	[tilespmem:$0xD000] =	vst v63  }
0x155: {  	_ =	swait.ge @!p2 [sflag:s2], $0x800  }
0x156: {  	[sflag:s2] =	ssyncset.done @!p2 $0x0  }
0x157: {  	s0 =	simm.s32 @!p2 $0x12;
	[sflag:s2] =	ssyncadd.s32 @!p2 $0xFFFFF800  }
0x158: {  	_ =	swait.ge @!p2 [sflag:s0], $0x800  }
0x159: {  	[sflag:s0] =	ssyncset.done @!p2 $0x0  }
0x15a: {  	[sflag:s0] =	ssyncadd.s32 @!p2 $0xFFFFF800;
	s0 =	simm.s32 @!p2 $0x13  }
0x15b: {  	_ =	swait.ge @!p2 [sflag:s0], $0x800  }
0x15c: {  	[sflag:s0] =	ssyncset.done @!p2 $0x0  }
0x15d: {  	[sflag:s0] =	ssyncadd.s32 @!p2 $0xFFFFF800;
	s0 =	simm.s32 @!p2 $0x14  }
0x15e: {  	_ =	swait.ge @!p2 [sflag:s0], $0x800  }
0x15f: {  	[sflag:s0] =	ssyncset.done @!p2 $0x0  }
0x160: {  	[sflag:s0] =	ssyncadd.s32 @!p2 $0xFFFFF800;
	s0 =	simm.s32 @!p2 $0x15  }
0x161: {  	_ =	swait.ge @!p2 [sflag:s0], $0x800  }
0x162: {  	[sflag:s0] =	ssyncset.done @!p2 $0x0  }
0x163: {  	s4 =	sadd.s32 $0x1, s16;
	[sflag:s0] =	ssyncadd.s32 @!p2 $0xFFFFF800;
	s0 =	simm.s32 @!p2 $0x16  }
0x164: {  	s13 =	smul.u32 $0xCD, s4;
	_ =	swait.ge @!p2 [sflag:s0], $0x800  }
0x165: {  	[sflag:s0] =	ssyncset.done @!p2 $0x0  }
0x166: {  	s3 =	sshrl.u32 s13, $0xC;
	[sflag:s0] =	ssyncadd.s32 @!p2 $0xFFFFF800;
	s0 =	simm.s32 @!p2 $0x17  }
0x167: {  	s3 =	sand.u32 $0xF, s3;
	_ =	swait.ge @!p2 [sflag:s0], $0x800  }
0x168: {  	s3 =	smul.u32 $0x14, s3;
	[sflag:s0] =	ssyncset.done @!p2 $0x0  }
0x169: {  	[sflag:s0] =	ssyncadd.s32 @!p2 $0xFFFFF800;
	s0 =	simm.s32 @!p2 $0x18  }
0x16a: {  	s2 =	ssub.s32 s4, s3;
	_ =	swait.ge @!p2 [sflag:s0], $0x800  }
0x16b: {  	s2 =	sand.u32 $0xFF, s2;
	[sflag:s0] =	ssyncset.done @!p2 $0x0  }
0x16c: {  	s1 =	simm.s32 $0x9000;
	[sflag:s0] =	ssyncadd.s32 @!p2 $0xFFFFF800;
	s0 =	sshll.u32 s2, $0x7  }
0x16d: {  	[tilespmem:s1], [sflag:$0x1] =	stream.indirect.gather [hbm4b:s5+s12], $0x10, s0, s12, $0xb8;
	[tilespmem:$0xD000] =	vst v63  }
0x16e: {  	s14 =	simm.s32 $0x9800;
	s2 =	sadd.s32 $0xA00, s0  }
0x16f: {  	[tilespmem:s14], [sflag:$0x2] =	stream.indirect.gather [hbm4b:s6+s12], $0x10, s2, s12, $0xb8;
	[tilespmem:$0xD000] =	vst v63  }
0x170: {  	s22 =	simm.s32 $0xA000;
	s20 =	sadd.s32 $0x1400, s0  }
0x171: {  	[tilespmem:s22], [sflag:$0x3] =	stream.indirect.gather [hbm4b:s7+s12], $0x10, s20, s12, $0xb8;
	[tilespmem:$0xD000] =	vst v63  }
0x172: {  	s4 =	simm.s32 $0xA800;
	s3 =	sadd.s32 $0x1E00, s0  }
0x173: {  	[tilespmem:s4], [sflag:$0x4] =	stream.indirect.gather [hbm4b:s11+s12], $0x10, s3, s12, $0xb8;
	[tilespmem:$0xD000] =	vst v63  }
0x174: {  	s6 =	sadd.s32 $0x2800, s0;
	s7 =	simm.s32 $0xB000  }
0x175: {  	[tilespmem:s7], [sflag:$0x5] =	stream.indirect.gather [hbm4b:s8+s12], $0x10, s6, s12, $0xb8;
	[tilespmem:$0xD000] =	vst v63  }
0x176: {  	s13 =	simm.s32 $0xB800;
	s8 =	sadd.s32 $0x3200, s0  }
0x177: {  	[tilespmem:s13], [sflag:$0x6] =	stream.indirect.gather [hbm4b:s9+s12], $0x10, s8, s12, $0xb8;
	[tilespmem:$0xD000] =	vst v63  }
0x178: {  	s14 =	sadd.s32 $0x3C00, s0;
	s20 =	simm.s32 $0xC000  }
0x179: {  	[tilespmem:s20], [sflag:$0x7] =	stream.indirect.gather [hbm4b:s10+s12], $0x10, s14, s12, $0xb8;
	[tilespmem:$0xD000] =	vst v63  }
0x17a: {  	s22 =	simm.s32 $0xC800;
	s0 =	sadd.s32 $0x4600, s0  }
0x17b: {  	[tilespmem:s22], [sflag:$0x8] =	stream.indirect.gather [hbm4b:s21+s12], $0x10, s0, s12, $0xb8;
	[tilespmem:$0xD000] =	vst v63  }
0x17c: {  	s5 =	rddreg [dreg:$0x16];
	_ =	swait.ge [sflag:s23], $0x800  }
0x17d: {  	[sflag:s23] =	ssyncset.done $0x0  }
0x17e: {  	[sflag:s23] =	ssyncadd.s32 $0xFFFFF800  }
0x17f: {  	_ =	swait.ge [sflag:s24], $0x800  }
0x180: {  	[sflag:s24] =	ssyncset.done $0x0  }
0x181: {  	[sflag:s24] =	ssyncadd.s32 $0xFFFFF800  }
0x182: {  	_ =	swait.ge [sflag:s25], $0x800  }
0x183: {  	[sflag:s25] =	ssyncset.done $0x0  }
0x184: {  	[sflag:s25] =	ssyncadd.s32 $0xFFFFF800  }
0x185: {  	s16 =	sadd.s32 $0x2, s16;
	_ =	swait.ge [sflag:s26], $0x800  }
0x186: {  	s25 =	smul.u32 $0xCD, s16;
	[sflag:s26] =	ssyncset.done $0x0  }
0x187: {  	[sflag:s26] =	ssyncadd.s32 $0xFFFFF800  }
0x188: {  	s0 =	sshrl.u32 s25, $0xC;
	_ =	swait.ge [sflag:s28], $0x800  }
0x189: {  	s0 =	sand.u32 $0xF, s0;
	[sflag:s28] =	ssyncset.done $0x0  }
0x18a: {  	s0 =	smul.u32 $0x14, s0;
	[sflag:s28] =	ssyncadd.s32 $0xFFFFF800  }
0x18b: {  	_ =	swait.ge [sflag:s29], $0x800  }
0x18c: {  	s0 =	ssub.s32 s16, s0;
	[sflag:s29] =	ssyncset.done $0x0  }
0x18d: {  	s20 =	sand.u32 $0xFF, s0;
	[sflag:s29] =	ssyncadd.s32 $0xFFFFF800  }
0x18e: {  	s11 =	sadd.s32 $0x1, s5;
	p1 =	sne.s32 s20, $0x0;
	_ =	swait.ge [sflag:s15], $0x800  }
0x18f: {  	s18 =	sadd.s32 $0x1000, s18;
	s0 =	smul.u32 @!p1 $0xCD, s11;
	[sflag:s15] =	ssyncset.done $0x0  }
0x190: {  	p0 =	sne.s32 s18, $0x64000;
	[sflag:s15] =	ssyncadd.s32 $0xFFFFF800  }
.Ltmp0:
0x191: {  	s0 =	sshrl.u32 @!p1 s0, $0xB;
	_ =	swait.ge [sflag:s30], $0x800;
	(pc) =	sbr.rel @p0 .LBB2_2-.Ltmp0, $4  }
0x192: {  	s0 =	sand.u32 @!p1 $0x1F, s0;
	s29 =	rddreg [dreg:$0xd]  }
0x193: {  	s3 =	smul.u32 @!p1 $0x14, s0;
	[sflag:s30] =	ssyncset.done $0x0;
	s31 =	rddreg [dreg:$0xb]  }
0x194: {  	[sflag:s30] =	ssyncadd.s32 $0xFFFFF800;
	s30 =	rddreg [dreg:$0x15];
	s0 =	sadd.s32 s19, s29  }
0x195: {  	[hbm4b:s0+s17] =	stream.strided.scatter [tilespmem:s1], [sflag:$0x11], $0x800, s12, s17, $0x38;
	[tilespmem:$0xD000] =	vst v63  }
0x196: {  	s2 =	sadd.s32 $0x2, s0;
	s29 =	simm.s32 $0x10;
	s1 =	simm.s32 $0x9800  }
0x197: {  	[hbm4b:s2+s29] =	stream.strided.scatter [tilespmem:s1], [sflag:$0x12], $0x800, s12, s29, $0x38;
	[tilespmem:$0xD000] =	vst v63  }
0x198: {  	s8 =	sadd.s32 $0x4, s0;
	s9 =	simm.s32 $0xA000  }
0x199: {  	[hbm4b:s8+s29] =	stream.strided.scatter [tilespmem:s9], [sflag:$0x13], $0x800, s12, s29, $0x38;
	[tilespmem:$0xD000] =	vst v63  }
0x19a: {  	s10 =	sadd.s32 $0x6, s0;
	s11 =	simm.s32 $0xA800  }
0x19b: {  	[hbm4b:s10+s29] =	stream.strided.scatter [tilespmem:s11], [sflag:$0x14], $0x800, s12, s29, $0x38;
	[tilespmem:$0xD000] =	vst v63  }
0x19c: {  	s13 =	sadd.s32 $0x8, s0;
	s14 =	simm.s32 $0xB000;
	s15 =	sadd.s32 $0xA, s0  }
0x19d: {  	[hbm4b:s13+s29] =	stream.strided.scatter [tilespmem:s14], [sflag:$0x15], $0x800, s12, s29, $0x38;
	[tilespmem:$0xD000] =	vst v63  }
0x19e: {  	s17 =	simm.s32 $0xC000;
	s2 =	sadd.s32 @!p1 s31, s3;
	s31 =	simm.s32 $0xB800  }
0x19f: {  	[hbm4b:s15+s29] =	stream.strided.scatter [tilespmem:s31], [sflag:$0x16], $0x800, s12, s29, $0x38;
	[tilespmem:$0xD000] =	vst v63  }
0x1a0: {  	s18 =	sadd.s32 $0xE, s0;
	s2 =	sshll.u32 @!p1 s2, $0x4;
	s11 =	sadd.s32 $0xC, s0  }
0x1a1: {  	[hbm4b:s11+s29] =	stream.strided.scatter [tilespmem:s17], [sflag:$0x17], $0x800, s12, s29, $0x38;
	[tilespmem:$0xD000] =	vst v63  }
0x1a2: {  	s19 =	simm.s32 $0xC800;
	s3 =	rddreg [dreg:$0x3];
	s2 =	sand.u32 @!p1 $0x3FFC0, s2  }
0x1a3: {  	[hbm4b:s18+s29] =	stream.strided.scatter [tilespmem:s19], [sflag:$0x18], $0x800, s12, s29, $0x38;
	[tilespmem:$0xD000] =	vst v63  }
0x1a4: {  	s0 =	sadd.s32 @!p1 s3, s2;
	s3 =	simm.s32 @!p1 $0x0;
	s11 =	simm.s32 @!p1 $0x19  }
0x1a5: {  	[tilespmem:s3], [sflag:$0x19] =	stream.linear.gather @!p1 [hbm4b:s0+s3], $0xA00, $0x38;
	[tilespmem:$0xD000] =	vst v63  }
0x1a6: {  	_ =	swait.ge @!p1 [sflag:s11], $0xA00  }
0x1a7: {  	s0 =	rddreg [dreg:$0x4];
	[sflag:s11] =	ssyncset.done @!p1 $0x0  }
0x1a8: {  	s17 =	simm.s32 @!p1 $0xA00;
	[sflag:s11] =	ssyncadd.s32 @!p1 $0xFFFFF600;
	s0 =	sadd.s32 @!p1 s0, s2  }
0x1a9: {  	[tilespmem:s17], [sflag:$0x19] =	stream.linear.gather @!p1 [hbm4b:s0+s3], $0xA00, $0x38;
	[tilespmem:$0xD000] =	vst v63  }
0x1aa: {  	_ =	swait.ge @!p1 [sflag:s11], $0xA00  }
0x1ab: {  	s0 =	rddreg [dreg:$0x5];
	[sflag:s11] =	ssyncset.done @!p1 $0x0  }
0x1ac: {  	s17 =	simm.s32 @!p1 $0x1400;
	[sflag:s11] =	ssyncadd.s32 @!p1 $0xFFFFF600;
	s0 =	sadd.s32 @!p1 s0, s2  }
0x1ad: {  	[tilespmem:s17], [sflag:$0x19] =	stream.linear.gather @!p1 [hbm4b:s0+s3], $0xA00, $0x38;
	[tilespmem:$0xD000] =	vst v63  }
0x1ae: {  	_ =	swait.ge @!p1 [sflag:s11], $0xA00  }
0x1af: {  	s0 =	rddreg [dreg:$0x6];
	[sflag:s11] =	ssyncset.done @!p1 $0x0  }
0x1b0: {  	s17 =	simm.s32 @!p1 $0x1E00;
	[sflag:s11] =	ssyncadd.s32 @!p1 $0xFFFFF600;
	s0 =	sadd.s32 @!p1 s0, s2  }
0x1b1: {  	[tilespmem:s17], [sflag:$0x19] =	stream.linear.gather @!p1 [hbm4b:s0+s3], $0xA00, $0x38;
	[tilespmem:$0xD000] =	vst v63  }
0x1b2: {  	_ =	swait.ge @!p1 [sflag:s11], $0xA00  }
0x1b3: {  	s0 =	rddreg [dreg:$0x7];
	[sflag:s11] =	ssyncset.done @!p1 $0x0  }
0x1b4: {  	s17 =	simm.s32 @!p1 $0x2800;
	[sflag:s11] =	ssyncadd.s32 @!p1 $0xFFFFF600;
	s0 =	sadd.s32 @!p1 s0, s2  }
0x1b5: {  	[tilespmem:s17], [sflag:$0x19] =	stream.linear.gather @!p1 [hbm4b:s0+s3], $0xA00, $0x38;
	[tilespmem:$0xD000] =	vst v63  }
0x1b6: {  	_ =	swait.ge @!p1 [sflag:s11], $0xA00  }
0x1b7: {  	s0 =	rddreg [dreg:$0x8];
	[sflag:s11] =	ssyncset.done @!p1 $0x0  }
0x1b8: {  	s17 =	simm.s32 @!p1 $0x3200;
	[sflag:s11] =	ssyncadd.s32 @!p1 $0xFFFFF600;
	s0 =	sadd.s32 @!p1 s0, s2  }
0x1b9: {  	[tilespmem:s17], [sflag:$0x19] =	stream.linear.gather @!p1 [hbm4b:s0+s3], $0xA00, $0x38;
	[tilespmem:$0xD000] =	vst v63  }
0x1ba: {  	_ =	swait.ge @!p1 [sflag:s11], $0xA00  }
0x1bb: {  	s0 =	rddreg [dreg:$0x9];
	[sflag:s11] =	ssyncset.done @!p1 $0x0  }
0x1bc: {  	s17 =	simm.s32 @!p1 $0x3C00;
	[sflag:s11] =	ssyncadd.s32 @!p1 $0xFFFFF600;
	s0 =	sadd.s32 @!p1 s0, s2  }
0x1bd: {  	[tilespmem:s17], [sflag:$0x19] =	stream.linear.gather @!p1 [hbm4b:s0+s3], $0xA00, $0x38;
	[tilespmem:$0xD000] =	vst v63  }
0x1be: {  	_ =	swait.ge @!p1 [sflag:s11], $0xA00  }
0x1bf: {  	s0 =	rddreg [dreg:$0xa];
	[sflag:s11] =	ssyncset.done @!p1 $0x0  }
0x1c0: {  	[sflag:s11] =	ssyncadd.s32 @!p1 $0xFFFFF600;
	s0 =	sadd.s32 @!p1 s0, s2;
	s2 =	simm.s32 @!p1 $0x4600  }
0x1c1: {  	[tilespmem:s2], [sflag:$0x19] =	stream.linear.gather @!p1 [hbm4b:s0+s3], $0xA00, $0x38;
	[tilespmem:$0xD000] =	vst v63  }
0x1c2: {  	_ =	swait.ge @!p1 [sflag:s11], $0xA00  }
0x1c3: {  	p0 =	seq.s32 s30, $0x0;
	[sflag:s11] =	ssyncset.done @!p1 $0x0  }
0x1c4: {  	s0 =	simm.s32 @!p0 $0x9;
	[sflag:s11] =	ssyncadd.s32 @!p1 $0xFFFFF600  }
0x1c5: {  	_ =	swait.ge @!p0 [sflag:s0], $0x800  }
0x1c6: {  	[sflag:s0] =	ssyncset.done @!p0 $0x0  }
0x1c7: {  	[sflag:s0] =	ssyncadd.s32 @!p0 $0xFFFFF800;
	s0 =	simm.s32 @!p0 $0xA  }
0x1c8: {  	_ =	swait.ge @!p0 [sflag:s0], $0x800  }
0x1c9: {  	[sflag:s0] =	ssyncset.done @!p0 $0x0  }
0x1ca: {  	[sflag:s0] =	ssyncadd.s32 @!p0 $0xFFFFF800;
	s0 =	simm.s32 @!p0 $0xB  }
0x1cb: {  	_ =	swait.ge @!p0 [sflag:s0], $0x800  }
0x1cc: {  	[sflag:s0] =	ssyncset.done @!p0 $0x0  }
0x1cd: {  	[sflag:s0] =	ssyncadd.s32 @!p0 $0xFFFFF800;
	s0 =	simm.s32 @!p0 $0xC  }
0x1ce: {  	_ =	swait.ge @!p0 [sflag:s0], $0x800  }
0x1cf: {  	[sflag:s0] =	ssyncset.done @!p0 $0x0  }
0x1d0: {  	[sflag:s0] =	ssyncadd.s32 @!p0 $0xFFFFF800;
	s0 =	simm.s32 @!p0 $0xD  }
0x1d1: {  	_ =	swait.ge @!p0 [sflag:s0], $0x800  }
0x1d2: {  	[sflag:s0] =	ssyncset.done @!p0 $0x0  }
0x1d3: {  	[sflag:s0] =	ssyncadd.s32 @!p0 $0xFFFFF800;
	s0 =	simm.s32 @!p0 $0xE  }
0x1d4: {  	_ =	swait.ge @!p0 [sflag:s0], $0x800  }
0x1d5: {  	[sflag:s0] =	ssyncset.done @!p0 $0x0  }
0x1d6: {  	[sflag:s0] =	ssyncadd.s32 @!p0 $0xFFFFF800;
	s0 =	simm.s32 @!p0 $0xF  }
0x1d7: {  	_ =	swait.ge @!p0 [sflag:s0], $0x800  }
0x1d8: {  	[sflag:s0] =	ssyncset.done @!p0 $0x0  }
0x1d9: {  	[sflag:s0] =	ssyncadd.s32 @!p0 $0xFFFFF800;
	s0 =	simm.s32 @!p0 $0x10  }
0x1da: {  	_ =	swait.ge @!p0 [sflag:s0], $0x800  }
0x1db: {  	s21 =	sshll.u32 s20, $0x7;
	s4 =	simm.s32 $0x8000;
	[sflag:s0] =	ssyncset.done @!p0 $0x0  }
0x1dc: {  	s3 =	simm.s32 $0x5000;
	s5 =	rddreg [dreg:$0xe];
	[sflag:s0] =	ssyncadd.s32 @!p0 $0xFFFFF800  }
0x1dd: {  	[tilespmem:s3], [sflag:$0x1] =	stream.indirect.gather [hbm4b:s5+s12], $0x10, s21, s12, $0xb8;
	[tilespmem:$0xD000] =	vst v63  }
0x1de: {  	s22 =	sadd.s32 $0xA00, s21;
	s17 =	simm.s32 $0x5800;
	s6 =	rddreg [dreg:$0xf]  }
0x1df: {  	[tilespmem:s17], [sflag:$0x2] =	stream.indirect.gather [hbm4b:s6+s12], $0x10, s22, s12, $0xb8;
	[tilespmem:$0xD000] =	vst v63  }
0x1e0: {  	s23 =	sadd.s32 $0x1400, s21;
	s18 =	simm.s32 $0x6000;
	s7 =	rddreg [dreg:$0x10]  }
0x1e1: {  	[tilespmem:s18], [sflag:$0x3] =	stream.indirect.gather [hbm4b:s7+s12], $0x10, s23, s12, $0xb8;
	[tilespmem:$0xD000] =	vst v63  }
0x1e2: {  	s24 =	sadd.s32 $0x1E00, s21;
	s1 =	simm.s32 $0x6800;
	s11 =	rddreg [dreg:$0x1]  }
0x1e3: {  	[tilespmem:s1], [sflag:$0x4] =	stream.indirect.gather [hbm4b:s11+s12], $0x10, s24, s12, $0xb8;
	[tilespmem:$0xD000] =	vst v63  }
0x1e4: {  	s25 =	sadd.s32 $0x2800, s21;
	s13 =	simm.s32 $0x7000;
	s8 =	rddreg [dreg:$0x11]  }
0x1e5: {  	[tilespmem:s13], [sflag:$0x5] =	stream.indirect.gather [hbm4b:s8+s12], $0x10, s25, s12, $0xb8;
	[tilespmem:$0xD000] =	vst v63  }
0x1e6: {  	s26 =	sadd.s32 $0x3200, s21;
	s14 =	simm.s32 $0x7800;
	s9 =	rddreg [dreg:$0x12]  }
0x1e7: {  	[tilespmem:s14], [sflag:$0x6] =	stream.indirect.gather [hbm4b:s9+s12], $0x10, s26, s12, $0xb8;
	[tilespmem:$0xD000] =	vst v63  }
0x1e8: {  	s20 =	simm.s32 $0x8800;
	s28 =	sadd.s32 $0x3C00, s21;
	s10 =	rddreg [dreg:$0x13]  }
0x1e9: {  	[tilespmem:s4], [sflag:$0x7] =	stream.indirect.gather [hbm4b:s10+s12], $0x10, s28, s12, $0xb8;
	[tilespmem:$0xD000] =	vst v63  }
0x1ea: {  	s19 =	rddreg [dreg:$0x14];
	s0 =	sadd.s32 $0x4600, s21;
	s21 =	simm.s32 $0x1  }
0x1eb: {  	[tilespmem:s20], [sflag:$0x8] =	stream.indirect.gather [hbm4b:s19+s12], $0x10, s0, s12, $0xb8;
	[tilespmem:$0xD000] =	vst v63  }
0x1ec: {  	_ =	swait.ge [sflag:s21], $0x800  }
0x1ed: {  	[sflag:s21] =	ssyncset.done $0x0  }
0x1ee: {  	s22 =	simm.s32 $0x2;
	[sflag:s21] =	ssyncadd.s32 $0xFFFFF800  }
0x1ef: {  	_ =	swait.ge [sflag:s22], $0x800  }
0x1f0: {  	[sflag:s22] =	ssyncset.done $0x0  }
0x1f1: {  	s23 =	simm.s32 $0x3;
	[sflag:s22] =	ssyncadd.s32 $0xFFFFF800  }
0x1f2: {  	_ =	swait.ge [sflag:s23], $0x800  }
0x1f3: {  	[sflag:s23] =	ssyncset.done $0x0  }
0x1f4: {  	s24 =	simm.s32 $0x4;
	[sflag:s23] =	ssyncadd.s32 $0xFFFFF800  }
0x1f5: {  	_ =	swait.ge [sflag:s24], $0x800  }
0x1f6: {  	[sflag:s24] =	ssyncset.done $0x0  }
0x1f7: {  	s25 =	simm.s32 $0x5;
	[sflag:s24] =	ssyncadd.s32 $0xFFFFF800  }
0x1f8: {  	_ =	swait.ge [sflag:s25], $0x800  }
0x1f9: {  	[sflag:s25] =	ssyncset.done $0x0  }
0x1fa: {  	s26 =	simm.s32 $0x6;
	[sflag:s25] =	ssyncadd.s32 $0xFFFFF800  }
0x1fb: {  	_ =	swait.ge [sflag:s26], $0x800  }
0x1fc: {  	[sflag:s26] =	ssyncset.done $0x0  }
0x1fd: {  	s15 =	simm.s32 $0x7;
	[sflag:s26] =	ssyncadd.s32 $0xFFFFF800  }
0x1fe: {  	_ =	swait.ge [sflag:s15], $0x800  }
0x1ff: {  	[sflag:s15] =	ssyncset.done $0x0  }
0x200: {  	s28 =	simm.s32 $0x8;
	[sflag:s15] =	ssyncadd.s32 $0xFFFFF800  }
0x201: {  	_ =	swait.ge [sflag:s28], $0x800  }
0x202: {  	s2 =	rddreg [dreg:$0xc];
	[sflag:s28] =	ssyncset.done $0x0  }
0x203: {  	[sflag:s28] =	ssyncadd.s32 $0xFFFFF800;
	s0 =	sadd.s32 s30, s2  }
0x204: {  	[hbm4b:s0+s29] =	stream.strided.scatter [tilespmem:s3], [sflag:$0x9], $0x800, s12, s29, $0x38;
	[tilespmem:$0xD000] =	vst v63  }
0x205: {  	s3 =	sadd.s32 $0x2, s0  }
0x206: {  	[hbm4b:s3+s29] =	stream.strided.scatter [tilespmem:s17], [sflag:$0xA], $0x800, s12, s29, $0x38;
	[tilespmem:$0xD000] =	vst v63  }
0x207: {  	s17 =	sadd.s32 $0x4, s0  }
0x208: {  	[hbm4b:s17+s29] =	stream.strided.scatter [tilespmem:s18], [sflag:$0xB], $0x800, s12, s29, $0x38;
	[tilespmem:$0xD000] =	vst v63  }
0x209: {  	s18 =	sadd.s32 $0x6, s0  }
0x20a: {  	[hbm4b:s18+s29] =	stream.strided.scatter [tilespmem:s1], [sflag:$0xC], $0x800, s12, s29, $0x38;
	[tilespmem:$0xD000] =	vst v63  }
0x20b: {  	s3 =	sadd.s32 $0x8, s0  }
0x20c: {  	[hbm4b:s3+s29] =	stream.strided.scatter [tilespmem:s13], [sflag:$0xD], $0x800, s12, s29, $0x38;
	[tilespmem:$0xD000] =	vst v63  }
0x20d: {  	s13 =	sadd.s32 $0xA, s0  }
0x20e: {  	[hbm4b:s13+s29] =	stream.strided.scatter [tilespmem:s14], [sflag:$0xE], $0x800, s12, s29, $0x38;
	[tilespmem:$0xD000] =	vst v63  }
0x20f: {  	s17 =	sadd.s32 $0xC, s0  }
0x210: {  	[hbm4b:s17+s29] =	stream.strided.scatter [tilespmem:s4], [sflag:$0xF], $0x800, s12, s29, $0x38;
	[tilespmem:$0xD000] =	vst v63  }
0x211: {  	s2 =	simm.s32 @!p0 $0x11;
	s0 =	sadd.s32 $0xE, s0  }
0x212: {  	[hbm4b:s0+s29] =	stream.strided.scatter [tilespmem:s20], [sflag:$0x10], $0x800, s12, s29, $0x38;
	[tilespmem:$0xD000] =	vst v63  }
0x213: {  	_ =	swait.ge @!p0 [sflag:s2], $0x800  }
0x214: {  	[sflag:s2] =	ssyncset.done @!p0 $0x0  }
0x215: {  	s0 =	simm.s32 @!p0 $0x12;
	[sflag:s2] =	ssyncadd.s32 @!p0 $0xFFFFF800  }
0x216: {  	_ =	swait.ge @!p0 [sflag:s0], $0x800  }
0x217: {  	[sflag:s0] =	ssyncset.done @!p0 $0x0  }
0x218: {  	[sflag:s0] =	ssyncadd.s32 @!p0 $0xFFFFF800;
	s0 =	simm.s32 @!p0 $0x13  }
0x219: {  	_ =	swait.ge @!p0 [sflag:s0], $0x800  }
0x21a: {  	[sflag:s0] =	ssyncset.done @!p0 $0x0  }
0x21b: {  	[sflag:s0] =	ssyncadd.s32 @!p0 $0xFFFFF800;
	s0 =	simm.s32 @!p0 $0x14  }
0x21c: {  	_ =	swait.ge @!p0 [sflag:s0], $0x800  }
0x21d: {  	[sflag:s0] =	ssyncset.done @!p0 $0x0  }
0x21e: {  	[sflag:s0] =	ssyncadd.s32 @!p0 $0xFFFFF800;
	s0 =	simm.s32 @!p0 $0x15  }
0x21f: {  	_ =	swait.ge @!p0 [sflag:s0], $0x800  }
0x220: {  	[sflag:s0] =	ssyncset.done @!p0 $0x0  }
0x221: {  	s18 =	sadd.s32 $0x1, s16;
	[sflag:s0] =	ssyncadd.s32 @!p0 $0xFFFFF800;
	s0 =	simm.s32 @!p0 $0x16  }
0x222: {  	s20 =	smul.u32 $0xCD, s18;
	_ =	swait.ge @!p0 [sflag:s0], $0x800  }
0x223: {  	[sflag:s0] =	ssyncset.done @!p0 $0x0  }
0x224: {  	s3 =	sshrl.u32 s20, $0xC;
	[sflag:s0] =	ssyncadd.s32 @!p0 $0xFFFFF800;
	s0 =	simm.s32 @!p0 $0x17  }
0x225: {  	s3 =	sand.u32 $0xF, s3;
	_ =	swait.ge @!p0 [sflag:s0], $0x800  }
0x226: {  	s3 =	smul.u32 $0x14, s3;
	[sflag:s0] =	ssyncset.done @!p0 $0x0  }
0x227: {  	[sflag:s0] =	ssyncadd.s32 @!p0 $0xFFFFF800;
	s0 =	simm.s32 @!p0 $0x18  }
0x228: {  	s2 =	ssub.s32 s18, s3;
	_ =	swait.ge @!p0 [sflag:s0], $0x800  }
0x229: {  	s2 =	sand.u32 $0xFF, s2;
	[sflag:s0] =	ssyncset.done @!p0 $0x0  }
0x22a: {  	s13 =	simm.s32 $0x9000;
	s1 =	sshll.u32 s2, $0x7;
	[sflag:s0] =	ssyncadd.s32 @!p0 $0xFFFFF800  }
0x22b: {  	[tilespmem:s13], [sflag:$0x1] =	stream.indirect.gather [hbm4b:s5+s12], $0x10, s1, s12, $0xb8;
	[tilespmem:$0xD000] =	vst v63  }
0x22c: {  	s3 =	simm.s32 $0x9800;
	s2 =	sadd.s32 $0xA00, s1  }
0x22d: {  	[tilespmem:s3], [sflag:$0x2] =	stream.indirect.gather [hbm4b:s6+s12], $0x10, s2, s12, $0xb8;
	[tilespmem:$0xD000] =	vst v63  }
0x22e: {  	s4 =	sadd.s32 $0x1400, s1;
	s5 =	simm.s32 $0xA000  }
0x22f: {  	[tilespmem:s5], [sflag:$0x3] =	stream.indirect.gather [hbm4b:s7+s12], $0x10, s4, s12, $0xb8;
	[tilespmem:$0xD000] =	vst v63  }
0x230: {  	s6 =	sadd.s32 $0x1E00, s1;
	s7 =	simm.s32 $0xA800  }
0x231: {  	[tilespmem:s7], [sflag:$0x4] =	stream.indirect.gather [hbm4b:s11+s12], $0x10, s6, s12, $0xb8;
	[tilespmem:$0xD000] =	vst v63  }
0x232: {  	s14 =	simm.s32 $0xB000;
	s11 =	sadd.s32 $0x2800, s1  }
0x233: {  	[tilespmem:s14], [sflag:$0x5] =	stream.indirect.gather [hbm4b:s8+s12], $0x10, s11, s12, $0xb8;
	[tilespmem:$0xD000] =	vst v63  }
0x234: {  	s16 =	sadd.s32 $0x3200, s1  }
0x235: {  	[tilespmem:s31], [sflag:$0x6] =	stream.indirect.gather [hbm4b:s9+s12], $0x10, s16, s12, $0xb8;
	[tilespmem:$0xD000] =	vst v63  }
0x236: {  	s18 =	simm.s32 $0xC000;
	s17 =	sadd.s32 $0x3C00, s1  }
0x237: {  	[tilespmem:s18], [sflag:$0x7] =	stream.indirect.gather [hbm4b:s10+s12], $0x10, s17, s12, $0xb8;
	[tilespmem:$0xD000] =	vst v63  }
0x238: {  	s20 =	simm.s32 $0xC800;
	s0 =	sadd.s32 $0x4600, s1  }
0x239: {  	[tilespmem:s20], [sflag:$0x8] =	stream.indirect.gather [hbm4b:s19+s12], $0x10, s0, s12, $0xb8;
	[tilespmem:$0xD000] =	vst v63  }
0x23a: {  	_ =	swait.ge [sflag:s21], $0x800  }
0x23b: {  	[sflag:s21] =	ssyncset.done $0x0  }
0x23c: {  	[sflag:s21] =	ssyncadd.s32 $0xFFFFF800  }
0x23d: {  	_ =	swait.ge [sflag:s22], $0x800  }
0x23e: {  	[sflag:s22] =	ssyncset.done $0x0  }
0x23f: {  	[sflag:s22] =	ssyncadd.s32 $0xFFFFF800  }
0x240: {  	_ =	swait.ge [sflag:s23], $0x800  }
0x241: {  	[sflag:s23] =	ssyncset.done $0x0  }
0x242: {  	[sflag:s23] =	ssyncadd.s32 $0xFFFFF800  }
0x243: {  	_ =	swait.ge [sflag:s24], $0x800  }
0x244: {  	[sflag:s24] =	ssyncset.done $0x0  }
0x245: {  	[sflag:s24] =	ssyncadd.s32 $0xFFFFF800  }
0x246: {  	_ =	swait.ge [sflag:s25], $0x800  }
0x247: {  	[sflag:s25] =	ssyncset.done $0x0  }
0x248: {  	[sflag:s25] =	ssyncadd.s32 $0xFFFFF800  }
0x249: {  	_ =	swait.ge [sflag:s26], $0x800  }
0x24a: {  	[sflag:s26] =	ssyncset.done $0x0  }
0x24b: {  	[sflag:s26] =	ssyncadd.s32 $0xFFFFF800  }
0x24c: {  	_ =	swait.ge [sflag:s15], $0x800  }
0x24d: {  	[sflag:s15] =	ssyncset.done $0x0  }
0x24e: {  	[sflag:s15] =	ssyncadd.s32 $0xFFFFF800  }
0x24f: {  	_ =	swait.ge [sflag:s28], $0x800  }
0x250: {  	s26 =	rddreg [dreg:$0xd];
	[sflag:s28] =	ssyncset.done $0x0  }
0x251: {  	[sflag:s28] =	ssyncadd.s32 $0xFFFFF800;
	s0 =	sadd.s32 s30, s26  }
0x252: {  	[hbm4b:s0+s29] =	stream.strided.scatter [tilespmem:s13], [sflag:$0x11], $0x800, s12, s29, $0x38;
	[tilespmem:$0xD000] =	vst v63  }
0x253: {  	s28 =	sadd.s32 $0x2, s0  }
0x254: {  	[hbm4b:s28+s29] =	stream.strided.scatter [tilespmem:s3], [sflag:$0x12], $0x800, s12, s29, $0x38;
	[tilespmem:$0xD000] =	vst v63  }
0x255: {  	s1 =	sadd.s32 $0x4, s0  }
0x256: {  	[hbm4b:s1+s29] =	stream.strided.scatter [tilespmem:s5], [sflag:$0x13], $0x800, s12, s29, $0x38;
	[tilespmem:$0xD000] =	vst v63  }
0x257: {  	s3 =	sadd.s32 $0x6, s0  }
0x258: {  	[hbm4b:s3+s29] =	stream.strided.scatter [tilespmem:s7], [sflag:$0x14], $0x800, s12, s29, $0x38;
	[tilespmem:$0xD000] =	vst v63  }
0x259: {  	s8 =	sadd.s32 $0x8, s0  }
0x25a: {  	[hbm4b:s8+s29] =	stream.strided.scatter [tilespmem:s14], [sflag:$0x15], $0x800, s12, s29, $0x38;
	[tilespmem:$0xD000] =	vst v63  }
0x25b: {  	s9 =	sadd.s32 $0xA, s0  }
0x25c: {  	[hbm4b:s9+s29] =	stream.strided.scatter [tilespmem:s31], [sflag:$0x16], $0x800, s12, s29, $0x38;
	[tilespmem:$0xD000] =	vst v63  }
0x25d: {  	s10 =	sadd.s32 $0xC, s0  }
0x25e: {  	[hbm4b:s10+s29] =	stream.strided.scatter [tilespmem:s18], [sflag:$0x17], $0x800, s12, s29, $0x38;
	[tilespmem:$0xD000] =	vst v63  }
0x25f: {  	s11 =	simm.s32 $0x9;
	s0 =	sadd.s32 $0xE, s0  }
0x260: {  	[hbm4b:s0+s29] =	stream.strided.scatter [tilespmem:s20], [sflag:$0x18], $0x800, s12, s29, $0x38;
	[tilespmem:$0xD000] =	vst v63  }
0x261: {  	_ =	swait.ge [sflag:s11], $0x800  }
0x262: {  	[sflag:s11] =	ssyncset.done $0x0  }
0x263: {  	s13 =	simm.s32 $0xA;
	[sflag:s11] =	ssyncadd.s32 $0xFFFFF800  }
0x264: {  	_ =	swait.ge [sflag:s13], $0x800  }
0x265: {  	[sflag:s13] =	ssyncset.done $0x0  }
0x266: {  	s14 =	simm.s32 $0xB;
	[sflag:s13] =	ssyncadd.s32 $0xFFFFF800  }
0x267: {  	_ =	swait.ge [sflag:s14], $0x800  }
0x268: {  	[sflag:s14] =	ssyncset.done $0x0  }
0x269: {  	s15 =	simm.s32 $0xC;
	[sflag:s14] =	ssyncadd.s32 $0xFFFFF800  }
0x26a: {  	_ =	swait.ge [sflag:s15], $0x800  }
0x26b: {  	[sflag:s15] =	ssyncset.done $0x0  }
0x26c: {  	s16 =	simm.s32 $0xD;
	[sflag:s15] =	ssyncadd.s32 $0xFFFFF800  }
0x26d: {  	_ =	swait.ge [sflag:s16], $0x800  }
0x26e: {  	[sflag:s16] =	ssyncset.done $0x0  }
0x26f: {  	s17 =	simm.s32 $0xE;
	[sflag:s16] =	ssyncadd.s32 $0xFFFFF800  }
0x270: {  	_ =	swait.ge [sflag:s17], $0x800  }
0x271: {  	[sflag:s17] =	ssyncset.done $0x0  }
0x272: {  	s18 =	simm.s32 $0xF;
	[sflag:s17] =	ssyncadd.s32 $0xFFFFF800  }
0x273: {  	_ =	swait.ge [sflag:s18], $0x800  }
0x274: {  	[sflag:s18] =	ssyncset.done $0x0  }
0x275: {  	[sflag:s18] =	ssyncadd.s32 $0xFFFFF800  }
0x276: {  	_ =	swait.ge [sflag:s29], $0x800  }
0x277: {  	[sflag:s29] =	ssyncset.done $0x0  }
0x278: {  	s19 =	simm.s32 $0x11;
	[sflag:s29] =	ssyncadd.s32 $0xFFFFF800  }
0x279: {  	_ =	swait.ge [sflag:s19], $0x800  }
0x27a: {  	[sflag:s19] =	ssyncset.done $0x0  }
0x27b: {  	s20 =	simm.s32 $0x12;
	[sflag:s19] =	ssyncadd.s32 $0xFFFFF800  }
0x27c: {  	_ =	swait.ge [sflag:s20], $0x800  }
0x27d: {  	[sflag:s20] =	ssyncset.done $0x0  }
0x27e: {  	s21 =	simm.s32 $0x13;
	[sflag:s20] =	ssyncadd.s32 $0xFFFFF800  }
0x27f: {  	_ =	swait.ge [sflag:s21], $0x800  }
0x280: {  	[sflag:s21] =	ssyncset.done $0x0  }
0x281: {  	s22 =	simm.s32 $0x14;
	[sflag:s21] =	ssyncadd.s32 $0xFFFFF800  }
0x282: {  	_ =	swait.ge [sflag:s22], $0x800  }
0x283: {  	[sflag:s22] =	ssyncset.done $0x0  }
0x284: {  	s23 =	simm.s32 $0x15;
	[sflag:s22] =	ssyncadd.s32 $0xFFFFF800  }
0x285: {  	_ =	swait.ge [sflag:s23], $0x800  }
0x286: {  	[sflag:s23] =	ssyncset.done $0x0  }
0x287: {  	s24 =	simm.s32 $0x16;
	[sflag:s23] =	ssyncadd.s32 $0xFFFFF800  }
0x288: {  	_ =	swait.ge [sflag:s24], $0x800  }
0x289: {  	[sflag:s24] =	ssyncset.done $0x0  }
0x28a: {  	s25 =	simm.s32 $0x17;
	[sflag:s24] =	ssyncadd.s32 $0xFFFFF800  }
0x28b: {  	_ =	swait.ge [sflag:s25], $0x800  }
0x28c: {  	[sflag:s25] =	ssyncset.done $0x0  }
0x28d: {  	s26 =	simm.s32 $0x18;
	[sflag:s25] =	ssyncadd.s32 $0xFFFFF800  }
0x28e: {  	_ =	swait.ge [sflag:s26], $0x800  }
0x28f: {  	s28 =	rddreg [dreg:$0x18]  }
0x290: {  	s29 =	rddreg [dreg:$0x17];
	s2 =	sadd.s32 $0x1, s28  }
0x291: {  	p0 =	sne.s32 s2, s29  }
.Ltmp1:
0x292: {  	_ = 	snop;
	(pc) =	sbr.rel @p0 .LBB2_1-.Ltmp1, $3  }
0x293: {  	_ =	sdelay $0x1  }
0x294: {  	[sflag:s26] =	ssyncset.done $0x0  }
0x295: {  	s30 =	simm.s32 $0xC800;
	s31 =	simm.s32 $0xC000;
	[sflag:s26] =	ssyncadd.s32 $0xFFFFF800  }
0x296: {  	_ =	sfence.sel $0x180000  }
0x297: {  	[bflag:$0x0] =	sbarrier.arrive $0xFFFF  }
0x298: {  	_ =	strace $0x90000047  }
0x299: {  	s0 =	stileid.u32;
	[bflag:$0x2] =	sbarrier.arrive $0xFFFF  }
0x29a: {  	p0 =	sne.s32 s0, $0x0;
	s0 =	rddreg [dreg:$0x2]  }
0x29b: {  	s0 =	sadd.s32 @!p0 $0x100000, s0  }
0x29c: {  	[sflag:s0] =	ssyncadd.tile.s32 @!p0 $0x1;
	_ =	shalt  }
.Lfunc_end2:
_tile_overlayer_lowered:
.L_overlay_start_2:
0x29d: {  	(tag) =	ssettag $0x2  }
0x29e: {  	s0 =	rddreg [dreg:$0x0];
	s2 =	stileid.u32  }
0x29f: {  	s1 =	rddreg [dreg:$0x1];
	p0 =	sne.s32 s2, $0x0  }
0x2a0: {  	s3 =	rddreg [dreg:$0x2];
	[bflag:$0x3] =	sbarrier.arrive $0xFFFF;
	s2 =	simm.s32 @!p0 $0x1C19  }
0x2a1: {  	[timem:s3], [sflag:s2] =	dma.local @!p0 [hbm:s0], s1  }
0x2a2: {  	s0 =	simm.s32 @!p0 $0x19  }
0x2a3: {  	_ =	swait.ge @!p0 [sflag:s0], s1  }
0x2a4: {  	s1 =	ssub.s32 @!p0 $0x0, s1;
	[sflag:s0] =	ssyncset.done @!p0 $0x0  }
0x2a5: {  	[sflag:s0] =	ssyncadd.s32 @!p0 s1  }
0x2a6: {  	[bflag:$0x3] =	sbarrier.arrive $0xFFFF  }
0x2a7: {  	_ =	shalt  }

// kernel: sparse-core-data-format-call.cloned.1.call-start
scs
called_computation_lowered:
.L_overlay_start_0:
0x0: {  	s2 =	sld [smem:$0x3FD9]  }
0x1: {  	s3 =	sld [smem:$0x3FFE];
	_ =	sdelay $0x1  }
0x2: {  	s1 =	srdreg.scid  }
0x3: {  	s0 =	sand.u32 $0x1, s1  }
0x4: {  	s18 =	sshll.u32 s0, $0xA;
	s2 =	sadd.s32 s3, s2  }
0x5: {  	s2 =	sadd.s32 s2, s18  }
0x6: {  	[smem:$0x3FB4] =	sst s2  }
0x7: {  	_ = 	snop  }
0x8: {  	s2 =	sld [smem:$0x3FD0];
	(tm) =	ssettm $0x1  }
0x9: {  	s19 =	sld [smem:$0x3FFB];
	_ =	sdelay $0x3  }
0xa: {  	_ =	strace s19  }
0xb: {  	s3 =	sld [smem:$0x3FFC];
	_ =	sdelay $0x3  }
0xc: {  	_ =	strace s3  }
0xd: {  	s3 =	sld [smem:$0x3FFD];
	_ =	sdelay $0x3  }
0xe: {  	_ =	strace s3  }
0xf: {  	_ =	strace $0x8FFFFFFF  }
0x10: {  	s20 =	sld [smem:$0x3FDB];
	_ =	sdelay $0x1  }
0x11: {  	s4 =	simm.s32 $_scs_section_size  }
0x12: {  	s5 =	simm.s32 $_size__tile_overlayer_lowered;
	s6 =	simm.s32 $_tile_overlayer_lowered  }
0x13: {  	s23 =	simm.s32 $0x1BFF;
	s22 =	sshll.u32 s6, $0x1;
	s3 =	sadd.s32 s4, s20  }
0x14: {  	s7 =	simm.s32 $0x0;
	s21 =	sshll.u32 s5, $0x1;
	s5 =	sadd.s32 s22, s3  }
0x15: {  	[timem:s7], [sflag:s23] =	dma.local [hbm:s5], s21  }
0x16: {  	_ =	swait.ge [sflag:s23], s21  }
0x17: {  	s4 =	ssub.s32 $0x0, s21;
	[sflag:s23] =	ssyncset.done $0x0  }
0x18: {  	[sflag:s23] =	ssyncadd.s32 s4;
	_ =	sdelay $0x1  }
0x19: {  	s24 =	simm.s32 $0x1B8B  }
0x1a: {  	_ =	swait.ge [sflag:s24], $0x1  }
0x1b: {  	[sflag:s24] =	ssyncset.done $0x0  }
0x1c: {  	s26 =	simm.s32 $0x1B8E;
	s25 =	sld [smem:$0x3FFE];
	[sflag:s24] =	ssyncadd.s32 $0xFFFFFFFF  }
0x1d: {  	s27 =	simm.s32 $execute0_lowered;
	[smem:$0x3FD2] =	sst s26  }
0x1e: {  	s5 =	sshll.u32 s27, $0x1;
	_ =	strace $0x80000049;
	[dreg:$0x1] =	wrdreg $0xFFFFFFFF  }
0x1f: {  	s28 =	simm.s32 $_size_execute0_lowered;
	s3 =	sadd.s32 s3, s5;
	[dreg:$0x0] =	wrdreg $0x0  }
0x20: {  	s5 =	sshll.u32 s28, $0x1;
	[dreg:$0x2] =	wrdreg s3  }
0x21: {  	[dreg:$0x3] =	wrdreg s5  }
0x22: {  	[dreg:$0x4] =	wrdreg $0xC0  }
0x23: {  	_ =	task [dreg:s7], $0x5FFFF  }
0x24: {  	[dreg:$0x1] =	wrdreg $0xFFFFFFFF  }
0x25: {  	[dreg:$0x0] =	wrdreg $0x60  }
0x26: {  	[dreg:$0x2] =	wrdreg s25  }
0x27: {  	[dreg:$0x3] =	wrdreg s2  }
0x28: {  	[dreg:$0x4] =	wrdreg $0x9  }
0x29: {  	_ =	task.clear_ibuf [dreg:s7], $0x5FFFF;
	_ =	strace $0x90000049  }
0x2a: {  	s29 =	simm.s32 $0x9;
	_ =	strace $0x8000004B  }
0x2b: {  	_ =	swait.ge [sflag:s29], $0x1  }
0x2c: {  	[sflag:s29] =	ssyncadd.s32 $0xFFFFFFFF  }
0x2d: {  	_ =	strace $0x9000004B  }
0x2e: {  	_ =	sfence  }
0x2f: {  	s30 =	sld [smem:$0x0];
	_ =	sdelay $0x2  }
0x30: {  	s31 =	sshll.u32 s1, $0xD;
	s1 =	sshrl.u32 s1, $0x2  }
0x31: {  	s3 =	sand.u32 $0x4000, s31;
	s1 =	sadd.s32 s1, s30  }
0x32: {  	s0 =	sor.u32 s3, s0;
	s1 =	sshll.u32 s1, $0x11  }
0x33: {  	s0 =	sor.u32 s1, s0  }
0x34: {  	s0 =	sadd.s32 $0x8F2B, s0  }
0x35: {  	[sflag:s0] =	ssyncadd.remote.s32 $0x1  }
0x36: {  	_ =	sfence.sel $0xFFFF  }
0x37: {  	[dreg:$0x0] =	wrdreg $0xFFFFFFFF;
	(pc) =	sbr.abs _section_cstart, $3  }
0x38: {  	[dreg:$0x1] =	wrdreg $0xFFFFFFFF  }
0x39: {  	_ =	task.clear_ibuf [dreg:s7], $0x2FFFF;
	_ =	strace $0x9FFFFFFF  }
0x3a: {  	(tm) =	ssettm $0x7FFFFFFF  }
0x3b: {  	_ =	shalt  }
tec
execute0_lowered:
.L_overlay_start_1:
0x0: {  	(tag) =	ssettag $0x1  }
0x1: {  	s0 =	srdreg.scid  }
0x2: {  	s1 =	sshll.u32 s0, $0x4  }
0x3: {  	s0 =	stileid.u32;
	s1 =	sand.u32 $0x10, s1  }
0x4: {  	s1 =	sor.u32 s0, s1  }
0x5: {  	s6 =	rddreg [dreg:$0x0];
	s4 =	simm.s32 $0x1;
	s2 =	sshll.u32 s1, $0x6  }
0x6: {  	s7 =	simm.s32 $0x2;
	s13 =	simm.s32 $0x0;
	s1 =	ssub.s32 $0x4000, s2  }
0x7: {  	s8 =	simm.s32 $0x2000;
	s9 =	simm.s32 $0x200000;
	s3 =	sand.u32 $0x7C0, s1  }
0x8: {  	s14 =	simm.s32 $0x0;
	s5 =	sshrl.u32 s1, $0xB;
	p0 =	sne.s32 s3, $0x0  }
.Ltmp0:
0x9: {  	s1 =	rddreg [dreg:$0x2];
	s4 =	simm.s32 @!p0 $0x0;
	(pc) =	sbr.rel .LBB1_1-.Ltmp0, $4  }
0xa: {  	s10 =	simm.s32 $0x0;
	s3 =	rddreg [dreg:$0x1];
	s5 =	sadd.s32 s4, s5  }
0xb: {  	_ =	strace $0x8000004A;
	s4 =	simm.s32 $0x1;
	s5 =	smul.u32 $0x19, s5  }
0xc: {  	s12 =	simm.s32 $0x0;
	s6 =	sadd.s32 $0x6000, s6;
	[sflag:s4] =	ssyncpa.u1 $0x0  }
0xd: {  	s11 =	smov.u32 s2;
	[sflag:s7] =	ssyncpa.u1 $0x0;
	s7 =	sadd.s32 $0x1, s5  }
.LBB1_7:
0xe: {  	s15 =	sadd.s32 $0x2, s10  }
0xf: {  	s13 =	sadd.s32 $0x800, s11;
	s17 =	smov.u32 s11;
	p1 =	sgt.s32 s15, $0x31  }
0x10: {  	s17 =	smov.u32 @p1 s13  }
0x11: {  	s15 =	simm.s32 @p1 $0x0;
	p1 =	sgt.s32 s17, $0x3FFF  }
0x12: {  	s17 =	smov.u32 @p1 s2;
	p1 =	sne.s32 s12, s7  }
.Ltmp1:
0x13: {  	p0 =	slt.u32 s12, $0x2;
	(pc) =	sbr.rel @!p1 .LBB1_8-.Ltmp1, $4  }
0x14: {  	s16 =	simm.s32 @!p0 $0x2  }
0x15: {  	s14 =	smov.u32 s11;
	_ =	swait.ge @!p0 [sflag:s16], $0x4000  }
0x16: {  	s13 =	smov.u32 s10;
	[sflag:s16] =	ssyncset.done @!p0 $0x0;
	s10 =	smov.u32 s15  }
0x17: {  	s12 =	sadd.s32 $0x1, s12;
	[sflag:s16] =	ssyncadd.s32 @!p0 $0xFFFFC000;
	s11 =	smov.u32 s17  }
.LBB1_1:
0x18: {  	p0 =	sge.u32 s12, s5  }
0x19: {  	s15 =	sand.u32 @!p0 $0x1FFFFFF, s10  }
0x1a: {  	s16 =	smulhi.u32 @!p0 $0x4924925, s15;
	_ =	sdelay $0x1  }
0x1b: {  	s16 =	smul.u32 @!p0 $0x38, s16  }
0x1c: {  	s17 =	sxor.u32 @!p0 $0xFFFFFFFF, s12;
	s18 =	smul.u32 @!p0 $0x380, s11  }
0x1d: {  	s31 =	sadd.s32 $0xFFFFFFFF, s12;
	s17 =	sshll.u32 @!p0 s17, $0xE;
	s15 =	ssub.s32 @!p0 s15, s16  }
0x1e: {  	s16 =	sand.u32 @!p0 $0x4000, s17;
	s17 =	sadd.s32 @!p0 s6, s18;
	s15 =	sshll.u32 @!p0 s15, $0x4  }
0x1f: {  	s18 =	simm.s32 @!p0 $0x1C00;
	s15 =	sadd.s32 @!p0 s15, s17;
	s17 =	simm.s32 @!p0 $0x100  }
0x20: {  	[tilespmem:s16], [sflag:$0x1] =	stream.strided.gather @!p0 [hbm4b:s15+s17], $0x4000, s18, s17, $0x38;
	[tilespmem:$0x10000] =	vst v63  }
0x21: {  	p0 =	sge.u32 s31, s5  }
.Ltmp2:
0x22: {  	_ = 	snop;
	(pc) =	sbr.rel @p0 .LBB1_7-.Ltmp2, $1  }
0x23: {  	_ =	sdelay $0x3  }
0x24: {  	_ =	swait.ge [sflag:s4], $0x4000;
	s15 =	sshll.u32 s12, $0xE  }
0x25: {  	[sflag:s4] =	ssyncset.done $0x0;
	s16 =	sand.u32 $0x4000, s15  }
0x26: {  	s17 =	simm.s32 $0x0;
	[sflag:s4] =	ssyncadd.s32 $0xFFFFC000;
	s15 =	sor.u32 $0x8000, s16  }
.LBB1_3:
0x27: {  	s18 =	sshll.u32 s17, $0x8  }
0x28: {  	s18 =	sand.u32 $0x3FFFFF00, s18  }
0x29: {  	s19 =	sshll.u32 s17, $0x7;
	s18 =	sadd.s32 s18, s16  }
0x2a: {  	s19 =	sand.u32 $0x3FFFFF80, s19;
	v0 =	vmov s18  }
0x2b: {  	s19 =	sadd.s32 s19, s15  }
0x2c: {  	p0 =	por $0x1, $0x1;
	v1 =	vmov s19;
	s18 =	simm.s32 $0x0  }
.LBB1_4:
0x2d: {  	s19 =	sshll.u32 s18, $0x7  }
0x2e: {  	s19 =	sand.u32 $0x3FFFFF80, s19  }
0x2f: {  	v2 =	vld.idx.msk [tilespmem:v0+s19+$0x0 ss:$0x1], $0xffff  }
0x30: {  	v3 =	vld.idx.msk [tilespmem:v0+s19+$0x10 ss:$0x1], $0xffff  }
0x31: {  	v4 =	vld.idx.msk [tilespmem:v0+s19+$0x20 ss:$0x1], $0xffff  }
0x32: {  	s31 =	sshll.u32 s18, $0xD;
	v5 =	vld.idx.msk [tilespmem:v0+s19+$0x30 ss:$0x1], $0xffff  }
0x33: {  	s18 =	sand.u32 $0x3FFFE000, s31;
	v6 =	vld.idx.msk [tilespmem:v0+s19+$0x40 ss:$0x1], $0xffff  }
0x34: {  	v63 =	vld.idx.msk [tilespmem:v0+s19+$0x70 ss:$0x1], $0xffff;
	[tilespmem:v1+s18+$0x0 ss:$0x1] =	vst.idx.msk $0xffff, v2  }
0x35: {  	v2 =	vld.idx.msk [tilespmem:v0+s19+$0x50 ss:$0x1], $0xffff;
	[tilespmem:v1+s18+$0x10 ss:$0x1] =	vst.idx.msk $0xffff, v3  }
0x36: {  	p1 =	por p0, p0;
	v3 =	vld.idx.msk [tilespmem:v0+s19+$0x60 ss:$0x1], $0xffff;
	[tilespmem:v1+s18+$0x20 ss:$0x1] =	vst.idx.msk $0xffff, v4  }
.Ltmp3:
0x37: {  	[tilespmem:v1+s18+$0x30 ss:$0x1] =	vst.idx.msk $0xffff, v5;
	(pc) =	sbr.rel @p1 .LBB1_4-.Ltmp3, $4  }
0x38: {  	[tilespmem:v1+s18+$0x40 ss:$0x1] =	vst.idx.msk $0xffff, v6  }
0x39: {  	[tilespmem:v1+s18+$0x70 ss:$0x1] =	vst.idx.msk $0xffff, v63  }
0x3a: {  	[tilespmem:v1+s18+$0x50 ss:$0x1] =	vst.idx.msk $0xffff, v2  }
0x3b: {  	p0 =	por $0x0, $0x0;
	[tilespmem:v1+s18+$0x60 ss:$0x1] =	vst.idx.msk $0xffff, v3;
	s18 =	simm.s32 $0x1  }
0x3c: {  	s17 =	sadd.s32 $0x1, s17  }
0x3d: {  	p0 =	sne.s32 s17, $0x40  }
.Ltmp4:
0x3e: {  	_ = 	snop;
	(pc) =	sbr.rel @p0 .LBB1_3-.Ltmp4, $1  }
0x3f: {  	_ =	sdelay $0x3  }
.Ltmp5:
0x40: {  	s14 =	sshll.u32 s14, $0x4;
	(pc) =	sbr.rel .LBB1_7-.Ltmp5, $4  }
0x41: {  	s14 =	sand.u32 $0x3FFF0, s14  }
0x42: {  	s13 =	sshll.u32 s13, $0x12;
	s14 =	sadd.s32 s3, s14  }
0x43: {  	s13 =	sadd.s32 s13, s14  }
0x44: {  	[hbm4b:s13+s8] =	stream.strided.scatter [tilespmem:s15], [sflag:$0x2], $0x4000, s9, s8, $0x38;
	[tilespmem:$0x10000] =	vst v63  }
.LBB1_8:
0x45: {  	_ =	sfence.sel $0x180000  }
0x46: {  	s2 =	simm.s32 $0x1;
	[bflag:$0x0] =	sbarrier.arrive $0xFFFF  }
0x47: {  	s31 =	simm.s32 $0x2;
	[sflag:s2] =	ssyncpa.u1 $0x1  }
0x48: {  	[sflag:s31] =	ssyncpa.u1 $0x1  }
0x49: {  	p0 =	sne.s32 s0, $0x0;
	_ =	strace $0x9000004A  }
0x4a: {  	s0 =	sadd.s32 @!p0 $0x100000, s1;
	[bflag:$0x2] =	sbarrier.arrive $0xFFFF  }
0x4b: {  	[sflag:s0] =	ssyncadd.tile.s32 @!p0 $0x1;
	_ =	shalt  }
.Lfunc_end1:
_tile_overlayer_lowered:
.L_overlay_start_2:
0x4c: {  	(tag) =	ssettag $0x2  }
0x4d: {  	s0 =	rddreg [dreg:$0x0];
	s2 =	stileid.u32  }
0x4e: {  	s1 =	rddreg [dreg:$0x1];
	p0 =	sne.s32 s2, $0x0  }
0x4f: {  	s3 =	rddreg [dreg:$0x2];
	[bflag:$0x3] =	sbarrier.arrive $0xFFFF;
	s2 =	simm.s32 @!p0 $0x1C01  }
0x50: {  	[timem:s3], [sflag:s2] =	dma.local @!p0 [hbm:s0], s1  }
0x51: {  	s0 =	simm.s32 @!p0 $0x1  }
0x52: {  	_ =	swait.ge @!p0 [sflag:s0], s1  }
0x53: {  	s1 =	ssub.s32 @!p0 $0x0, s1;
	[sflag:s0] =	ssyncset.done @!p0 $0x0  }
0x54: {  	[sflag:s0] =	ssyncadd.s32 @!p0 s1  }
0x55: {  	[bflag:$0x3] =	sbarrier.arrive $0xFFFF  }
0x56: {  	_ =	shalt  }

</sc_bundles>
